<compile_context>
chip_gen: v7x
topology: tpu7x:2x2x1
jax: 0.10.2.dev20260603
libtpu: 0.0.44.dev20260713+nightly
codegen_flags: <defaults>
</compile_context>

<pallas_src>
import functools

import jax
import jax.numpy as jnp
from jax import lax
from jax.experimental import pallas as pl
from jax.experimental.pallas import tpu as pltpu
from jax.experimental.pallas import tpu_sc as plsc

_B, _L, _D = 32, 2048, 1024
_RPW = 2

_mesh = plsc.VectorSubcoreMesh(
    core_axis_name="c", subcore_axis_name="s", num_cores=1
)


@functools.partial(
    pl.kernel,
    mesh=_mesh,
    out_type=jax.ShapeDtypeStruct((_B, _D), jnp.float32),
    scratch_types=[
        pltpu.VMEM((16,), jnp.int32),
        pltpu.VMEM((1, _D), jnp.float32),
        pltpu.VMEM((1, _D), jnp.float32),
        pltpu.VMEM((1, _D), jnp.float32),
        pltpu.VMEM((1, _D), jnp.float32),
        pltpu.SemaphoreType.DMA,
        pltpu.SemaphoreType.DMA,
    ],
)
def _pooler(
    wt_hbm, mut_hbm, idx_hbm, out_hbm,
    idx_v, wt_v0, wt_v1, mut_v0, mut_v1, sem1, sem2,
):
    w = lax.axis_index("s")
    pltpu.sync_copy(idx_hbm.at[w], idx_v)
    sems = (sem1, sem2)
    wt_vs = (wt_v0, wt_v1)
    mut_vs = (mut_v0, mut_v1)
    gathers = []
    for j in range(_RPW):
        idx1 = idx_v.at[pl.ds(8 * j, 1)]
        gathers.append((
            pltpu.async_copy(wt_hbm.at[idx1], wt_vs[j], sems[j]),
            pltpu.async_copy(mut_hbm.at[idx1], mut_vs[j], sems[j]),
        ))
    outs = []
    for j in range(_RPW):
        gathers[j][0].wait()
        gathers[j][1].wait()
        for k in range(_D // 16):
            sl = pl.ds(k * 16, 16)
            wt_vs[j][0, sl] = wt_vs[j][0, sl] + mut_vs[j][0, sl]
        outs.append(
            pltpu.async_copy(
                wt_vs[j],
                out_hbm.at[pl.ds(w * _RPW + j, 1)],
                sems[j],
            )
        )
    for cp in outs:
        cp.wait()


def kernel(wt_embedding, mut_embedding, positions):
    flat = jnp.arange(_B, dtype=jnp.int32) * _L + positions.astype(jnp.int32)
    idx16 = jnp.pad(
        flat.reshape(_B // _RPW, _RPW, 1), ((0, 0), (0, 0), (0, 7))
    ).reshape(_B // _RPW, 16)
    wt = wt_embedding.reshape(_B * _L, _D)
    mut = mut_embedding.reshape(_B * _L, _D)
    return _pooler(wt, mut, idx16)

# --- scband reference (transcript-rebuilt; emitter-appended) ---
"""Pipeline reference for scband-single-mutation-pooler-48661979464176 (READ-ONLY COPY).

The authoritative reference and input builder live on the scoring server;
editing this copy changes nothing except your own understanding.
"""

import jax, jax.numpy as jnp
import numpy as np

B, L, D = 32, 2048, 1024

def setup_inputs(seed: int = 0) -> dict:
    key = jax.random.key(seed)
    k1, k2, k3 = jax.random.split(key, 3)
    wt_embedding = jax.random.normal(k1, (B, L, D), dtype=jnp.float32)
    mut_embedding = jax.random.normal(k2, (B, L, D), dtype=jnp.float32)
    positions = jax.random.randint(k3, (B,), 0, L, dtype=jnp.int64)
    return {"wt_embedding": wt_embedding, "mut_embedding": mut_embedding, "positions": positions}

def reference(wt_embedding, mut_embedding, positions):
    b, l, d = wt_embedding.shape
    # positions.view(-1,1).unsqueeze(2).repeat(1,1,D) -> indices of shape [B,1,D]
    idx = jnp.broadcast_to(positions.reshape(-1, 1)[:, :, None], (b, 1, d))
    wt_residues = jnp.take_along_axis(wt_embedding, idx, axis=1).squeeze(1)
    mut_residues = jnp.take_along_axis(mut_embedding, idx, axis=1).squeeze(1)
    return wt_residues + mut_residues

if __name__ == "__main__":
    import jax
    _d = setup_inputs()
    print(jax.jit(kernel)(*tuple(_d.values())))

</pallas_src>

<mosaic_0001>
#map = affine_map<(d0, d1) -> (0, 0)>
module attributes {stable_mosaic.version = 14 : i64} {
  func.func @_pooler(%arg0: i32, %arg1: i32, %arg2: memref<65536x1024xf32, #tpu.memory_space<hbm>>, %arg3: memref<65536x1024xf32, #tpu.memory_space<hbm>>, %arg4: memref<16x16xi32, #tpu.memory_space<hbm>>, %arg5: memref<32x1024xf32, #tpu.memory_space<hbm>>, %arg6: memref<16xi32, #tpu.memory_space<vmem>>, %arg7: memref<1x1024xf32, #tpu.memory_space<vmem>>, %arg8: memref<1x1024xf32, #tpu.memory_space<vmem>>, %arg9: memref<1x1024xf32, #tpu.memory_space<vmem>>, %arg10: memref<1x1024xf32, #tpu.memory_space<vmem>>, %arg11: memref<!tpu.dma_semaphore, #tpu.memory_space<semaphore_mem>>, %arg12: memref<!tpu.dma_semaphore, #tpu.memory_space<semaphore_mem>>) attributes {dimension_semantics = [#tpu.dimension_semantics<core_parallel>, #tpu.dimension_semantics<subcore_parallel>], iteration_bounds = array<i64: 1, 16>, scalar_prefetch = 0 : i64, scratch_operands = 7 : i64, tpu.core_type = #tpu.core_type<sc_vector_subcore>, window_params = [{transform_indices = #map}, {transform_indices = #map}, {transform_indices = #map}, {transform_indices = #map}]} {
    "tpu.region"() ({
      %run_scoped3A = tpu.sem_alloc : memref<!tpu.dma_semaphore, #tpu.memory_space<semaphore_mem>>
      %dma_start3A_2234 = arith.constant 0 : i32
      %dma_start3A_2235 = tpu.memref_slice %arg4[%arg1, %dma_start3A_2234] : memref<16x16xi32, #tpu.memory_space<hbm>> -> memref<1x16xi32, #tpu.memory_space<hbm>>
      %dma_start3A_2236 = tpu.memref_squeeze %dma_start3A_2235 : memref<1x16xi32, #tpu.memory_space<hbm>> -> memref<16xi32, #tpu.memory_space<hbm>>
      %dma_start3A_2237 = arith.constant 0 : i32
      %dma_start3A_2238 = tpu.memref_slice %arg4[%arg1, %dma_start3A_2237] : memref<16x16xi32, #tpu.memory_space<hbm>> -> memref<1x16xi32, #tpu.memory_space<hbm>>
      %dma_start3A_2239 = tpu.memref_squeeze %dma_start3A_2238 : memref<1x16xi32, #tpu.memory_space<hbm>> -> memref<16xi32, #tpu.memory_space<hbm>>
      tpu.enqueue_dma source(%dma_start3A_2239 : memref<16xi32, #tpu.memory_space<hbm>>) target(%arg6 : memref<16xi32, #tpu.memory_space<vmem>>) target_semaphore(%run_scoped3A : memref<!tpu.dma_semaphore, #tpu.memory_space<semaphore_mem>>)
      %dma_wait3A_2240 = arith.constant 0 : i32
      %dma_wait3A_2241 = tpu.memref_slice %arg4[%arg1, %dma_wait3A_2240] : memref<16x16xi32, #tpu.memory_space<hbm>> -> memref<1x16xi32, #tpu.memory_space<hbm>>
      %dma_wait3A_2242 = tpu.memref_squeeze %dma_wait3A_2241 : memref<1x16xi32, #tpu.memory_space<hbm>> -> memref<16xi32, #tpu.memory_space<hbm>>
      %dma_wait3A_2243 = arith.constant 0 : i32
      %dma_wait3A_2244 = tpu.memref_slice %arg4[%arg1, %dma_wait3A_2243] : memref<16x16xi32, #tpu.memory_space<hbm>> -> memref<1x16xi32, #tpu.memory_space<hbm>>
      %dma_wait3A_2245 = tpu.memref_squeeze %dma_wait3A_2244 : memref<1x16xi32, #tpu.memory_space<hbm>> -> memref<16xi32, #tpu.memory_space<hbm>>
      tpu.wait_dma2 semaphore(%run_scoped3A : memref<!tpu.dma_semaphore, #tpu.memory_space<semaphore_mem>>) src(%dma_wait3A_2245 : memref<16xi32, #tpu.memory_space<hbm>>) dst(%arg6 : memref<16xi32, #tpu.memory_space<vmem>>)
      tpu.yield
    }) : () -> ()
    %dma_start3A = arith.constant 0 : i32
    %dma_start3A_0 = tpu.memref_slice %arg6[%dma_start3A] : memref<16xi32, #tpu.memory_space<vmem>> -> memref<1xi32, #tpu.memory_space<vmem>>
    %dma_start3A_1 = arith.constant 0 : i32
    %dma_start3A_2 = arith.constant 0 : i32
    %dma_start3A_3 = tpu.memref_slice %arg2[%dma_start3A_1, %dma_start3A_2] : memref<65536x1024xf32, #tpu.memory_space<hbm>> -> memref<65536x1024xf32, #tpu.memory_space<hbm>>
    tpu.enqueue_indirect_dma source(%dma_start3A_3 : memref<65536x1024xf32, #tpu.memory_space<hbm>>) target(%arg7 : memref<1x1024xf32, #tpu.memory_space<vmem>>) offsets(%dma_start3A_0 : memref<1xi32, #tpu.memory_space<vmem>>) semaphore(%arg11 : memref<!tpu.dma_semaphore, #tpu.memory_space<semaphore_mem>>)
    %dma_start3A_4 = arith.constant 0 : i32
    %dma_start3A_5 = tpu.memref_slice %arg6[%dma_start3A_4] : memref<16xi32, #tpu.memory_space<vmem>> -> memref<1xi32, #tpu.memory_space<vmem>>
    %dma_start3A_6 = arith.constant 0 : i32
    %dma_start3A_7 = arith.constant 0 : i32
    %dma_start3A_8 = tpu.memref_slice %arg3[%dma_start3A_6, %dma_start3A_7] : memref<65536x1024xf32, #tpu.memory_space<hbm>> -> memref<65536x1024xf32, #tpu.memory_space<hbm>>
    tpu.enqueue_indirect_dma source(%dma_start3A_8 : memref<65536x1024xf32, #tpu.memory_space<hbm>>) target(%arg9 : memref<1x1024xf32, #tpu.memory_space<vmem>>) offsets(%dma_start3A_5 : memref<1xi32, #tpu.memory_space<vmem>>) semaphore(%arg11 : memref<!tpu.dma_semaphore, #tpu.memory_space<semaphore_mem>>)
    %dma_start3A_9 = arith.constant 8 : i32
    %dma_start3A_10 = tpu.memref_slice %arg6[%dma_start3A_9] : memref<16xi32, #tpu.memory_space<vmem>> -> memref<1xi32, #tpu.memory_space<vmem>>
    %dma_start3A_11 = arith.constant 0 : i32
    %dma_start3A_12 = arith.constant 0 : i32
    %dma_start3A_13 = tpu.memref_slice %arg2[%dma_start3A_11, %dma_start3A_12] : memref<65536x1024xf32, #tpu.memory_space<hbm>> -> memref<65536x1024xf32, #tpu.memory_space<hbm>>
    tpu.enqueue_indirect_dma source(%dma_start3A_13 : memref<65536x1024xf32, #tpu.memory_space<hbm>>) target(%arg8 : memref<1x1024xf32, #tpu.memory_space<vmem>>) offsets(%dma_start3A_10 : memref<1xi32, #tpu.memory_space<vmem>>) semaphore(%arg12 : memref<!tpu.dma_semaphore, #tpu.memory_space<semaphore_mem>>)
    %dma_start3A_14 = arith.constant 8 : i32
    %dma_start3A_15 = tpu.memref_slice %arg6[%dma_start3A_14] : memref<16xi32, #tpu.memory_space<vmem>> -> memref<1xi32, #tpu.memory_space<vmem>>
    %dma_start3A_16 = arith.constant 0 : i32
    %dma_start3A_17 = arith.constant 0 : i32
    %dma_start3A_18 = tpu.memref_slice %arg3[%dma_start3A_16, %dma_start3A_17] : memref<65536x1024xf32, #tpu.memory_space<hbm>> -> memref<65536x1024xf32, #tpu.memory_space<hbm>>
    tpu.enqueue_indirect_dma source(%dma_start3A_18 : memref<65536x1024xf32, #tpu.memory_space<hbm>>) target(%arg10 : memref<1x1024xf32, #tpu.memory_space<vmem>>) offsets(%dma_start3A_15 : memref<1xi32, #tpu.memory_space<vmem>>) semaphore(%arg12 : memref<!tpu.dma_semaphore, #tpu.memory_space<semaphore_mem>>)
    %dma_wait3A = arith.constant 0 : i32
    %dma_wait3A_19 = tpu.memref_slice %arg6[%dma_wait3A] : memref<16xi32, #tpu.memory_space<vmem>> -> memref<1xi32, #tpu.memory_space<vmem>>
    %dma_wait3A_20 = arith.constant 0 : i32
    %dma_wait3A_21 = arith.constant 0 : i32
    %dma_wait3A_22 = tpu.memref_slice %arg2[%dma_wait3A_20, %dma_wait3A_21] : memref<65536x1024xf32, #tpu.memory_space<hbm>> -> memref<65536x1024xf32, #tpu.memory_space<hbm>>
    tpu.wait_indirect_dma semaphore(%arg11 : memref<!tpu.dma_semaphore, #tpu.memory_space<semaphore_mem>>) src(%dma_wait3A_22 : memref<65536x1024xf32, #tpu.memory_space<hbm>>) dst(%arg7 : memref<1x1024xf32, #tpu.memory_space<vmem>>)
    %dma_wait3A_23 = arith.constant 0 : i32
    %dma_wait3A_24 = tpu.memref_slice %arg6[%dma_wait3A_23] : memref<16xi32, #tpu.memory_space<vmem>> -> memref<1xi32, #tpu.memory_space<vmem>>
    %dma_wait3A_25 = arith.constant 0 : i32
    %dma_wait3A_26 = arith.constant 0 : i32
    %dma_wait3A_27 = tpu.memref_slice %arg3[%dma_wait3A_25, %dma_wait3A_26] : memref<65536x1024xf32, #tpu.memory_space<hbm>> -> memref<65536x1024xf32, #tpu.memory_space<hbm>>
    tpu.wait_indirect_dma semaphore(%arg11 : memref<!tpu.dma_semaphore, #tpu.memory_space<semaphore_mem>>) src(%dma_wait3A_27 : memref<65536x1024xf32, #tpu.memory_space<hbm>>) dst(%arg9 : memref<1x1024xf32, #tpu.memory_space<vmem>>)
    %get3A = arith.constant 0 : i32
    %get3A_28 = arith.index_cast %get3A : i32 to index
    %get3A_29 = arith.constant 0 : index
    %get3A_30 = tpu.vector_load %arg7[%get3A_28, %get3A_29] {strides = array<i32>} : memref<1x1024xf32, #tpu.memory_space<vmem>>, vector<1x16xf32>,
    %get3A_31 = vector.shape_cast %get3A_30 : vector<1x16xf32> to vector<16xf32>
    %get3A_32 = arith.constant 0 : i32
    %get3A_33 = arith.index_cast %get3A_32 : i32 to index
    %get3A_34 = arith.constant 0 : index
    %get3A_35 = tpu.vector_load %arg9[%get3A_33, %get3A_34] {strides = array<i32>} : memref<1x1024xf32, #tpu.memory_space<vmem>>, vector<1x16xf32>,
    %get3A_36 = vector.shape_cast %get3A_35 : vector<1x16xf32> to vector<16xf32>
    %add3A = arith.addf %get3A_31, %get3A_36 : vector<16xf32>
    %swap3A = arith.constant 0 : i32
    %swap3A_37 = arith.index_cast %swap3A : i32 to index
    %swap3A_38 = arith.constant 0 : index
    %swap3A_39 = tpu.vector_load %arg7[%swap3A_37, %swap3A_38] {strides = array<i32>} : memref<1x1024xf32, #tpu.memory_space<vmem>>, vector<1x16xf32>,
    %swap3A_40 = vector.shape_cast %swap3A_39 : vector<1x16xf32> to vector<16xf32>
    %swap3A_41 = vector.shape_cast %add3A : vector<16xf32> to vector<1x16xf32>
    tpu.vector_store %arg7[%swap3A_37, %swap3A_38], %swap3A_41 {strides = array<i32>} : memref<1x1024xf32, #tpu.memory_space<vmem>>, vector<1x16xf32>,
    %get3A_42 = arith.constant 0 : i32
    %get3A_43 = arith.index_cast %get3A_42 : i32 to index
    %get3A_44 = arith.constant 16 : index
    %get3A_45 = tpu.vector_load %arg7[%get3A_43, %get3A_44] {strides = array<i32>} : memref<1x1024xf32, #tpu.memory_space<vmem>>, vector<1x16xf32>,
    %get3A_46 = vector.shape_cast %get3A_45 : vector<1x16xf32> to vector<16xf32>
    %get3A_47 = arith.constant 0 : i32
    %get3A_48 = arith.index_cast %get3A_47 : i32 to index
    %get3A_49 = arith.constant 16 : index
    %get3A_50 = tpu.vector_load %arg9[%get3A_48, %get3A_49] {strides = array<i32>} : memref<1x1024xf32, #tpu.memory_space<vmem>>, vector<1x16xf32>,
    %get3A_51 = vector.shape_cast %get3A_50 : vector<1x16xf32> to vector<16xf32>
    %add3A_52 = arith.addf %get3A_46, %get3A_51 : vector<16xf32>
    %swap3A_53 = arith.constant 0 : i32
    %swap3A_54 = arith.index_cast %swap3A_53 : i32 to index
    %swap3A_55 = arith.constant 16 : index
    %swap3A_56 = tpu.vector_load %arg7[%swap3A_54, %swap3A_55] {strides = array<i32>} : memref<1x1024xf32, #tpu.memory_space<vmem>>, vector<1x16xf32>,
    %swap3A_57 = vector.shape_cast %swap3A_56 : vector<1x16xf32> to vector<16xf32>
    %swap3A_58 = vector.shape_cast %add3A_52 : vector<16xf32> to vector<1x16xf32>
    tpu.vector_store %arg7[%swap3A_54, %swap3A_55], %swap3A_58 {strides = array<i32>} : memref<1x1024xf32, #tpu.memory_space<vmem>>, vector<1x16xf32>,
    %get3A_59 = arith.constant 0 : i32
    %get3A_60 = arith.index_cast %get3A_59 : i32 to index
    %get3A_61 = arith.constant 32 : index
    %get3A_62 = tpu.vector_load %arg7[%get3A_60, %get3A_61] {strides = array<i32>} : memref<1x1024xf32, #tpu.memory_space<vmem>>, vector<1x16xf32>,
    %get3A_63 = vector.shape_cast %get3A_62 : vector<1x16xf32> to vector<16xf32>
    %get3A_64 = arith.constant 0 : i32
    %get3A_65 = arith.index_cast %get3A_64 : i32 to index
    %get3A_66 = arith.constant 32 : index
    %get3A_67 = tpu.vector_load %arg9[%get3A_65, %get3A_66] {strides = array<i32>} : memref<1x1024xf32, #tpu.memory_space<vmem>>, vector<1x16xf32>,
    %get3A_68 = vector.shape_cast %get3A_67 : vector<1x16xf32> to vector<16xf32>
    %add3A_69 = arith.addf %get3A_63, %get3A_68 : vector<16xf32>
    %swap3A_70 = arith.constant 0 : i32
    %swap3A_71 = arith.index_cast %swap3A_70 : i32 to index
    %swap3A_72 = arith.constant 32 : index
    %swap3A_73 = tpu.vector_load %arg7[%swap3A_71, %swap3A_72] {strides = array<i32>} : memref<1x1024xf32, #tpu.memory_space<vmem>>, vector<1x16xf32>,
    %swap3A_74 = vector.shape_cast %swap3A_73 : vector<1x16xf32> to vector<16xf32>
    %swap3A_75 = vector.shape_cast %add3A_69 : vector<16xf32> to vector<1x16xf32>
    tpu.vector_store %arg7[%swap3A_71, %swap3A_72], %swap3A_75 {strides = array<i32>} : memref<1x1024xf32, #tpu.memory_space<vmem>>, vector<1x16xf32>,
    %get3A_76 = arith.constant 0 : i32
    %get3A_77 = arith.index_cast %get3A_76 : i32 to index
    %get3A_78 = arith.constant 48 : index
    %get3A_79 = tpu.vector_load %arg7[%get3A_77, %get3A_78] {strides = array<i32>} : memref<1x1024xf32, #tpu.memory_space<vmem>>, vector<1x16xf32>,
    %get3A_80 = vector.shape_cast %get3A_79 : vector<1x16xf32> to vector<16xf32>
    %get3A_81 = arith.constant 0 : i32
    %get3A_82 = arith.index_cast %get3A_81 : i32 to index
    %get3A_83 = arith.constant 48 : index
    %get3A_84 = tpu.vector_load %arg9[%get3A_82, %get3A_83] {strides = array<i32>} : memref<1x1024xf32, #tpu.memory_space<vmem>>, vector<1x16xf32>,
    %get3A_85 = vector.shape_cast %get3A_84 : vector<1x16xf32> to vector<16xf32>
    %add3A_86 = arith.addf %get3A_80, %get3A_85 : vector<16xf32>
    %swap3A_87 = arith.constant 0 : i32
    %swap3A_88 = arith.index_cast %swap3A_87 : i32 to index
    %swap3A_89 = arith.constant 48 : index
    %swap3A_90 = tpu.vector_load %arg7[%swap3A_88, %swap3A_89] {strides = array<i32>} : memref<1x1024xf32, #tpu.memory_space<vmem>>, vector<1x16xf32>,
    %swap3A_91 = vector.shape_cast %swap3A_90 : vector<1x16xf32> to vector<16xf32>
    %swap3A_92 = vector.shape_cast %add3A_86 : vector<16xf32> to vector<1x16xf32>
    tpu.vector_store %arg7[%swap3A_88, %swap3A_89], %swap3A_92 {strides = array<i32>} : memref<1x1024xf32, #tpu.memory_space<vmem>>, vector<1x16xf32>,
    %get3A_93 = arith.constant 0 : i32
    %get3A_94 = arith.index_cast %get3A_93 : i32 to index
    %get3A_95 = arith.constant 64 : index
    %get3A_96 = tpu.vector_load %arg7[%get3A_94, %get3A_95] {strides = array<i32>} : memref<1x1024xf32, #tpu.memory_space<vmem>>, vector<1x16xf32>,
    %get3A_97 = vector.shape_cast %get3A_96 : vector<1x16xf32> to vector<16xf32>
    %get3A_98 = arith.constant 0 : i32
    %get3A_99 = arith.index_cast %get3A_98 : i32 to index
    %get3A_100 = arith.constant 64 : index
    %get3A_101 = tpu.vector_load %arg9[%get3A_99, %get3A_100] {strides = array<i32>} : memref<1x1024xf32, #tpu.memory_space<vmem>>, vector<1x16xf32>,
    %get3A_102 = vector.shape_cast %get3A_101 : vector<1x16xf32> to vector<16xf32>
    %add3A_103 = arith.addf %get3A_97, %get3A_102 : vector<16xf32>
    %swap3A_104 = arith.constant 0 : i32
    %swap3A_105 = arith.index_cast %swap3A_104 : i32 to index
    %swap3A_106 = arith.constant 64 : index
    %swap3A_107 = tpu.vector_load %arg7[%swap3A_105, %swap3A_106] {strides = array<i32>} : memref<1x1024xf32, #tpu.memory_space<vmem>>, vector<1x16xf32>,
    %swap3A_108 = vector.shape_cast %swap3A_107 : vector<1x16xf32> to vector<16xf32>
    %swap3A_109 = vector.shape_cast %add3A_103 : vector<16xf32> to vector<1x16xf32>
    tpu.vector_store %arg7[%swap3A_105, %swap3A_106], %swap3A_109 {strides = array<i32>} : memref<1x1024xf32, #tpu.memory_space<vmem>>, vector<1x16xf32>,
    %get3A_110 = arith.constant 0 : i32
    %get3A_111 = arith.index_cast %get3A_110 : i32 to index
    %get3A_112 = arith.constant 80 : index
    %get3A_113 = tpu.vector_load %arg7[%get3A_111, %get3A_112] {strides = array<i32>} : memref<1x1024xf32, #tpu.memory_space<vmem>>, vector<1x16xf32>,
    %get3A_114 = vector.shape_cast %get3A_113 : vector<1x16xf32> to vector<16xf32>
    %get3A_115 = arith.constant 0 : i32
    %get3A_116 = arith.index_cast %get3A_115 : i32 to index
    %get3A_117 = arith.constant 80 : index
    %get3A_118 = tpu.vector_load %arg9[%get3A_116, %get3A_117] {strides = array<i32>} : memref<1x1024xf32, #tpu.memory_space<vmem>>, vector<1x16xf32>,
    %get3A_119 = vector.shape_cast %get3A_118 : vector<1x16xf32> to vector<16xf32>
    %add3A_120 = arith.addf %get3A_114, %get3A_119 : vector<16xf32>
    %swap3A_121 = arith.constant 0 : i32
    %swap3A_122 = arith.index_cast %swap3A_121 : i32 to index
    %swap3A_123 = arith.constant 80 : index
    %swap3A_124 = tpu.vector_load %arg7[%swap3A_122, %swap3A_123] {strides = array<i32>} : memref<1x1024xf32, #tpu.memory_space<vmem>>, vector<1x16xf32>,
    %swap3A_125 = vector.shape_cast %swap3A_124 : vector<1x16xf32> to vector<16xf32>
    %swap3A_126 = vector.shape_cast %add3A_120 : vector<16xf32> to vector<1x16xf32>
    tpu.vector_store %arg7[%swap3A_122, %swap3A_123], %swap3A_126 {strides = array<i32>} : memref<1x1024xf32, #tpu.memory_space<vmem>>, vector<1x16xf32>,
    %get3A_127 = arith.constant 0 : i32
    %get3A_128 = arith.index_cast %get3A_127 : i32 to index
    %get3A_129 = arith.constant 96 : index
    %get3A_130 = tpu.vector_load %arg7[%get3A_128, %get3A_129] {strides = array<i32>} : memref<1x1024xf32, #tpu.memory_space<vmem>>, vector<1x16xf32>,
    %get3A_131 = vector.shape_cast %get3A_130 : vector<1x16xf32> to vector<16xf32>
    %get3A_132 = arith.constant 0 : i32
    %get3A_133 = arith.index_cast %get3A_132 : i32 to index
    %get3A_134 = arith.constant 96 : index
    %get3A_135 = tpu.vector_load %arg9[%get3A_133, %get3A_134] {strides = array<i32>} : memref<1x1024xf32, #tpu.memory_space<vmem>>, vector<1x16xf32>,
    %get3A_136 = vector.shape_cast %get3A_135 : vector<1x16xf32> to vector<16xf32>
    %add3A_137 = arith.addf %get3A_131, %get3A_136 : vector<16xf32>
    %swap3A_138 = arith.constant 0 : i32
    %swap3A_139 = arith.index_cast %swap3A_138 : i32 to index
    %swap3A_140 = arith.constant 96 : index
    %swap3A_141 = tpu.vector_load %arg7[%swap3A_139, %swap3A_140] {strides = array<i32>} : memref<1x1024xf32, #tpu.memory_space<vmem>>, vector<1x16xf32>,
    %swap3A_142 = vector.shape_cast %swap3A_141 : vector<1x16xf32> to vector<16xf32>
    %swap3A_143 = vector.shape_cast %add3A_137 : vector<16xf32> to vector<1x16xf32>
    tpu.vector_store %arg7[%swap3A_139, %swap3A_140], %swap3A_143 {strides = array<i32>} : memref<1x1024xf32, #tpu.memory_space<vmem>>, vector<1x16xf32>,
    %get3A_144 = arith.constant 0 : i32
    %get3A_145 = arith.index_cast %get3A_144 : i32 to index
    %get3A_146 = arith.constant 112 : index
    %get3A_147 = tpu.vector_load %arg7[%get3A_145, %get3A_146] {strides = array<i32>} : memref<1x1024xf32, #tpu.memory_space<vmem>>, vector<1x16xf32>,
    %get3A_148 = vector.shape_cast %get3A_147 : vector<1x16xf32> to vector<16xf32>
    %get3A_149 = arith.constant 0 : i32
    %get3A_150 = arith.index_cast %get3A_149 : i32 to index
    %get3A_151 = arith.constant 112 : index
    %get3A_152 = tpu.vector_load %arg9[%get3A_150, %get3A_151] {strides = array<i32>} : memref<1x1024xf32, #tpu.memory_space<vmem>>, vector<1x16xf32>,
    %get3A_153 = vector.shape_cast %get3A_152 : vector<1x16xf32> to vector<16xf32>
    %add3A_154 = arith.addf %get3A_148, %get3A_153 : vector<16xf32>
    %swap3A_155 = arith.constant 0 : i32
    %swap3A_156 = arith.index_cast %swap3A_155 : i32 to index
    %swap3A_157 = arith.constant 112 : index
    %swap3A_158 = tpu.vector_load %arg7[%swap3A_156, %swap3A_157] {strides = array<i32>} : memref<1x1024xf32, #tpu.memory_space<vmem>>, vector<1x16xf32>,
    %swap3A_159 = vector.shape_cast %swap3A_158 : vector<1x16xf32> to vector<16xf32>
    %swap3A_160 = vector.shape_cast %add3A_154 : vector<16xf32> to vector<1x16xf32>
    tpu.vector_store %arg7[%swap3A_156, %swap3A_157], %swap3A_160 {strides = array<i32>} : memref<1x1024xf32, #tpu.memory_space<vmem>>, vector<1x16xf32>,
    %get3A_161 = arith.constant 0 : i32
    %get3A_162 = arith.index_cast %get3A_161 : i32 to index
    %get3A_163 = arith.constant 128 : index
    %get3A_164 = tpu.vector_load %arg7[%get3A_162, %get3A_163] {strides = array<i32>} : memref<1x1024xf32, #tpu.memory_space<vmem>>, vector<1x16xf32>,
    %get3A_165 = vector.shape_cast %get3A_164 : vector<1x16xf32> to vector<16xf32>
    %get3A_166 = arith.constant 0 : i32
    %get3A_167 = arith.index_cast %get3A_166 : i32 to index
    %get3A_168 = arith.constant 128 : index
    %get3A_169 = tpu.vector_load %arg9[%get3A_167, %get3A_168] {strides = array<i32>} : memref<1x1024xf32, #tpu.memory_space<vmem>>, vector<1x16xf32>,
    %get3A_170 = vector.shape_cast %get3A_169 : vector<1x16xf32> to vector<16xf32>
    %add3A_171 = arith.addf %get3A_165, %get3A_170 : vector<16xf32>
    %swap3A_172 = arith.constant 0 : i32
    %swap3A_173 = arith.index_cast %swap3A_172 : i32 to index
    %swap3A_174 = arith.constant 128 : index
    %swap3A_175 = tpu.vector_load %arg7[%swap3A_173, %swap3A_174] {strides = array<i32>} : memref<1x1024xf32, #tpu.memory_space<vmem>>, vector<1x16xf32>,
    %swap3A_176 = vector.shape_cast %swap3A_175 : vector<1x16xf32> to vector<16xf32>
    %swap3A_177 = vector.shape_cast %add3A_171 : vector<16xf32> to vector<1x16xf32>
    tpu.vector_store %arg7[%swap3A_173, %swap3A_174], %swap3A_177 {strides = array<i32>} : memref<1x1024xf32, #tpu.memory_space<vmem>>, vector<1x16xf32>,
    %get3A_178 = arith.constant 0 : i32
    %get3A_179 = arith.index_cast %get3A_178 : i32 to index
    %get3A_180 = arith.constant 144 : index
    %get3A_181 = tpu.vector_load %arg7[%get3A_179, %get3A_180] {strides = array<i32>} : memref<1x1024xf32, #tpu.memory_space<vmem>>, vector<1x16xf32>,
    %get3A_182 = vector.shape_cast %get3A_181 : vector<1x16xf32> to vector<16xf32>
    %get3A_183 = arith.constant 0 : i32
    %get3A_184 = arith.index_cast %get3A_183 : i32 to index
    %get3A_185 = arith.constant 144 : index
    %get3A_186 = tpu.vector_load %arg9[%get3A_184, %get3A_185] {strides = array<i32>} : memref<1x1024xf32, #tpu.memory_space<vmem>>, vector<1x16xf32>,
    %get3A_187 = vector.shape_cast %get3A_186 : vector<1x16xf32> to vector<16xf32>
    %add3A_188 = arith.addf %get3A_182, %get3A_187 : vector<16xf32>
    %swap3A_189 = arith.constant 0 : i32
    %swap3A_190 = arith.index_cast %swap3A_189 : i32 to index
    %swap3A_191 = arith.constant 144 : index
    %swap3A_192 = tpu.vector_load %arg7[%swap3A_190, %swap3A_191] {strides = array<i32>} : memref<1x1024xf32, #tpu.memory_space<vmem>>, vector<1x16xf32>,
    %swap3A_193 = vector.shape_cast %swap3A_192 : vector<1x16xf32> to vector<16xf32>
    %swap3A_194 = vector.shape_cast %add3A_188 : vector<16xf32> to vector<1x16xf32>
    tpu.vector_store %arg7[%swap3A_190, %swap3A_191], %swap3A_194 {strides = array<i32>} : memref<1x1024xf32, #tpu.memory_space<vmem>>, vector<1x16xf32>,
    %get3A_195 = arith.constant 0 : i32
    %get3A_196 = arith.index_cast %get3A_195 : i32 to index
    %get3A_197 = arith.constant 160 : index
    %get3A_198 = tpu.vector_load %arg7[%get3A_196, %get3A_197] {strides = array<i32>} : memref<1x1024xf32, #tpu.memory_space<vmem>>, vector<1x16xf32>,
    %get3A_199 = vector.shape_cast %get3A_198 : vector<1x16xf32> to vector<16xf32>
    %get3A_200 = arith.constant 0 : i32
    %get3A_201 = arith.index_cast %get3A_200 : i32 to index
    %get3A_202 = arith.constant 160 : index
    %get3A_203 = tpu.vector_load %arg9[%get3A_201, %get3A_202] {strides = array<i32>} : memref<1x1024xf32, #tpu.memory_space<vmem>>, vector<1x16xf32>,
    %get3A_204 = vector.shape_cast %get3A_203 : vector<1x16xf32> to vector<16xf32>
    %add3A_205 = arith.addf %get3A_199, %get3A_204 : vector<16xf32>
    %swap3A_206 = arith.constant 0 : i32
    %swap3A_207 = arith.index_cast %swap3A_206 : i32 to index
    %swap3A_208 = arith.constant 160 : index
    %swap3A_209 = tpu.vector_load %arg7[%swap3A_207, %swap3A_208] {strides = array<i32>} : memref<1x1024xf32, #tpu.memory_space<vmem>>, vector<1x16xf32>,
    %swap3A_210 = vector.shape_cast %swap3A_209 : vector<1x16xf32> to vector<16xf32>
    %swap3A_211 = vector.shape_cast %add3A_205 : vector<16xf32> to vector<1x16xf32>
    tpu.vector_store %arg7[%swap3A_207, %swap3A_208], %swap3A_211 {strides = array<i32>} : memref<1x1024xf32, #tpu.memory_space<vmem>>, vector<1x16xf32>,
    %get3A_212 = arith.constant 0 : i32
    %get3A_213 = arith.index_cast %get3A_212 : i32 to index
    %get3A_214 = arith.constant 176 : index
    %get3A_215 = tpu.vector_load %arg7[%get3A_213, %get3A_214] {strides = array<i32>} : memref<1x1024xf32, #tpu.memory_space<vmem>>, vector<1x16xf32>,
    %get3A_216 = vector.shape_cast %get3A_215 : vector<1x16xf32> to vector<16xf32>
    %get3A_217 = arith.constant 0 : i32
    %get3A_218 = arith.index_cast %get3A_217 : i32 to index
    %get3A_219 = arith.constant 176 : index
    %get3A_220 = tpu.vector_load %arg9[%get3A_218, %get3A_219] {strides = array<i32>} : memref<1x1024xf32, #tpu.memory_space<vmem>>, vector<1x16xf32>,
    %get3A_221 = vector.shape_cast %get3A_220 : vector<1x16xf32> to vector<16xf32>
    %add3A_222 = arith.addf %get3A_216, %get3A_221 : vector<16xf32>
    %swap3A_223 = arith.constant 0 : i32
    %swap3A_224 = arith.index_cast %swap3A_223 : i32 to index
    %swap3A_225 = arith.constant 176 : index
    %swap3A_226 = tpu.vector_load %arg7[%swap3A_224, %swap3A_225] {strides = array<i32>} : memref<1x1024xf32, #tpu.memory_space<vmem>>, vector<1x16xf32>,
    %swap3A_227 = vector.shape_cast %swap3A_226 : vector<1x16xf32> to vector<16xf32>
    %swap3A_228 = vector.shape_cast %add3A_222 : vector<16xf32> to vector<1x16xf32>
    tpu.vector_store %arg7[%swap3A_224, %swap3A_225], %swap3A_228 {strides = array<i32>} : memref<1x1024xf32, #tpu.memory_space<vmem>>, vector<1x16xf32>,
    %get3A_229 = arith.constant 0 : i32
    %get3A_230 = arith.index_cast %get3A_229 : i32 to index
    %get3A_231 = arith.constant 192 : index
    %get3A_232 = tpu.vector_load %arg7[%get3A_230, %get3A_231] {strides = array<i32>} : memref<1x1024xf32, #tpu.memory_space<vmem>>, vector<1x16xf32>,
    %get3A_233 = vector.shape_cast %get3A_232 : vector<1x16xf32> to vector<16xf32>
    %get3A_234 = arith.constant 0 : i32
    %get3A_235 = arith.index_cast %get3A_234 : i32 to index
    %get3A_236 = arith.constant 192 : index
    %get3A_237 = tpu.vector_load %arg9[%get3A_235, %get3A_236] {strides = array<i32>} : memref<1x1024xf32, #tpu.memory_space<vmem>>, vector<1x16xf32>,
    %get3A_238 = vector.shape_cast %get3A_237 : vector<1x16xf32> to vector<16xf32>
    %add3A_239 = arith.addf %get3A_233, %get3A_238 : vector<16xf32>
    %swap3A_240 = arith.constant 0 : i32
    %swap3A_241 = arith.index_cast %swap3A_240 : i32 to index
    %swap3A_242 = arith.constant 192 : index
    %swap3A_243 = tpu.vector_load %arg7[%swap3A_241, %swap3A_242] {strides = array<i32>} : memref<1x1024xf32, #tpu.memory_space<vmem>>, vector<1x16xf32>,
    %swap3A_244 = vector.shape_cast %swap3A_243 : vector<1x16xf32> to vector<16xf32>
    %swap3A_245 = vector.shape_cast %add3A_239 : vector<16xf32> to vector<1x16xf32>
    tpu.vector_store %arg7[%swap3A_241, %swap3A_242], %swap3A_245 {strides = array<i32>} : memref<1x1024xf32, #tpu.memory_space<vmem>>, vector<1x16xf32>,
    %get3A_246 = arith.constant 0 : i32
    %get3A_247 = arith.index_cast %get3A_246 : i32 to index
    %get3A_248 = arith.constant 208 : index
    %get3A_249 = tpu.vector_load %arg7[%get3A_247, %get3A_248] {strides = array<i32>} : memref<1x1024xf32, #tpu.memory_space<vmem>>, vector<1x16xf32>,
    %get3A_250 = vector.shape_cast %get3A_249 : vector<1x16xf32> to vector<16xf32>
    %get3A_251 = arith.constant 0 : i32
    %get3A_252 = arith.index_cast %get3A_251 : i32 to index
    %get3A_253 = arith.constant 208 : index
    %get3A_254 = tpu.vector_load %arg9[%get3A_252, %get3A_253] {strides = array<i32>} : memref<1x1024xf32, #tpu.memory_space<vmem>>, vector<1x16xf32>,
    %get3A_255 = vector.shape_cast %get3A_254 : vector<1x16xf32> to vector<16xf32>
    %add3A_256 = arith.addf %get3A_250, %get3A_255 : vector<16xf32>
    %swap3A_257 = arith.constant 0 : i32
    %swap3A_258 = arith.index_cast %swap3A_257 : i32 to index
    %swap3A_259 = arith.constant 208 : index
    %swap3A_260 = tpu.vector_load %arg7[%swap3A_258, %swap3A_259] {strides = array<i32>} : memref<1x1024xf32, #tpu.memory_space<vmem>>, vector<1x16xf32>,
    %swap3A_261 = vector.shape_cast %swap3A_260 : vector<1x16xf32> to vector<16xf32>
    %swap3A_262 = vector.shape_cast %add3A_256 : vector<16xf32> to vector<1x16xf32>
    tpu.vector_store %arg7[%swap3A_258, %swap3A_259], %swap3A_262 {strides = array<i32>} : memref<1x1024xf32, #tpu.memory_space<vmem>>, vector<1x16xf32>,
    %get3A_263 = arith.constant 0 : i32
    %get3A_264 = arith.index_cast %get3A_263 : i32 to index
    %get3A_265 = arith.constant 224 : index
    %get3A_266 = tpu.vector_load %arg7[%get3A_264, %get3A_265] {strides = array<i32>} : memref<1x1024xf32, #tpu.memory_space<vmem>>, vector<1x16xf32>,
    %get3A_267 = vector.shape_cast %get3A_266 : vector<1x16xf32> to vector<16xf32>
    %get3A_268 = arith.constant 0 : i32
    %get3A_269 = arith.index_cast %get3A_268 : i32 to index
    %get3A_270 = arith.constant 224 : index
    %get3A_271 = tpu.vector_load %arg9[%get3A_269, %get3A_270] {strides = array<i32>} : memref<1x1024xf32, #tpu.memory_space<vmem>>, vector<1x16xf32>,
    %get3A_272 = vector.shape_cast %get3A_271 : vector<1x16xf32> to vector<16xf32>
    %add3A_273 = arith.addf %get3A_267, %get3A_272 : vector<16xf32>
    %swap3A_274 = arith.constant 0 : i32
    %swap3A_275 = arith.index_cast %swap3A_274 : i32 to index
    %swap3A_276 = arith.constant 224 : index
    %swap3A_277 = tpu.vector_load %arg7[%swap3A_275, %swap3A_276] {strides = array<i32>} : memref<1x1024xf32, #tpu.memory_space<vmem>>, vector<1x16xf32>,
    %swap3A_278 = vector.shape_cast %swap3A_277 : vector<1x16xf32> to vector<16xf32>
    %swap3A_279 = vector.shape_cast %add3A_273 : vector<16xf32> to vector<1x16xf32>
    tpu.vector_store %arg7[%swap3A_275, %swap3A_276], %swap3A_279 {strides = array<i32>} : memref<1x1024xf32, #tpu.memory_space<vmem>>, vector<1x16xf32>,
    %get3A_280 = arith.constant 0 : i32
    %get3A_281 = arith.index_cast %get3A_280 : i32 to index
    %get3A_282 = arith.constant 240 : index
    %get3A_283 = tpu.vector_load %arg7[%get3A_281, %get3A_282] {strides = array<i32>} : memref<1x1024xf32, #tpu.memory_space<vmem>>, vector<1x16xf32>,
    %get3A_284 = vector.shape_cast %get3A_283 : vector<1x16xf32> to vector<16xf32>
    %get3A_285 = arith.constant 0 : i32
    %get3A_286 = arith.index_cast %get3A_285 : i32 to index
    %get3A_287 = arith.constant 240 : index
    %get3A_288 = tpu.vector_load %arg9[%get3A_286, %get3A_287] {strides = array<i32>} : memref<1x1024xf32, #tpu.memory_space<vmem>>, vector<1x16xf32>,
    %get3A_289 = vector.shape_cast %get3A_288 : vector<1x16xf32> to vector<16xf32>
    %add3A_290 = arith.addf %get3A_284, %get3A_289 : vector<16xf32>
    %swap3A_291 = arith.constant 0 : i32
    %swap3A_292 = arith.index_cast %swap3A_291 : i32 to index
    %swap3A_293 = arith.constant 240 : index
    %swap3A_294 = tpu.vector_load %arg7[%swap3A_292, %swap3A_293] {strides = array<i32>} : memref<1x1024xf32, #tpu.memory_space<vmem>>, vector<1x16xf32>,
    %swap3A_295 = vector.shape_cast %swap3A_294 : vector<1x16xf32> to vector<16xf32>
    %swap3A_296 = vector.shape_cast %add3A_290 : vector<16xf32> to vector<1x16xf32>
    tpu.vector_store %arg7[%swap3A_292, %swap3A_293], %swap3A_296 {strides = array<i32>} : memref<1x1024xf32, #tpu.memory_space<vmem>>, vector<1x16xf32>,
    %get3A_297 = arith.constant 0 : i32
    %get3A_298 = arith.index_cast %get3A_297 : i32 to index
    %get3A_299 = arith.constant 256 : index
    %get3A_300 = tpu.vector_load %arg7[%get3A_298, %get3A_299] {strides = array<i32>} : memref<1x1024xf32, #tpu.memory_space<vmem>>, vector<1x16xf32>,
    %get3A_301 = vector.shape_cast %get3A_300 : vector<1x16xf32> to vector<16xf32>
    %get3A_302 = arith.constant 0 : i32
    %get3A_303 = arith.index_cast %get3A_302 : i32 to index
    %get3A_304 = arith.constant 256 : index
    %get3A_305 = tpu.vector_load %arg9[%get3A_303, %get3A_304] {strides = array<i32>} : memref<1x1024xf32, #tpu.memory_space<vmem>>, vector<1x16xf32>,
    %get3A_306 = vector.shape_cast %get3A_305 : vector<1x16xf32> to vector<16xf32>
    %add3A_307 = arith.addf %get3A_301, %get3A_306 : vector<16xf32>
    %swap3A_308 = arith.constant 0 : i32
    %swap3A_309 = arith.index_cast %swap3A_308 : i32 to index
    %swap3A_310 = arith.constant 256 : index
    %swap3A_311 = tpu.vector_load %arg7[%swap3A_309, %swap3A_310] {strides = array<i32>} : memref<1x1024xf32, #tpu.memory_space<vmem>>, vector<1x16xf32>,
    %swap3A_312 = vector.shape_cast %swap3A_311 : vector<1x16xf32> to vector<16xf32>
    %swap3A_313 = vector.shape_cast %add3A_307 : vector<16xf32> to vector<1x16xf32>
    tpu.vector_store %arg7[%swap3A_309, %swap3A_310], %swap3A_313 {strides = array<i32>} : memref<1x1024xf32, #tpu.memory_space<vmem>>, vector<1x16xf32>,
    %get3A_314 = arith.constant 0 : i32
    %get3A_315 = arith.index_cast %get3A_314 : i32 to index
    %get3A_316 = arith.constant 272 : index
    %get3A_317 = tpu.vector_load %arg7[%get3A_315, %get3A_316] {strides = array<i32>} : memref<1x1024xf32, #tpu.memory_space<vmem>>, vector<1x16xf32>,
    %get3A_318 = vector.shape_cast %get3A_317 : vector<1x16xf32> to vector<16xf32>
    %get3A_319 = arith.constant 0 : i32
    %get3A_320 = arith.index_cast %get3A_319 : i32 to index
    %get3A_321 = arith.constant 272 : index
    %get3A_322 = tpu.vector_load %arg9[%get3A_320, %get3A_321] {strides = array<i32>} : memref<1x1024xf32, #tpu.memory_space<vmem>>, vector<1x16xf32>,
    %get3A_323 = vector.shape_cast %get3A_322 : vector<1x16xf32> to vector<16xf32>
    %add3A_324 = arith.addf %get3A_318, %get3A_323 : vector<16xf32>
    %swap3A_325 = arith.constant 0 : i32
    %swap3A_326 = arith.index_cast %swap3A_325 : i32 to index
    %swap3A_327 = arith.constant 272 : index
    %swap3A_328 = tpu.vector_load %arg7[%swap3A_326, %swap3A_327] {strides = array<i32>} : memref<1x1024xf32, #tpu.memory_space<vmem>>, vector<1x16xf32>,
    %swap3A_329 = vector.shape_cast %swap3A_328 : vector<1x16xf32> to vector<16xf32>
    %swap3A_330 = vector.shape_cast %add3A_324 : vector<16xf32> to vector<1x16xf32>
    tpu.vector_store %arg7[%swap3A_326, %swap3A_327], %swap3A_330 {strides = array<i32>} : memref<1x1024xf32, #tpu.memory_space<vmem>>, vector<1x16xf32>,
    %get3A_331 = arith.constant 0 : i32
    %get3A_332 = arith.index_cast %get3A_331 : i32 to index
    %get3A_333 = arith.constant 288 : index
    %get3A_334 = tpu.vector_load %arg7[%get3A_332, %get3A_333] {strides = array<i32>} : memref<1x1024xf32, #tpu.memory_space<vmem>>, vector<1x16xf32>,
    %get3A_335 = vector.shape_cast %get3A_334 : vector<1x16xf32> to vector<16xf32>
    %get3A_336 = arith.constant 0 : i32
    %get3A_337 = arith.index_cast %get3A_336 : i32 to index
    %get3A_338 = arith.constant 288 : index
    %get3A_339 = tpu.vector_load %arg9[%get3A_337, %get3A_338] {strides = array<i32>} : memref<1x1024xf32, #tpu.memory_space<vmem>>, vector<1x16xf32>,
    %get3A_340 = vector.shape_cast %get3A_339 : vector<1x16xf32> to vector<16xf32>
    %add3A_341 = arith.addf %get3A_335, %get3A_340 : vector<16xf32>
    %swap3A_342 = arith.constant 0 : i32
    %swap3A_343 = arith.index_cast %swap3A_342 : i32 to index
    %swap3A_344 = arith.constant 288 : index
    %swap3A_345 = tpu.vector_load %arg7[%swap3A_343, %swap3A_344] {strides = array<i32>} : memref<1x1024xf32, #tpu.memory_space<vmem>>, vector<1x16xf32>,
    %swap3A_346 = vector.shape_cast %swap3A_345 : vector<1x16xf32> to vector<16xf32>
    %swap3A_347 = vector.shape_cast %add3A_341 : vector<16xf32> to vector<1x16xf32>
    tpu.vector_store %arg7[%swap3A_343, %swap3A_344], %swap3A_347 {strides = array<i32>} : memref<1x1024xf32, #tpu.memory_space<vmem>>, vector<1x16xf32>,
    %get3A_348 = arith.constant 0 : i32
    %get3A_349 = arith.index_cast %get3A_348 : i32 to index
    %get3A_350 = arith.constant 304 : index
    %get3A_351 = tpu.vector_load %arg7[%get3A_349, %get3A_350] {strides = array<i32>} : memref<1x1024xf32, #tpu.memory_space<vmem>>, vector<1x16xf32>,
    %get3A_352 = vector.shape_cast %get3A_351 : vector<1x16xf32> to vector<16xf32>
    %get3A_353 = arith.constant 0 : i32
    %get3A_354 = arith.index_cast %get3A_353 : i32 to index
    %get3A_355 = arith.constant 304 : index
    %get3A_356 = tpu.vector_load %arg9[%get3A_354, %get3A_355] {strides = array<i32>} : memref<1x1024xf32, #tpu.memory_space<vmem>>, vector<1x16xf32>,
    %get3A_357 = vector.shape_cast %get3A_356 : vector<1x16xf32> to vector<16xf32>
    %add3A_358 = arith.addf %get3A_352, %get3A_357 : vector<16xf32>
    %swap3A_359 = arith.constant 0 : i32
    %swap3A_360 = arith.index_cast %swap3A_359 : i32 to index
    %swap3A_361 = arith.constant 304 : index
    %swap3A_362 = tpu.vector_load %arg7[%swap3A_360, %swap3A_361] {strides = array<i32>} : memref<1x1024xf32, #tpu.memory_space<vmem>>, vector<1x16xf32>,
    %swap3A_363 = vector.shape_cast %swap3A_362 : vector<1x16xf32> to vector<16xf32>
    %swap3A_364 = vector.shape_cast %add3A_358 : vector<16xf32> to vector<1x16xf32>
    tpu.vector_store %arg7[%swap3A_360, %swap3A_361], %swap3A_364 {strides = array<i32>} : memref<1x1024xf32, #tpu.memory_space<vmem>>, vector<1x16xf32>,
    %get3A_365 = arith.constant 0 : i32
    %get3A_366 = arith.index_cast %get3A_365 : i32 to index
    %get3A_367 = arith.constant 320 : index
    %get3A_368 = tpu.vector_load %arg7[%get3A_366, %get3A_367] {strides = array<i32>} : memref<1x1024xf32, #tpu.memory_space<vmem>>, vector<1x16xf32>,
    %get3A_369 = vector.shape_cast %get3A_368 : vector<1x16xf32> to vector<16xf32>
    %get3A_370 = arith.constant 0 : i32
    %get3A_371 = arith.index_cast %get3A_370 : i32 to index
    %get3A_372 = arith.constant 320 : index
    %get3A_373 = tpu.vector_load %arg9[%get3A_371, %get3A_372] {strides = array<i32>} : memref<1x1024xf32, #tpu.memory_space<vmem>>, vector<1x16xf32>,
    %get3A_374 = vector.shape_cast %get3A_373 : vector<1x16xf32> to vector<16xf32>
    %add3A_375 = arith.addf %get3A_369, %get3A_374 : vector<16xf32>
    %swap3A_376 = arith.constant 0 : i32
    %swap3A_377 = arith.index_cast %swap3A_376 : i32 to index
    %swap3A_378 = arith.constant 320 : index
    %swap3A_379 = tpu.vector_load %arg7[%swap3A_377, %swap3A_378] {strides = array<i32>} : memref<1x1024xf32, #tpu.memory_space<vmem>>, vector<1x16xf32>,
    %swap3A_380 = vector.shape_cast %swap3A_379 : vector<1x16xf32> to vector<16xf32>
    %swap3A_381 = vector.shape_cast %add3A_375 : vector<16xf32> to vector<1x16xf32>
    tpu.vector_store %arg7[%swap3A_377, %swap3A_378], %swap3A_381 {strides = array<i32>} : memref<1x1024xf32, #tpu.memory_space<vmem>>, vector<1x16xf32>,
    %get3A_382 = arith.constant 0 : i32
    %get3A_383 = arith.index_cast %get3A_382 : i32 to index
    %get3A_384 = arith.constant 336 : index
    %get3A_385 = tpu.vector_load %arg7[%get3A_383, %get3A_384] {strides = array<i32>} : memref<1x1024xf32, #tpu.memory_space<vmem>>, vector<1x16xf32>,
    %get3A_386 = vector.shape_cast %get3A_385 : vector<1x16xf32> to vector<16xf32>
    %get3A_387 = arith.constant 0 : i32
    %get3A_388 = arith.index_cast %get3A_387 : i32 to index
    %get3A_389 = arith.constant 336 : index
    %get3A_390 = tpu.vector_load %arg9[%get3A_388, %get3A_389] {strides = array<i32>} : memref<1x1024xf32, #tpu.memory_space<vmem>>, vector<1x16xf32>,
    %get3A_391 = vector.shape_cast %get3A_390 : vector<1x16xf32> to vector<16xf32>
    %add3A_392 = arith.addf %get3A_386, %get3A_391 : vector<16xf32>
    %swap3A_393 = arith.constant 0 : i32
    %swap3A_394 = arith.index_cast %swap3A_393 : i32 to index
    %swap3A_395 = arith.constant 336 : index
    %swap3A_396 = tpu.vector_load %arg7[%swap3A_394, %swap3A_395] {strides = array<i32>} : memref<1x1024xf32, #tpu.memory_space<vmem>>, vector<1x16xf32>,
    %swap3A_397 = vector.shape_cast %swap3A_396 : vector<1x16xf32> to vector<16xf32>
    %swap3A_398 = vector.shape_cast %add3A_392 : vector<16xf32> to vector<1x16xf32>
    tpu.vector_store %arg7[%swap3A_394, %swap3A_395], %swap3A_398 {strides = array<i32>} : memref<1x1024xf32, #tpu.memory_space<vmem>>, vector<1x16xf32>,
    %get3A_399 = arith.constant 0 : i32
    %get3A_400 = arith.index_cast %get3A_399 : i32 to index
    %get3A_401 = arith.constant 352 : index
    %get3A_402 = tpu.vector_load %arg7[%get3A_400, %get3A_401] {strides = array<i32>} : memref<1x1024xf32, #tpu.memory_space<vmem>>, vector<1x16xf32>,
    %get3A_403 = vector.shape_cast %get3A_402 : vector<1x16xf32> to vector<16xf32>
    %get3A_404 = arith.constant 0 : i32
    %get3A_405 = arith.index_cast %get3A_404 : i32 to index
    %get3A_406 = arith.constant 352 : index
    %get3A_407 = tpu.vector_load %arg9[%get3A_405, %get3A_406] {strides = array<i32>} : memref<1x1024xf32, #tpu.memory_space<vmem>>, vector<1x16xf32>,
    %get3A_408 = vector.shape_cast %get3A_407 : vector<1x16xf32> to vector<16xf32>
    %add3A_409 = arith.addf %get3A_403, %get3A_408 : vector<16xf32>
    %swap3A_410 = arith.constant 0 : i32
    %swap3A_411 = arith.index_cast %swap3A_410 : i32 to index
    %swap3A_412 = arith.constant 352 : index
    %swap3A_413 = tpu.vector_load %arg7[%swap3A_411, %swap3A_412] {strides = array<i32>} : memref<1x1024xf32, #tpu.memory_space<vmem>>, vector<1x16xf32>,
    %swap3A_414 = vector.shape_cast %swap3A_413 : vector<1x16xf32> to vector<16xf32>
    %swap3A_415 = vector.shape_cast %add3A_409 : vector<16xf32> to vector<1x16xf32>
    tpu.vector_store %arg7[%swap3A_411, %swap3A_412], %swap3A_415 {strides = array<i32>} : memref<1x1024xf32, #tpu.memory_space<vmem>>, vector<1x16xf32>,
    %get3A_416 = arith.constant 0 : i32
    %get3A_417 = arith.index_cast %get3A_416 : i32 to index
    %get3A_418 = arith.constant 368 : index
    %get3A_419 = tpu.vector_load %arg7[%get3A_417, %get3A_418] {strides = array<i32>} : memref<1x1024xf32, #tpu.memory_space<vmem>>, vector<1x16xf32>,
    %get3A_420 = vector.shape_cast %get3A_419 : vector<1x16xf32> to vector<16xf32>
    %get3A_421 = arith.constant 0 : i32
    %get3A_422 = arith.index_cast %get3A_421 : i32 to index
    %get3A_423 = arith.constant 368 : index
    %get3A_424 = tpu.vector_load %arg9[%get3A_422, %get3A_423] {strides = array<i32>} : memref<1x1024xf32, #tpu.memory_space<vmem>>, vector<1x16xf32>,
    %get3A_425 = vector.shape_cast %get3A_424 : vector<1x16xf32> to vector<16xf32>
    %add3A_426 = arith.addf %get3A_420, %get3A_425 : vector<16xf32>
    %swap3A_427 = arith.constant 0 : i32
    %swap3A_428 = arith.index_cast %swap3A_427 : i32 to index
    %swap3A_429 = arith.constant 368 : index
    %swap3A_430 = tpu.vector_load %arg7[%swap3A_428, %swap3A_429] {strides = array<i32>} : memref<1x1024xf32, #tpu.memory_space<vmem>>, vector<1x16xf32>,
    %swap3A_431 = vector.shape_cast %swap3A_430 : vector<1x16xf32> to vector<16xf32>
    %swap3A_432 = vector.shape_cast %add3A_426 : vector<16xf32> to vector<1x16xf32>
    tpu.vector_store %arg7[%swap3A_428, %swap3A_429], %swap3A_432 {strides = array<i32>} : memref<1x1024xf32, #tpu.memory_space<vmem>>, vector<1x16xf32>,
    %get3A_433 = arith.constant 0 : i32
    %get3A_434 = arith.index_cast %get3A_433 : i32 to index
    %get3A_435 = arith.constant 384 : index
    %get3A_436 = tpu.vector_load %arg7[%get3A_434, %get3A_435] {strides = array<i32>} : memref<1x1024xf32, #tpu.memory_space<vmem>>, vector<1x16xf32>,
    %get3A_437 = vector.shape_cast %get3A_436 : vector<1x16xf32> to vector<16xf32>
    %get3A_438 = arith.constant 0 : i32
    %get3A_439 = arith.index_cast %get3A_438 : i32 to index
    %get3A_440 = arith.constant 384 : index
    %get3A_441 = tpu.vector_load %arg9[%get3A_439, %get3A_440] {strides = array<i32>} : memref<1x1024xf32, #tpu.memory_space<vmem>>, vector<1x16xf32>,
    %get3A_442 = vector.shape_cast %get3A_441 : vector<1x16xf32> to vector<16xf32>
    %add3A_443 = arith.addf %get3A_437, %get3A_442 : vector<16xf32>
    %swap3A_444 = arith.constant 0 : i32
    %swap3A_445 = arith.index_cast %swap3A_444 : i32 to index
    %swap3A_446 = arith.constant 384 : index
    %swap3A_447 = tpu.vector_load %arg7[%swap3A_445, %swap3A_446] {strides = array<i32>} : memref<1x1024xf32, #tpu.memory_space<vmem>>, vector<1x16xf32>,
    %swap3A_448 = vector.shape_cast %swap3A_447 : vector<1x16xf32> to vector<16xf32>
    %swap3A_449 = vector.shape_cast %add3A_443 : vector<16xf32> to vector<1x16xf32>
    tpu.vector_store %arg7[%swap3A_445, %swap3A_446], %swap3A_449 {strides = array<i32>} : memref<1x1024xf32, #tpu.memory_space<vmem>>, vector<1x16xf32>,
    %get3A_450 = arith.constant 0 : i32
    %get3A_451 = arith.index_cast %get3A_450 : i32 to index
    %get3A_452 = arith.constant 400 : index
    %get3A_453 = tpu.vector_load %arg7[%get3A_451, %get3A_452] {strides = array<i32>} : memref<1x1024xf32, #tpu.memory_space<vmem>>, vector<1x16xf32>,
    %get3A_454 = vector.shape_cast %get3A_453 : vector<1x16xf32> to vector<16xf32>
    %get3A_455 = arith.constant 0 : i32
    %get3A_456 = arith.index_cast %get3A_455 : i32 to index
    %get3A_457 = arith.constant 400 : index
    %get3A_458 = tpu.vector_load %arg9[%get3A_456, %get3A_457] {strides = array<i32>} : memref<1x1024xf32, #tpu.memory_space<vmem>>, vector<1x16xf32>,
    %get3A_459 = vector.shape_cast %get3A_458 : vector<1x16xf32> to vector<16xf32>
    %add3A_460 = arith.addf %get3A_454, %get3A_459 : vector<16xf32>
    %swap3A_461 = arith.constant 0 : i32
    %swap3A_462 = arith.index_cast %swap3A_461 : i32 to index
    %swap3A_463 = arith.constant 400 : index
    %swap3A_464 = tpu.vector_load %arg7[%swap3A_462, %swap3A_463] {strides = array<i32>} : memref<1x1024xf32, #tpu.memory_space<vmem>>, vector<1x16xf32>,
    %swap3A_465 = vector.shape_cast %swap3A_464 : vector<1x16xf32> to vector<16xf32>
    %swap3A_466 = vector.shape_cast %add3A_460 : vector<16xf32> to vector<1x16xf32>
    tpu.vector_store %arg7[%swap3A_462, %swap3A_463], %swap3A_466 {strides = array<i32>} : memref<1x1024xf32, #tpu.memory_space<vmem>>, vector<1x16xf32>,
    %get3A_467 = arith.constant 0 : i32
    %get3A_468 = arith.index_cast %get3A_467 : i32 to index
    %get3A_469 = arith.constant 416 : index
    %get3A_470 = tpu.vector_load %arg7[%get3A_468, %get3A_469] {strides = array<i32>} : memref<1x1024xf32, #tpu.memory_space<vmem>>, vector<1x16xf32>,
    %get3A_471 = vector.shape_cast %get3A_470 : vector<1x16xf32> to vector<16xf32>
    %get3A_472 = arith.constant 0 : i32
    %get3A_473 = arith.index_cast %get3A_472 : i32 to index
    %get3A_474 = arith.constant 416 : index
    %get3A_475 = tpu.vector_load %arg9[%get3A_473, %get3A_474] {strides = array<i32>} : memref<1x1024xf32, #tpu.memory_space<vmem>>, vector<1x16xf32>,
    %get3A_476 = vector.shape_cast %get3A_475 : vector<1x16xf32> to vector<16xf32>
    %add3A_477 = arith.addf %get3A_471, %get3A_476 : vector<16xf32>
    %swap3A_478 = arith.constant 0 : i32
    %swap3A_479 = arith.index_cast %swap3A_478 : i32 to index
    %swap3A_480 = arith.constant 416 : index
    %swap3A_481 = tpu.vector_load %arg7[%swap3A_479, %swap3A_480] {strides = array<i32>} : memref<1x1024xf32, #tpu.memory_space<vmem>>, vector<1x16xf32>,
    %swap3A_482 = vector.shape_cast %swap3A_481 : vector<1x16xf32> to vector<16xf32>
    %swap3A_483 = vector.shape_cast %add3A_477 : vector<16xf32> to vector<1x16xf32>
    tpu.vector_store %arg7[%swap3A_479, %swap3A_480], %swap3A_483 {strides = array<i32>} : memref<1x1024xf32, #tpu.memory_space<vmem>>, vector<1x16xf32>,
    %get3A_484 = arith.constant 0 : i32
    %get3A_485 = arith.index_cast %get3A_484 : i32 to index
    %get3A_486 = arith.constant 432 : index
    %get3A_487 = tpu.vector_load %arg7[%get3A_485, %get3A_486] {strides = array<i32>} : memref<1x1024xf32, #tpu.memory_space<vmem>>, vector<1x16xf32>,
    %get3A_488 = vector.shape_cast %get3A_487 : vector<1x16xf32> to vector<16xf32>
    %get3A_489 = arith.constant 0 : i32
    %get3A_490 = arith.index_cast %get3A_489 : i32 to index
    %get3A_491 = arith.constant 432 : index
    %get3A_492 = tpu.vector_load %arg9[%get3A_490, %get3A_491] {strides = array<i32>} : memref<1x1024xf32, #tpu.memory_space<vmem>>, vector<1x16xf32>,
    %get3A_493 = vector.shape_cast %get3A_492 : vector<1x16xf32> to vector<16xf32>
    %add3A_494 = arith.addf %get3A_488, %get3A_493 : vector<16xf32>
    %swap3A_495 = arith.constant 0 : i32
    %swap3A_496 = arith.index_cast %swap3A_495 : i32 to index
    %swap3A_497 = arith.constant 432 : index
    %swap3A_498 = tpu.vector_load %arg7[%swap3A_496, %swap3A_497] {strides = array<i32>} : memref<1x1024xf32, #tpu.memory_space<vmem>>, vector<1x16xf32>,
    %swap3A_499 = vector.shape_cast %swap3A_498 : vector<1x16xf32> to vector<16xf32>
    %swap3A_500 = vector.shape_cast %add3A_494 : vector<16xf32> to vector<1x16xf32>
    tpu.vector_store %arg7[%swap3A_496, %swap3A_497], %swap3A_500 {strides = array<i32>} : memref<1x1024xf32, #tpu.memory_space<vmem>>, vector<1x16xf32>,
    %get3A_501 = arith.constant 0 : i32
    %get3A_502 = arith.index_cast %get3A_501 : i32 to index
    %get3A_503 = arith.constant 448 : index
    %get3A_504 = tpu.vector_load %arg7[%get3A_502, %get3A_503] {strides = array<i32>} : memref<1x1024xf32, #tpu.memory_space<vmem>>, vector<1x16xf32>,
    %get3A_505 = vector.shape_cast %get3A_504 : vector<1x16xf32> to vector<16xf32>
    %get3A_506 = arith.constant 0 : i32
    %get3A_507 = arith.index_cast %get3A_506 : i32 to index
    %get3A_508 = arith.constant 448 : index
    %get3A_509 = tpu.vector_load %arg9[%get3A_507, %get3A_508] {strides = array<i32>} : memref<1x1024xf32, #tpu.memory_space<vmem>>, vector<1x16xf32>,
    %get3A_510 = vector.shape_cast %get3A_509 : vector<1x16xf32> to vector<16xf32>
    %add3A_511 = arith.addf %get3A_505, %get3A_510 : vector<16xf32>
    %swap3A_512 = arith.constant 0 : i32
    %swap3A_513 = arith.index_cast %swap3A_512 : i32 to index
    %swap3A_514 = arith.constant 448 : index
    %swap3A_515 = tpu.vector_load %arg7[%swap3A_513, %swap3A_514] {strides = array<i32>} : memref<1x1024xf32, #tpu.memory_space<vmem>>, vector<1x16xf32>,
    %swap3A_516 = vector.shape_cast %swap3A_515 : vector<1x16xf32> to vector<16xf32>
    %swap3A_517 = vector.shape_cast %add3A_511 : vector<16xf32> to vector<1x16xf32>
    tpu.vector_store %arg7[%swap3A_513, %swap3A_514], %swap3A_517 {strides = array<i32>} : memref<1x1024xf32, #tpu.memory_space<vmem>>, vector<1x16xf32>,
    %get3A_518 = arith.constant 0 : i32
    %get3A_519 = arith.index_cast %get3A_518 : i32 to index
    %get3A_520 = arith.constant 464 : index
    %get3A_521 = tpu.vector_load %arg7[%get3A_519, %get3A_520] {strides = array<i32>} : memref<1x1024xf32, #tpu.memory_space<vmem>>, vector<1x16xf32>,
    %get3A_522 = vector.shape_cast %get3A_521 : vector<1x16xf32> to vector<16xf32>
    %get3A_523 = arith.constant 0 : i32
    %get3A_524 = arith.index_cast %get3A_523 : i32 to index
    %get3A_525 = arith.constant 464 : index
    %get3A_526 = tpu.vector_load %arg9[%get3A_524, %get3A_525] {strides = array<i32>} : memref<1x1024xf32, #tpu.memory_space<vmem>>, vector<1x16xf32>,
    %get3A_527 = vector.shape_cast %get3A_526 : vector<1x16xf32> to vector<16xf32>
    %add3A_528 = arith.addf %get3A_522, %get3A_527 : vector<16xf32>
    %swap3A_529 = arith.constant 0 : i32
    %swap3A_530 = arith.index_cast %swap3A_529 : i32 to index
    %swap3A_531 = arith.constant 464 : index
    %swap3A_532 = tpu.vector_load %arg7[%swap3A_530, %swap3A_531] {strides = array<i32>} : memref<1x1024xf32, #tpu.memory_space<vmem>>, vector<1x16xf32>,
    %swap3A_533 = vector.shape_cast %swap3A_532 : vector<1x16xf32> to vector<16xf32>
    %swap3A_534 = vector.shape_cast %add3A_528 : vector<16xf32> to vector<1x16xf32>
    tpu.vector_store %arg7[%swap3A_530, %swap3A_531], %swap3A_534 {strides = array<i32>} : memref<1x1024xf32, #tpu.memory_space<vmem>>, vector<1x16xf32>,
    %get3A_535 = arith.constant 0 : i32
    %get3A_536 = arith.index_cast %get3A_535 : i32 to index
    %get3A_537 = arith.constant 480 : index
    %get3A_538 = tpu.vector_load %arg7[%get3A_536, %get3A_537] {strides = array<i32>} : memref<1x1024xf32, #tpu.memory_space<vmem>>, vector<1x16xf32>,
    %get3A_539 = vector.shape_cast %get3A_538 : vector<1x16xf32> to vector<16xf32>
    %get3A_540 = arith.constant 0 : i32
    %get3A_541 = arith.index_cast %get3A_540 : i32 to index
    %get3A_542 = arith.constant 480 : index
    %get3A_543 = tpu.vector_load %arg9[%get3A_541, %get3A_542] {strides = array<i32>} : memref<1x1024xf32, #tpu.memory_space<vmem>>, vector<1x16xf32>,
    %get3A_544 = vector.shape_cast %get3A_543 : vector<1x16xf32> to vector<16xf32>
    %add3A_545 = arith.addf %get3A_539, %get3A_544 : vector<16xf32>
    %swap3A_546 = arith.constant 0 : i32
    %swap3A_547 = arith.index_cast %swap3A_546 : i32 to index
    %swap3A_548 = arith.constant 480 : index
    %swap3A_549 = tpu.vector_load %arg7[%swap3A_547, %swap3A_548] {strides = array<i32>} : memref<1x1024xf32, #tpu.memory_space<vmem>>, vector<1x16xf32>,
    %swap3A_550 = vector.shape_cast %swap3A_549 : vector<1x16xf32> to vector<16xf32>
    %swap3A_551 = vector.shape_cast %add3A_545 : vector<16xf32> to vector<1x16xf32>
    tpu.vector_store %arg7[%swap3A_547, %swap3A_548], %swap3A_551 {strides = array<i32>} : memref<1x1024xf32, #tpu.memory_space<vmem>>, vector<1x16xf32>,
    %get3A_552 = arith.constant 0 : i32
    %get3A_553 = arith.index_cast %get3A_552 : i32 to index
    %get3A_554 = arith.constant 496 : index
    %get3A_555 = tpu.vector_load %arg7[%get3A_553, %get3A_554] {strides = array<i32>} : memref<1x1024xf32, #tpu.memory_space<vmem>>, vector<1x16xf32>,
    %get3A_556 = vector.shape_cast %get3A_555 : vector<1x16xf32> to vector<16xf32>
    %get3A_557 = arith.constant 0 : i32
    %get3A_558 = arith.index_cast %get3A_557 : i32 to index
    %get3A_559 = arith.constant 496 : index
    %get3A_560 = tpu.vector_load %arg9[%get3A_558, %get3A_559] {strides = array<i32>} : memref<1x1024xf32, #tpu.memory_space<vmem>>, vector<1x16xf32>,
    %get3A_561 = vector.shape_cast %get3A_560 : vector<1x16xf32> to vector<16xf32>
    %add3A_562 = arith.addf %get3A_556, %get3A_561 : vector<16xf32>
    %swap3A_563 = arith.constant 0 : i32
    %swap3A_564 = arith.index_cast %swap3A_563 : i32 to index
    %swap3A_565 = arith.constant 496 : index
    %swap3A_566 = tpu.vector_load %arg7[%swap3A_564, %swap3A_565] {strides = array<i32>} : memref<1x1024xf32, #tpu.memory_space<vmem>>, vector<1x16xf32>,
    %swap3A_567 = vector.shape_cast %swap3A_566 : vector<1x16xf32> to vector<16xf32>
    %swap3A_568 = vector.shape_cast %add3A_562 : vector<16xf32> to vector<1x16xf32>
    tpu.vector_store %arg7[%swap3A_564, %swap3A_565], %swap3A_568 {strides = array<i32>} : memref<1x1024xf32, #tpu.memory_space<vmem>>, vector<1x16xf32>,
    %get3A_569 = arith.constant 0 : i32
    %get3A_570 = arith.index_cast %get3A_569 : i32 to index
    %get3A_571 = arith.constant 512 : index
    %get3A_572 = tpu.vector_load %arg7[%get3A_570, %get3A_571] {strides = array<i32>} : memref<1x1024xf32, #tpu.memory_space<vmem>>, vector<1x16xf32>,
    %get3A_573 = vector.shape_cast %get3A_572 : vector<1x16xf32> to vector<16xf32>
    %get3A_574 = arith.constant 0 : i32
    %get3A_575 = arith.index_cast %get3A_574 : i32 to index
    %get3A_576 = arith.constant 512 : index
    %get3A_577 = tpu.vector_load %arg9[%get3A_575, %get3A_576] {strides = array<i32>} : memref<1x1024xf32, #tpu.memory_space<vmem>>, vector<1x16xf32>,
    %get3A_578 = vector.shape_cast %get3A_577 : vector<1x16xf32> to vector<16xf32>
    %add3A_579 = arith.addf %get3A_573, %get3A_578 : vector<16xf32>
    %swap3A_580 = arith.constant 0 : i32
    %swap3A_581 = arith.index_cast %swap3A_580 : i32 to index
    %swap3A_582 = arith.constant 512 : index
    %swap3A_583 = tpu.vector_load %arg7[%swap3A_581, %swap3A_582] {strides = array<i32>} : memref<1x1024xf32, #tpu.memory_space<vmem>>, vector<1x16xf32>,
    %swap3A_584 = vector.shape_cast %swap3A_583 : vector<1x16xf32> to vector<16xf32>
    %swap3A_585 = vector.shape_cast %add3A_579 : vector<16xf32> to vector<1x16xf32>
    tpu.vector_store %arg7[%swap3A_581, %swap3A_582], %swap3A_585 {strides = array<i32>} : memref<1x1024xf32, #tpu.memory_space<vmem>>, vector<1x16xf32>,
    %get3A_586 = arith.constant 0 : i32
    %get3A_587 = arith.index_cast %get3A_586 : i32 to index
    %get3A_588 = arith.constant 528 : index
    %get3A_589 = tpu.vector_load %arg7[%get3A_587, %get3A_588] {strides = array<i32>} : memref<1x1024xf32, #tpu.memory_space<vmem>>, vector<1x16xf32>,
    %get3A_590 = vector.shape_cast %get3A_589 : vector<1x16xf32> to vector<16xf32>
    %get3A_591 = arith.constant 0 : i32
    %get3A_592 = arith.index_cast %get3A_591 : i32 to index
    %get3A_593 = arith.constant 528 : index
    %get3A_594 = tpu.vector_load %arg9[%get3A_592, %get3A_593] {strides = array<i32>} : memref<1x1024xf32, #tpu.memory_space<vmem>>, vector<1x16xf32>,
    %get3A_595 = vector.shape_cast %get3A_594 : vector<1x16xf32> to vector<16xf32>
    %add3A_596 = arith.addf %get3A_590, %get3A_595 : vector<16xf32>
    %swap3A_597 = arith.constant 0 : i32
    %swap3A_598 = arith.index_cast %swap3A_597 : i32 to index
    %swap3A_599 = arith.constant 528 : index
    %swap3A_600 = tpu.vector_load %arg7[%swap3A_598, %swap3A_599] {strides = array<i32>} : memref<1x1024xf32, #tpu.memory_space<vmem>>, vector<1x16xf32>,
    %swap3A_601 = vector.shape_cast %swap3A_600 : vector<1x16xf32> to vector<16xf32>
    %swap3A_602 = vector.shape_cast %add3A_596 : vector<16xf32> to vector<1x16xf32>
    tpu.vector_store %arg7[%swap3A_598, %swap3A_599], %swap3A_602 {strides = array<i32>} : memref<1x1024xf32, #tpu.memory_space<vmem>>, vector<1x16xf32>,
    %get3A_603 = arith.constant 0 : i32
    %get3A_604 = arith.index_cast %get3A_603 : i32 to index
    %get3A_605 = arith.constant 544 : index
    %get3A_606 = tpu.vector_load %arg7[%get3A_604, %get3A_605] {strides = array<i32>} : memref<1x1024xf32, #tpu.memory_space<vmem>>, vector<1x16xf32>,
    %get3A_607 = vector.shape_cast %get3A_606 : vector<1x16xf32> to vector<16xf32>
    %get3A_608 = arith.constant 0 : i32
    %get3A_609 = arith.index_cast %get3A_608 : i32 to index
    %get3A_610 = arith.constant 544 : index
    %get3A_611 = tpu.vector_load %arg9[%get3A_609, %get3A_610] {strides = array<i32>} : memref<1x1024xf32, #tpu.memory_space<vmem>>, vector<1x16xf32>,
    %get3A_612 = vector.shape_cast %get3A_611 : vector<1x16xf32> to vector<16xf32>
    %add3A_613 = arith.addf %get3A_607, %get3A_612 : vector<16xf32>
    %swap3A_614 = arith.constant 0 : i32
    %swap3A_615 = arith.index_cast %swap3A_614 : i32 to index
    %swap3A_616 = arith.constant 544 : index
    %swap3A_617 = tpu.vector_load %arg7[%swap3A_615, %swap3A_616] {strides = array<i32>} : memref<1x1024xf32, #tpu.memory_space<vmem>>, vector<1x16xf32>,
    %swap3A_618 = vector.shape_cast %swap3A_617 : vector<1x16xf32> to vector<16xf32>
    %swap3A_619 = vector.shape_cast %add3A_613 : vector<16xf32> to vector<1x16xf32>
    tpu.vector_store %arg7[%swap3A_615, %swap3A_616], %swap3A_619 {strides = array<i32>} : memref<1x1024xf32, #tpu.memory_space<vmem>>, vector<1x16xf32>,
    %get3A_620 = arith.constant 0 : i32
    %get3A_621 = arith.index_cast %get3A_620 : i32 to index
    %get3A_622 = arith.constant 560 : index
    %get3A_623 = tpu.vector_load %arg7[%get3A_621, %get3A_622] {strides = array<i32>} : memref<1x1024xf32, #tpu.memory_space<vmem>>, vector<1x16xf32>,
    %get3A_624 = vector.shape_cast %get3A_623 : vector<1x16xf32> to vector<16xf32>
    %get3A_625 = arith.constant 0 : i32
    %get3A_626 = arith.index_cast %get3A_625 : i32 to index
    %get3A_627 = arith.constant 560 : index
    %get3A_628 = tpu.vector_load %arg9[%get3A_626, %get3A_627] {strides = array<i32>} : memref<1x1024xf32, #tpu.memory_space<vmem>>, vector<1x16xf32>,
    %get3A_629 = vector.shape_cast %get3A_628 : vector<1x16xf32> to vector<16xf32>
    %add3A_630 = arith.addf %get3A_624, %get3A_629 : vector<16xf32>
    %swap3A_631 = arith.constant 0 : i32
    %swap3A_632 = arith.index_cast %swap3A_631 : i32 to index
    %swap3A_633 = arith.constant 560 : index
    %swap3A_634 = tpu.vector_load %arg7[%swap3A_632, %swap3A_633] {strides = array<i32>} : memref<1x1024xf32, #tpu.memory_space<vmem>>, vector<1x16xf32>,
    %swap3A_635 = vector.shape_cast %swap3A_634 : vector<1x16xf32> to vector<16xf32>
    %swap3A_636 = vector.shape_cast %add3A_630 : vector<16xf32> to vector<1x16xf32>
    tpu.vector_store %arg7[%swap3A_632, %swap3A_633], %swap3A_636 {strides = array<i32>} : memref<1x1024xf32, #tpu.memory_space<vmem>>, vector<1x16xf32>,
    %get3A_637 = arith.constant 0 : i32
    %get3A_638 = arith.index_cast %get3A_637 : i32 to index
    %get3A_639 = arith.constant 576 : index
    %get3A_640 = tpu.vector_load %arg7[%get3A_638, %get3A_639] {strides = array<i32>} : memref<1x1024xf32, #tpu.memory_space<vmem>>, vector<1x16xf32>,
    %get3A_641 = vector.shape_cast %get3A_640 : vector<1x16xf32> to vector<16xf32>
    %get3A_642 = arith.constant 0 : i32
    %get3A_643 = arith.index_cast %get3A_642 : i32 to index
    %get3A_644 = arith.constant 576 : index
    %get3A_645 = tpu.vector_load %arg9[%get3A_643, %get3A_644] {strides = array<i32>} : memref<1x1024xf32, #tpu.memory_space<vmem>>, vector<1x16xf32>,
    %get3A_646 = vector.shape_cast %get3A_645 : vector<1x16xf32> to vector<16xf32>
    %add3A_647 = arith.addf %get3A_641, %get3A_646 : vector<16xf32>
    %swap3A_648 = arith.constant 0 : i32
    %swap3A_649 = arith.index_cast %swap3A_648 : i32 to index
    %swap3A_650 = arith.constant 576 : index
    %swap3A_651 = tpu.vector_load %arg7[%swap3A_649, %swap3A_650] {strides = array<i32>} : memref<1x1024xf32, #tpu.memory_space<vmem>>, vector<1x16xf32>,
    %swap3A_652 = vector.shape_cast %swap3A_651 : vector<1x16xf32> to vector<16xf32>
    %swap3A_653 = vector.shape_cast %add3A_647 : vector<16xf32> to vector<1x16xf32>
    tpu.vector_store %arg7[%swap3A_649, %swap3A_650], %swap3A_653 {strides = array<i32>} : memref<1x1024xf32, #tpu.memory_space<vmem>>, vector<1x16xf32>,
    %get3A_654 = arith.constant 0 : i32
    %get3A_655 = arith.index_cast %get3A_654 : i32 to index
    %get3A_656 = arith.constant 592 : index
    %get3A_657 = tpu.vector_load %arg7[%get3A_655, %get3A_656] {strides = array<i32>} : memref<1x1024xf32, #tpu.memory_space<vmem>>, vector<1x16xf32>,
    %get3A_658 = vector.shape_cast %get3A_657 : vector<1x16xf32> to vector<16xf32>
    %get3A_659 = arith.constant 0 : i32
    %get3A_660 = arith.index_cast %get3A_659 : i32 to index
    %get3A_661 = arith.constant 592 : index
    %get3A_662 = tpu.vector_load %arg9[%get3A_660, %get3A_661] {strides = array<i32>} : memref<1x1024xf32, #tpu.memory_space<vmem>>, vector<1x16xf32>,
    %get3A_663 = vector.shape_cast %get3A_662 : vector<1x16xf32> to vector<16xf32>
    %add3A_664 = arith.addf %get3A_658, %get3A_663 : vector<16xf32>
    %swap3A_665 = arith.constant 0 : i32
    %swap3A_666 = arith.index_cast %swap3A_665 : i32 to index
    %swap3A_667 = arith.constant 592 : index
    %swap3A_668 = tpu.vector_load %arg7[%swap3A_666, %swap3A_667] {strides = array<i32>} : memref<1x1024xf32, #tpu.memory_space<vmem>>, vector<1x16xf32>,
    %swap3A_669 = vector.shape_cast %swap3A_668 : vector<1x16xf32> to vector<16xf32>
    %swap3A_670 = vector.shape_cast %add3A_664 : vector<16xf32> to vector<1x16xf32>
    tpu.vector_store %arg7[%swap3A_666, %swap3A_667], %swap3A_670 {strides = array<i32>} : memref<1x1024xf32, #tpu.memory_space<vmem>>, vector<1x16xf32>,
    %get3A_671 = arith.constant 0 : i32
    %get3A_672 = arith.index_cast %get3A_671 : i32 to index
    %get3A_673 = arith.constant 608 : index
    %get3A_674 = tpu.vector_load %arg7[%get3A_672, %get3A_673] {strides = array<i32>} : memref<1x1024xf32, #tpu.memory_space<vmem>>, vector<1x16xf32>,
    %get3A_675 = vector.shape_cast %get3A_674 : vector<1x16xf32> to vector<16xf32>
    %get3A_676 = arith.constant 0 : i32
    %get3A_677 = arith.index_cast %get3A_676 : i32 to index
    %get3A_678 = arith.constant 608 : index
    %get3A_679 = tpu.vector_load %arg9[%get3A_677, %get3A_678] {strides = array<i32>} : memref<1x1024xf32, #tpu.memory_space<vmem>>, vector<1x16xf32>,
    %get3A_680 = vector.shape_cast %get3A_679 : vector<1x16xf32> to vector<16xf32>
    %add3A_681 = arith.addf %get3A_675, %get3A_680 : vector<16xf32>
    %swap3A_682 = arith.constant 0 : i32
    %swap3A_683 = arith.index_cast %swap3A_682 : i32 to index
    %swap3A_684 = arith.constant 608 : index
    %swap3A_685 = tpu.vector_load %arg7[%swap3A_683, %swap3A_684] {strides = array<i32>} : memref<1x1024xf32, #tpu.memory_space<vmem>>, vector<1x16xf32>,
    %swap3A_686 = vector.shape_cast %swap3A_685 : vector<1x16xf32> to vector<16xf32>
    %swap3A_687 = vector.shape_cast %add3A_681 : vector<16xf32> to vector<1x16xf32>
    tpu.vector_store %arg7[%swap3A_683, %swap3A_684], %swap3A_687 {strides = array<i32>} : memref<1x1024xf32, #tpu.memory_space<vmem>>, vector<1x16xf32>,
    %get3A_688 = arith.constant 0 : i32
    %get3A_689 = arith.index_cast %get3A_688 : i32 to index
    %get3A_690 = arith.constant 624 : index
    %get3A_691 = tpu.vector_load %arg7[%get3A_689, %get3A_690] {strides = array<i32>} : memref<1x1024xf32, #tpu.memory_space<vmem>>, vector<1x16xf32>,
    %get3A_692 = vector.shape_cast %get3A_691 : vector<1x16xf32> to vector<16xf32>
    %get3A_693 = arith.constant 0 : i32
    %get3A_694 = arith.index_cast %get3A_693 : i32 to index
    %get3A_695 = arith.constant 624 : index
    %get3A_696 = tpu.vector_load %arg9[%get3A_694, %get3A_695] {strides = array<i32>} : memref<1x1024xf32, #tpu.memory_space<vmem>>, vector<1x16xf32>,
    %get3A_697 = vector.shape_cast %get3A_696 : vector<1x16xf32> to vector<16xf32>
    %add3A_698 = arith.addf %get3A_692, %get3A_697 : vector<16xf32>
    %swap3A_699 = arith.constant 0 : i32
    %swap3A_700 = arith.index_cast %swap3A_699 : i32 to index
    %swap3A_701 = arith.constant 624 : index
    %swap3A_702 = tpu.vector_load %arg7[%swap3A_700, %swap3A_701] {strides = array<i32>} : memref<1x1024xf32, #tpu.memory_space<vmem>>, vector<1x16xf32>,
    %swap3A_703 = vector.shape_cast %swap3A_702 : vector<1x16xf32> to vector<16xf32>
    %swap3A_704 = vector.shape_cast %add3A_698 : vector<16xf32> to vector<1x16xf32>
    tpu.vector_store %arg7[%swap3A_700, %swap3A_701], %swap3A_704 {strides = array<i32>} : memref<1x1024xf32, #tpu.memory_space<vmem>>, vector<1x16xf32>,
    %get3A_705 = arith.constant 0 : i32
    %get3A_706 = arith.index_cast %get3A_705 : i32 to index
    %get3A_707 = arith.constant 640 : index
    %get3A_708 = tpu.vector_load %arg7[%get3A_706, %get3A_707] {strides = array<i32>} : memref<1x1024xf32, #tpu.memory_space<vmem>>, vector<1x16xf32>,
    %get3A_709 = vector.shape_cast %get3A_708 : vector<1x16xf32> to vector<16xf32>
    %get3A_710 = arith.constant 0 : i32
    %get3A_711 = arith.index_cast %get3A_710 : i32 to index
    %get3A_712 = arith.constant 640 : index
    %get3A_713 = tpu.vector_load %arg9[%get3A_711, %get3A_712] {strides = array<i32>} : memref<1x1024xf32, #tpu.memory_space<vmem>>, vector<1x16xf32>,
    %get3A_714 = vector.shape_cast %get3A_713 : vector<1x16xf32> to vector<16xf32>
    %add3A_715 = arith.addf %get3A_709, %get3A_714 : vector<16xf32>
    %swap3A_716 = arith.constant 0 : i32
    %swap3A_717 = arith.index_cast %swap3A_716 : i32 to index
    %swap3A_718 = arith.constant 640 : index
    %swap3A_719 = tpu.vector_load %arg7[%swap3A_717, %swap3A_718] {strides = array<i32>} : memref<1x1024xf32, #tpu.memory_space<vmem>>, vector<1x16xf32>,
    %swap3A_720 = vector.shape_cast %swap3A_719 : vector<1x16xf32> to vector<16xf32>
    %swap3A_721 = vector.shape_cast %add3A_715 : vector<16xf32> to vector<1x16xf32>
    tpu.vector_store %arg7[%swap3A_717, %swap3A_718], %swap3A_721 {strides = array<i32>} : memref<1x1024xf32, #tpu.memory_space<vmem>>, vector<1x16xf32>,
    %get3A_722 = arith.constant 0 : i32
    %get3A_723 = arith.index_cast %get3A_722 : i32 to index
    %get3A_724 = arith.constant 656 : index
    %get3A_725 = tpu.vector_load %arg7[%get3A_723, %get3A_724] {strides = array<i32>} : memref<1x1024xf32, #tpu.memory_space<vmem>>, vector<1x16xf32>,
    %get3A_726 = vector.shape_cast %get3A_725 : vector<1x16xf32> to vector<16xf32>
    %get3A_727 = arith.constant 0 : i32
    %get3A_728 = arith.index_cast %get3A_727 : i32 to index
    %get3A_729 = arith.constant 656 : index
    %get3A_730 = tpu.vector_load %arg9[%get3A_728, %get3A_729] {strides = array<i32>} : memref<1x1024xf32, #tpu.memory_space<vmem>>, vector<1x16xf32>,
    %get3A_731 = vector.shape_cast %get3A_730 : vector<1x16xf32> to vector<16xf32>
    %add3A_732 = arith.addf %get3A_726, %get3A_731 : vector<16xf32>
    %swap3A_733 = arith.constant 0 : i32
    %swap3A_734 = arith.index_cast %swap3A_733 : i32 to index
    %swap3A_735 = arith.constant 656 : index
    %swap3A_736 = tpu.vector_load %arg7[%swap3A_734, %swap3A_735] {strides = array<i32>} : memref<1x1024xf32, #tpu.memory_space<vmem>>, vector<1x16xf32>,
    %swap3A_737 = vector.shape_cast %swap3A_736 : vector<1x16xf32> to vector<16xf32>
    %swap3A_738 = vector.shape_cast %add3A_732 : vector<16xf32> to vector<1x16xf32>
    tpu.vector_store %arg7[%swap3A_734, %swap3A_735], %swap3A_738 {strides = array<i32>} : memref<1x1024xf32, #tpu.memory_space<vmem>>, vector<1x16xf32>,
    %get3A_739 = arith.constant 0 : i32
    %get3A_740 = arith.index_cast %get3A_739 : i32 to index
    %get3A_741 = arith.constant 672 : index
    %get3A_742 = tpu.vector_load %arg7[%get3A_740, %get3A_741] {strides = array<i32>} : memref<1x1024xf32, #tpu.memory_space<vmem>>, vector<1x16xf32>,
    %get3A_743 = vector.shape_cast %get3A_742 : vector<1x16xf32> to vector<16xf32>
    %get3A_744 = arith.constant 0 : i32
    %get3A_745 = arith.index_cast %get3A_744 : i32 to index
    %get3A_746 = arith.constant 672 : index
    %get3A_747 = tpu.vector_load %arg9[%get3A_745, %get3A_746] {strides = array<i32>} : memref<1x1024xf32, #tpu.memory_space<vmem>>, vector<1x16xf32>,
    %get3A_748 = vector.shape_cast %get3A_747 : vector<1x16xf32> to vector<16xf32>
    %add3A_749 = arith.addf %get3A_743, %get3A_748 : vector<16xf32>
    %swap3A_750 = arith.constant 0 : i32
    %swap3A_751 = arith.index_cast %swap3A_750 : i32 to index
    %swap3A_752 = arith.constant 672 : index
    %swap3A_753 = tpu.vector_load %arg7[%swap3A_751, %swap3A_752] {strides = array<i32>} : memref<1x1024xf32, #tpu.memory_space<vmem>>, vector<1x16xf32>,
    %swap3A_754 = vector.shape_cast %swap3A_753 : vector<1x16xf32> to vector<16xf32>
    %swap3A_755 = vector.shape_cast %add3A_749 : vector<16xf32> to vector<1x16xf32>
    tpu.vector_store %arg7[%swap3A_751, %swap3A_752], %swap3A_755 {strides = array<i32>} : memref<1x1024xf32, #tpu.memory_space<vmem>>, vector<1x16xf32>,
    %get3A_756 = arith.constant 0 : i32
    %get3A_757 = arith.index_cast %get3A_756 : i32 to index
    %get3A_758 = arith.constant 688 : index
    %get3A_759 = tpu.vector_load %arg7[%get3A_757, %get3A_758] {strides = array<i32>} : memref<1x1024xf32, #tpu.memory_space<vmem>>, vector<1x16xf32>,
    %get3A_760 = vector.shape_cast %get3A_759 : vector<1x16xf32> to vector<16xf32>
    %get3A_761 = arith.constant 0 : i32
    %get3A_762 = arith.index_cast %get3A_761 : i32 to index
    %get3A_763 = arith.constant 688 : index
    %get3A_764 = tpu.vector_load %arg9[%get3A_762, %get3A_763] {strides = array<i32>} : memref<1x1024xf32, #tpu.memory_space<vmem>>, vector<1x16xf32>,
    %get3A_765 = vector.shape_cast %get3A_764 : vector<1x16xf32> to vector<16xf32>
    %add3A_766 = arith.addf %get3A_760, %get3A_765 : vector<16xf32>
    %swap3A_767 = arith.constant 0 : i32
    %swap3A_768 = arith.index_cast %swap3A_767 : i32 to index
    %swap3A_769 = arith.constant 688 : index
    %swap3A_770 = tpu.vector_load %arg7[%swap3A_768, %swap3A_769] {strides = array<i32>} : memref<1x1024xf32, #tpu.memory_space<vmem>>, vector<1x16xf32>,
    %swap3A_771 = vector.shape_cast %swap3A_770 : vector<1x16xf32> to vector<16xf32>
    %swap3A_772 = vector.shape_cast %add3A_766 : vector<16xf32> to vector<1x16xf32>
    tpu.vector_store %arg7[%swap3A_768, %swap3A_769], %swap3A_772 {strides = array<i32>} : memref<1x1024xf32, #tpu.memory_space<vmem>>, vector<1x16xf32>,
    %get3A_773 = arith.constant 0 : i32
    %get3A_774 = arith.index_cast %get3A_773 : i32 to index
    %get3A_775 = arith.constant 704 : index
    %get3A_776 = tpu.vector_load %arg7[%get3A_774, %get3A_775] {strides = array<i32>} : memref<1x1024xf32, #tpu.memory_space<vmem>>, vector<1x16xf32>,
    %get3A_777 = vector.shape_cast %get3A_776 : vector<1x16xf32> to vector<16xf32>
    %get3A_778 = arith.constant 0 : i32
    %get3A_779 = arith.index_cast %get3A_778 : i32 to index
    %get3A_780 = arith.constant 704 : index
    %get3A_781 = tpu.vector_load %arg9[%get3A_779, %get3A_780] {strides = array<i32>} : memref<1x1024xf32, #tpu.memory_space<vmem>>, vector<1x16xf32>,
    %get3A_782 = vector.shape_cast %get3A_781 : vector<1x16xf32> to vector<16xf32>
    %add3A_783 = arith.addf %get3A_777, %get3A_782 : vector<16xf32>
    %swap3A_784 = arith.constant 0 : i32
    %swap3A_785 = arith.index_cast %swap3A_784 : i32 to index
    %swap3A_786 = arith.constant 704 : index
    %swap3A_787 = tpu.vector_load %arg7[%swap3A_785, %swap3A_786] {strides = array<i32>} : memref<1x1024xf32, #tpu.memory_space<vmem>>, vector<1x16xf32>,
    %swap3A_788 = vector.shape_cast %swap3A_787 : vector<1x16xf32> to vector<16xf32>
    %swap3A_789 = vector.shape_cast %add3A_783 : vector<16xf32> to vector<1x16xf32>
    tpu.vector_store %arg7[%swap3A_785, %swap3A_786], %swap3A_789 {strides = array<i32>} : memref<1x1024xf32, #tpu.memory_space<vmem>>, vector<1x16xf32>,
    %get3A_790 = arith.constant 0 : i32
    %get3A_791 = arith.index_cast %get3A_790 : i32 to index
    %get3A_792 = arith.constant 720 : index
    %get3A_793 = tpu.vector_load %arg7[%get3A_791, %get3A_792] {strides = array<i32>} : memref<1x1024xf32, #tpu.memory_space<vmem>>, vector<1x16xf32>,
    %get3A_794 = vector.shape_cast %get3A_793 : vector<1x16xf32> to vector<16xf32>
    %get3A_795 = arith.constant 0 : i32
    %get3A_796 = arith.index_cast %get3A_795 : i32 to index
    %get3A_797 = arith.constant 720 : index
    %get3A_798 = tpu.vector_load %arg9[%get3A_796, %get3A_797] {strides = array<i32>} : memref<1x1024xf32, #tpu.memory_space<vmem>>, vector<1x16xf32>,
    %get3A_799 = vector.shape_cast %get3A_798 : vector<1x16xf32> to vector<16xf32>
    %add3A_800 = arith.addf %get3A_794, %get3A_799 : vector<16xf32>
    %swap3A_801 = arith.constant 0 : i32
    %swap3A_802 = arith.index_cast %swap3A_801 : i32 to index
    %swap3A_803 = arith.constant 720 : index
    %swap3A_804 = tpu.vector_load %arg7[%swap3A_802, %swap3A_803] {strides = array<i32>} : memref<1x1024xf32, #tpu.memory_space<vmem>>, vector<1x16xf32>,
    %swap3A_805 = vector.shape_cast %swap3A_804 : vector<1x16xf32> to vector<16xf32>
    %swap3A_806 = vector.shape_cast %add3A_800 : vector<16xf32> to vector<1x16xf32>
    tpu.vector_store %arg7[%swap3A_802, %swap3A_803], %swap3A_806 {strides = array<i32>} : memref<1x1024xf32, #tpu.memory_space<vmem>>, vector<1x16xf32>,
    %get3A_807 = arith.constant 0 : i32
    %get3A_808 = arith.index_cast %get3A_807 : i32 to index
    %get3A_809 = arith.constant 736 : index
    %get3A_810 = tpu.vector_load %arg7[%get3A_808, %get3A_809] {strides = array<i32>} : memref<1x1024xf32, #tpu.memory_space<vmem>>, vector<1x16xf32>,
    %get3A_811 = vector.shape_cast %get3A_810 : vector<1x16xf32> to vector<16xf32>
    %get3A_812 = arith.constant 0 : i32
    %get3A_813 = arith.index_cast %get3A_812 : i32 to index
    %get3A_814 = arith.constant 736 : index
    %get3A_815 = tpu.vector_load %arg9[%get3A_813, %get3A_814] {strides = array<i32>} : memref<1x1024xf32, #tpu.memory_space<vmem>>, vector<1x16xf32>,
    %get3A_816 = vector.shape_cast %get3A_815 : vector<1x16xf32> to vector<16xf32>
    %add3A_817 = arith.addf %get3A_811, %get3A_816 : vector<16xf32>
    %swap3A_818 = arith.constant 0 : i32
    %swap3A_819 = arith.index_cast %swap3A_818 : i32 to index
    %swap3A_820 = arith.constant 736 : index
    %swap3A_821 = tpu.vector_load %arg7[%swap3A_819, %swap3A_820] {strides = array<i32>} : memref<1x1024xf32, #tpu.memory_space<vmem>>, vector<1x16xf32>,
    %swap3A_822 = vector.shape_cast %swap3A_821 : vector<1x16xf32> to vector<16xf32>
    %swap3A_823 = vector.shape_cast %add3A_817 : vector<16xf32> to vector<1x16xf32>
    tpu.vector_store %arg7[%swap3A_819, %swap3A_820], %swap3A_823 {strides = array<i32>} : memref<1x1024xf32, #tpu.memory_space<vmem>>, vector<1x16xf32>,
    %get3A_824 = arith.constant 0 : i32
    %get3A_825 = arith.index_cast %get3A_824 : i32 to index
    %get3A_826 = arith.constant 752 : index
    %get3A_827 = tpu.vector_load %arg7[%get3A_825, %get3A_826] {strides = array<i32>} : memref<1x1024xf32, #tpu.memory_space<vmem>>, vector<1x16xf32>,
    %get3A_828 = vector.shape_cast %get3A_827 : vector<1x16xf32> to vector<16xf32>
    %get3A_829 = arith.constant 0 : i32
    %get3A_830 = arith.index_cast %get3A_829 : i32 to index
    %get3A_831 = arith.constant 752 : index
    %get3A_832 = tpu.vector_load %arg9[%get3A_830, %get3A_831] {strides = array<i32>} : memref<1x1024xf32, #tpu.memory_space<vmem>>, vector<1x16xf32>,
    %get3A_833 = vector.shape_cast %get3A_832 : vector<1x16xf32> to vector<16xf32>
    %add3A_834 = arith.addf %get3A_828, %get3A_833 : vector<16xf32>
    %swap3A_835 = arith.constant 0 : i32
    %swap3A_836 = arith.index_cast %swap3A_835 : i32 to index
    %swap3A_837 = arith.constant 752 : index
    %swap3A_838 = tpu.vector_load %arg7[%swap3A_836, %swap3A_837] {strides = array<i32>} : memref<1x1024xf32, #tpu.memory_space<vmem>>, vector<1x16xf32>,
    %swap3A_839 = vector.shape_cast %swap3A_838 : vector<1x16xf32> to vector<16xf32>
    %swap3A_840 = vector.shape_cast %add3A_834 : vector<16xf32> to vector<1x16xf32>
    tpu.vector_store %arg7[%swap3A_836, %swap3A_837], %swap3A_840 {strides = array<i32>} : memref<1x1024xf32, #tpu.memory_space<vmem>>, vector<1x16xf32>,
    %get3A_841 = arith.constant 0 : i32
    %get3A_842 = arith.index_cast %get3A_841 : i32 to index
    %get3A_843 = arith.constant 768 : index
    %get3A_844 = tpu.vector_load %arg7[%get3A_842, %get3A_843] {strides = array<i32>} : memref<1x1024xf32, #tpu.memory_space<vmem>>, vector<1x16xf32>,
    %get3A_845 = vector.shape_cast %get3A_844 : vector<1x16xf32> to vector<16xf32>
    %get3A_846 = arith.constant 0 : i32
    %get3A_847 = arith.index_cast %get3A_846 : i32 to index
    %get3A_848 = arith.constant 768 : index
    %get3A_849 = tpu.vector_load %arg9[%get3A_847, %get3A_848] {strides = array<i32>} : memref<1x1024xf32, #tpu.memory_space<vmem>>, vector<1x16xf32>,
    %get3A_850 = vector.shape_cast %get3A_849 : vector<1x16xf32> to vector<16xf32>
    %add3A_851 = arith.addf %get3A_845, %get3A_850 : vector<16xf32>
    %swap3A_852 = arith.constant 0 : i32
    %swap3A_853 = arith.index_cast %swap3A_852 : i32 to index
    %swap3A_854 = arith.constant 768 : index
    %swap3A_855 = tpu.vector_load %arg7[%swap3A_853, %swap3A_854] {strides = array<i32>} : memref<1x1024xf32, #tpu.memory_space<vmem>>, vector<1x16xf32>,
    %swap3A_856 = vector.shape_cast %swap3A_855 : vector<1x16xf32> to vector<16xf32>
    %swap3A_857 = vector.shape_cast %add3A_851 : vector<16xf32> to vector<1x16xf32>
    tpu.vector_store %arg7[%swap3A_853, %swap3A_854], %swap3A_857 {strides = array<i32>} : memref<1x1024xf32, #tpu.memory_space<vmem>>, vector<1x16xf32>,
    %get3A_858 = arith.constant 0 : i32
    %get3A_859 = arith.index_cast %get3A_858 : i32 to index
    %get3A_860 = arith.constant 784 : index
    %get3A_861 = tpu.vector_load %arg7[%get3A_859, %get3A_860] {strides = array<i32>} : memref<1x1024xf32, #tpu.memory_space<vmem>>, vector<1x16xf32>,
    %get3A_862 = vector.shape_cast %get3A_861 : vector<1x16xf32> to vector<16xf32>
    %get3A_863 = arith.constant 0 : i32
    %get3A_864 = arith.index_cast %get3A_863 : i32 to index
    %get3A_865 = arith.constant 784 : index
    %get3A_866 = tpu.vector_load %arg9[%get3A_864, %get3A_865] {strides = array<i32>} : memref<1x1024xf32, #tpu.memory_space<vmem>>, vector<1x16xf32>,
    %get3A_867 = vector.shape_cast %get3A_866 : vector<1x16xf32> to vector<16xf32>
    %add3A_868 = arith.addf %get3A_862, %get3A_867 : vector<16xf32>
    %swap3A_869 = arith.constant 0 : i32
    %swap3A_870 = arith.index_cast %swap3A_869 : i32 to index
    %swap3A_871 = arith.constant 784 : index
    %swap3A_872 = tpu.vector_load %arg7[%swap3A_870, %swap3A_871] {strides = array<i32>} : memref<1x1024xf32, #tpu.memory_space<vmem>>, vector<1x16xf32>,
    %swap3A_873 = vector.shape_cast %swap3A_872 : vector<1x16xf32> to vector<16xf32>
    %swap3A_874 = vector.shape_cast %add3A_868 : vector<16xf32> to vector<1x16xf32>
    tpu.vector_store %arg7[%swap3A_870, %swap3A_871], %swap3A_874 {strides = array<i32>} : memref<1x1024xf32, #tpu.memory_space<vmem>>, vector<1x16xf32>,
    %get3A_875 = arith.constant 0 : i32
    %get3A_876 = arith.index_cast %get3A_875 : i32 to index
    %get3A_877 = arith.constant 800 : index
    %get3A_878 = tpu.vector_load %arg7[%get3A_876, %get3A_877] {strides = array<i32>} : memref<1x1024xf32, #tpu.memory_space<vmem>>, vector<1x16xf32>,
    %get3A_879 = vector.shape_cast %get3A_878 : vector<1x16xf32> to vector<16xf32>
    %get3A_880 = arith.constant 0 : i32
    %get3A_881 = arith.index_cast %get3A_880 : i32 to index
    %get3A_882 = arith.constant 800 : index
    %get3A_883 = tpu.vector_load %arg9[%get3A_881, %get3A_882] {strides = array<i32>} : memref<1x1024xf32, #tpu.memory_space<vmem>>, vector<1x16xf32>,
    %get3A_884 = vector.shape_cast %get3A_883 : vector<1x16xf32> to vector<16xf32>
    %add3A_885 = arith.addf %get3A_879, %get3A_884 : vector<16xf32>
    %swap3A_886 = arith.constant 0 : i32
    %swap3A_887 = arith.index_cast %swap3A_886 : i32 to index
    %swap3A_888 = arith.constant 800 : index
    %swap3A_889 = tpu.vector_load %arg7[%swap3A_887, %swap3A_888] {strides = array<i32>} : memref<1x1024xf32, #tpu.memory_space<vmem>>, vector<1x16xf32>,
    %swap3A_890 = vector.shape_cast %swap3A_889 : vector<1x16xf32> to vector<16xf32>
    %swap3A_891 = vector.shape_cast %add3A_885 : vector<16xf32> to vector<1x16xf32>
    tpu.vector_store %arg7[%swap3A_887, %swap3A_888], %swap3A_891 {strides = array<i32>} : memref<1x1024xf32, #tpu.memory_space<vmem>>, vector<1x16xf32>,
    %get3A_892 = arith.constant 0 : i32
    %get3A_893 = arith.index_cast %get3A_892 : i32 to index
    %get3A_894 = arith.constant 816 : index
    %get3A_895 = tpu.vector_load %arg7[%get3A_893, %get3A_894] {strides = array<i32>} : memref<1x1024xf32, #tpu.memory_space<vmem>>, vector<1x16xf32>,
    %get3A_896 = vector.shape_cast %get3A_895 : vector<1x16xf32> to vector<16xf32>
    %get3A_897 = arith.constant 0 : i32
    %get3A_898 = arith.index_cast %get3A_897 : i32 to index
    %get3A_899 = arith.constant 816 : index
    %get3A_900 = tpu.vector_load %arg9[%get3A_898, %get3A_899] {strides = array<i32>} : memref<1x1024xf32, #tpu.memory_space<vmem>>, vector<1x16xf32>,
    %get3A_901 = vector.shape_cast %get3A_900 : vector<1x16xf32> to vector<16xf32>
    %add3A_902 = arith.addf %get3A_896, %get3A_901 : vector<16xf32>
    %swap3A_903 = arith.constant 0 : i32
    %swap3A_904 = arith.index_cast %swap3A_903 : i32 to index
    %swap3A_905 = arith.constant 816 : index
    %swap3A_906 = tpu.vector_load %arg7[%swap3A_904, %swap3A_905] {strides = array<i32>} : memref<1x1024xf32, #tpu.memory_space<vmem>>, vector<1x16xf32>,
    %swap3A_907 = vector.shape_cast %swap3A_906 : vector<1x16xf32> to vector<16xf32>
    %swap3A_908 = vector.shape_cast %add3A_902 : vector<16xf32> to vector<1x16xf32>
    tpu.vector_store %arg7[%swap3A_904, %swap3A_905], %swap3A_908 {strides = array<i32>} : memref<1x1024xf32, #tpu.memory_space<vmem>>, vector<1x16xf32>,
    %get3A_909 = arith.constant 0 : i32
    %get3A_910 = arith.index_cast %get3A_909 : i32 to index
    %get3A_911 = arith.constant 832 : index
    %get3A_912 = tpu.vector_load %arg7[%get3A_910, %get3A_911] {strides = array<i32>} : memref<1x1024xf32, #tpu.memory_space<vmem>>, vector<1x16xf32>,
    %get3A_913 = vector.shape_cast %get3A_912 : vector<1x16xf32> to vector<16xf32>
    %get3A_914 = arith.constant 0 : i32
    %get3A_915 = arith.index_cast %get3A_914 : i32 to index
    %get3A_916 = arith.constant 832 : index
    %get3A_917 = tpu.vector_load %arg9[%get3A_915, %get3A_916] {strides = array<i32>} : memref<1x1024xf32, #tpu.memory_space<vmem>>, vector<1x16xf32>,
    %get3A_918 = vector.shape_cast %get3A_917 : vector<1x16xf32> to vector<16xf32>
    %add3A_919 = arith.addf %get3A_913, %get3A_918 : vector<16xf32>
    %swap3A_920 = arith.constant 0 : i32
    %swap3A_921 = arith.index_cast %swap3A_920 : i32 to index
    %swap3A_922 = arith.constant 832 : index
    %swap3A_923 = tpu.vector_load %arg7[%swap3A_921, %swap3A_922] {strides = array<i32>} : memref<1x1024xf32, #tpu.memory_space<vmem>>, vector<1x16xf32>,
    %swap3A_924 = vector.shape_cast %swap3A_923 : vector<1x16xf32> to vector<16xf32>
    %swap3A_925 = vector.shape_cast %add3A_919 : vector<16xf32> to vector<1x16xf32>
    tpu.vector_store %arg7[%swap3A_921, %swap3A_922], %swap3A_925 {strides = array<i32>} : memref<1x1024xf32, #tpu.memory_space<vmem>>, vector<1x16xf32>,
    %get3A_926 = arith.constant 0 : i32
    %get3A_927 = arith.index_cast %get3A_926 : i32 to index
    %get3A_928 = arith.constant 848 : index
    %get3A_929 = tpu.vector_load %arg7[%get3A_927, %get3A_928] {strides = array<i32>} : memref<1x1024xf32, #tpu.memory_space<vmem>>, vector<1x16xf32>,
    %get3A_930 = vector.shape_cast %get3A_929 : vector<1x16xf32> to vector<16xf32>
    %get3A_931 = arith.constant 0 : i32
    %get3A_932 = arith.index_cast %get3A_931 : i32 to index
    %get3A_933 = arith.constant 848 : index
    %get3A_934 = tpu.vector_load %arg9[%get3A_932, %get3A_933] {strides = array<i32>} : memref<1x1024xf32, #tpu.memory_space<vmem>>, vector<1x16xf32>,
    %get3A_935 = vector.shape_cast %get3A_934 : vector<1x16xf32> to vector<16xf32>
    %add3A_936 = arith.addf %get3A_930, %get3A_935 : vector<16xf32>
    %swap3A_937 = arith.constant 0 : i32
    %swap3A_938 = arith.index_cast %swap3A_937 : i32 to index
    %swap3A_939 = arith.constant 848 : index
    %swap3A_940 = tpu.vector_load %arg7[%swap3A_938, %swap3A_939] {strides = array<i32>} : memref<1x1024xf32, #tpu.memory_space<vmem>>, vector<1x16xf32>,
    %swap3A_941 = vector.shape_cast %swap3A_940 : vector<1x16xf32> to vector<16xf32>
    %swap3A_942 = vector.shape_cast %add3A_936 : vector<16xf32> to vector<1x16xf32>
    tpu.vector_store %arg7[%swap3A_938, %swap3A_939], %swap3A_942 {strides = array<i32>} : memref<1x1024xf32, #tpu.memory_space<vmem>>, vector<1x16xf32>,
    %get3A_943 = arith.constant 0 : i32
    %get3A_944 = arith.index_cast %get3A_943 : i32 to index
    %get3A_945 = arith.constant 864 : index
    %get3A_946 = tpu.vector_load %arg7[%get3A_944, %get3A_945] {strides = array<i32>} : memref<1x1024xf32, #tpu.memory_space<vmem>>, vector<1x16xf32>,
    %get3A_947 = vector.shape_cast %get3A_946 : vector<1x16xf32> to vector<16xf32>
    %get3A_948 = arith.constant 0 : i32
    %get3A_949 = arith.index_cast %get3A_948 : i32 to index
    %get3A_950 = arith.constant 864 : index
    %get3A_951 = tpu.vector_load %arg9[%get3A_949, %get3A_950] {strides = array<i32>} : memref<1x1024xf32, #tpu.memory_space<vmem>>, vector<1x16xf32>,
    %get3A_952 = vector.shape_cast %get3A_951 : vector<1x16xf32> to vector<16xf32>
    %add3A_953 = arith.addf %get3A_947, %get3A_952 : vector<16xf32>
    %swap3A_954 = arith.constant 0 : i32
    %swap3A_955 = arith.index_cast %swap3A_954 : i32 to index
    %swap3A_956 = arith.constant 864 : index
    %swap3A_957 = tpu.vector_load %arg7[%swap3A_955, %swap3A_956] {strides = array<i32>} : memref<1x1024xf32, #tpu.memory_space<vmem>>, vector<1x16xf32>,
    %swap3A_958 = vector.shape_cast %swap3A_957 : vector<1x16xf32> to vector<16xf32>
    %swap3A_959 = vector.shape_cast %add3A_953 : vector<16xf32> to vector<1x16xf32>
    tpu.vector_store %arg7[%swap3A_955, %swap3A_956], %swap3A_959 {strides = array<i32>} : memref<1x1024xf32, #tpu.memory_space<vmem>>, vector<1x16xf32>,
    %get3A_960 = arith.constant 0 : i32
    %get3A_961 = arith.index_cast %get3A_960 : i32 to index
    %get3A_962 = arith.constant 880 : index
    %get3A_963 = tpu.vector_load %arg7[%get3A_961, %get3A_962] {strides = array<i32>} : memref<1x1024xf32, #tpu.memory_space<vmem>>, vector<1x16xf32>,
    %get3A_964 = vector.shape_cast %get3A_963 : vector<1x16xf32> to vector<16xf32>
    %get3A_965 = arith.constant 0 : i32
    %get3A_966 = arith.index_cast %get3A_965 : i32 to index
    %get3A_967 = arith.constant 880 : index
    %get3A_968 = tpu.vector_load %arg9[%get3A_966, %get3A_967] {strides = array<i32>} : memref<1x1024xf32, #tpu.memory_space<vmem>>, vector<1x16xf32>,
    %get3A_969 = vector.shape_cast %get3A_968 : vector<1x16xf32> to vector<16xf32>
    %add3A_970 = arith.addf %get3A_964, %get3A_969 : vector<16xf32>
    %swap3A_971 = arith.constant 0 : i32
    %swap3A_972 = arith.index_cast %swap3A_971 : i32 to index
    %swap3A_973 = arith.constant 880 : index
    %swap3A_974 = tpu.vector_load %arg7[%swap3A_972, %swap3A_973] {strides = array<i32>} : memref<1x1024xf32, #tpu.memory_space<vmem>>, vector<1x16xf32>,
    %swap3A_975 = vector.shape_cast %swap3A_974 : vector<1x16xf32> to vector<16xf32>
    %swap3A_976 = vector.shape_cast %add3A_970 : vector<16xf32> to vector<1x16xf32>
    tpu.vector_store %arg7[%swap3A_972, %swap3A_973], %swap3A_976 {strides = array<i32>} : memref<1x1024xf32, #tpu.memory_space<vmem>>, vector<1x16xf32>,
    %get3A_977 = arith.constant 0 : i32
    %get3A_978 = arith.index_cast %get3A_977 : i32 to index
    %get3A_979 = arith.constant 896 : index
    %get3A_980 = tpu.vector_load %arg7[%get3A_978, %get3A_979] {strides = array<i32>} : memref<1x1024xf32, #tpu.memory_space<vmem>>, vector<1x16xf32>,
    %get3A_981 = vector.shape_cast %get3A_980 : vector<1x16xf32> to vector<16xf32>
    %get3A_982 = arith.constant 0 : i32
    %get3A_983 = arith.index_cast %get3A_982 : i32 to index
    %get3A_984 = arith.constant 896 : index
    %get3A_985 = tpu.vector_load %arg9[%get3A_983, %get3A_984] {strides = array<i32>} : memref<1x1024xf32, #tpu.memory_space<vmem>>, vector<1x16xf32>,
    %get3A_986 = vector.shape_cast %get3A_985 : vector<1x16xf32> to vector<16xf32>
    %add3A_987 = arith.addf %get3A_981, %get3A_986 : vector<16xf32>
    %swap3A_988 = arith.constant 0 : i32
    %swap3A_989 = arith.index_cast %swap3A_988 : i32 to index
    %swap3A_990 = arith.constant 896 : index
    %swap3A_991 = tpu.vector_load %arg7[%swap3A_989, %swap3A_990] {strides = array<i32>} : memref<1x1024xf32, #tpu.memory_space<vmem>>, vector<1x16xf32>,
    %swap3A_992 = vector.shape_cast %swap3A_991 : vector<1x16xf32> to vector<16xf32>
    %swap3A_993 = vector.shape_cast %add3A_987 : vector<16xf32> to vector<1x16xf32>
    tpu.vector_store %arg7[%swap3A_989, %swap3A_990], %swap3A_993 {strides = array<i32>} : memref<1x1024xf32, #tpu.memory_space<vmem>>, vector<1x16xf32>,
    %get3A_994 = arith.constant 0 : i32
    %get3A_995 = arith.index_cast %get3A_994 : i32 to index
    %get3A_996 = arith.constant 912 : index
    %get3A_997 = tpu.vector_load %arg7[%get3A_995, %get3A_996] {strides = array<i32>} : memref<1x1024xf32, #tpu.memory_space<vmem>>, vector<1x16xf32>,
    %get3A_998 = vector.shape_cast %get3A_997 : vector<1x16xf32> to vector<16xf32>
    %get3A_999 = arith.constant 0 : i32
    %get3A_1000 = arith.index_cast %get3A_999 : i32 to index
    %get3A_1001 = arith.constant 912 : index
    %get3A_1002 = tpu.vector_load %arg9[%get3A_1000, %get3A_1001] {strides = array<i32>} : memref<1x1024xf32, #tpu.memory_space<vmem>>, vector<1x16xf32>,
    %get3A_1003 = vector.shape_cast %get3A_1002 : vector<1x16xf32> to vector<16xf32>
    %add3A_1004 = arith.addf %get3A_998, %get3A_1003 : vector<16xf32>
    %swap3A_1005 = arith.constant 0 : i32
    %swap3A_1006 = arith.index_cast %swap3A_1005 : i32 to index
    %swap3A_1007 = arith.constant 912 : index
    %swap3A_1008 = tpu.vector_load %arg7[%swap3A_1006, %swap3A_1007] {strides = array<i32>} : memref<1x1024xf32, #tpu.memory_space<vmem>>, vector<1x16xf32>,
    %swap3A_1009 = vector.shape_cast %swap3A_1008 : vector<1x16xf32> to vector<16xf32>
    %swap3A_1010 = vector.shape_cast %add3A_1004 : vector<16xf32> to vector<1x16xf32>
    tpu.vector_store %arg7[%swap3A_1006, %swap3A_1007], %swap3A_1010 {strides = array<i32>} : memref<1x1024xf32, #tpu.memory_space<vmem>>, vector<1x16xf32>,
    %get3A_1011 = arith.constant 0 : i32
    %get3A_1012 = arith.index_cast %get3A_1011 : i32 to index
    %get3A_1013 = arith.constant 928 : index
    %get3A_1014 = tpu.vector_load %arg7[%get3A_1012, %get3A_1013] {strides = array<i32>} : memref<1x1024xf32, #tpu.memory_space<vmem>>, vector<1x16xf32>,
    %get3A_1015 = vector.shape_cast %get3A_1014 : vector<1x16xf32> to vector<16xf32>
    %get3A_1016 = arith.constant 0 : i32
    %get3A_1017 = arith.index_cast %get3A_1016 : i32 to index
    %get3A_1018 = arith.constant 928 : index
    %get3A_1019 = tpu.vector_load %arg9[%get3A_1017, %get3A_1018] {strides = array<i32>} : memref<1x1024xf32, #tpu.memory_space<vmem>>, vector<1x16xf32>,
    %get3A_1020 = vector.shape_cast %get3A_1019 : vector<1x16xf32> to vector<16xf32>
    %add3A_1021 = arith.addf %get3A_1015, %get3A_1020 : vector<16xf32>
    %swap3A_1022 = arith.constant 0 : i32
    %swap3A_1023 = arith.index_cast %swap3A_1022 : i32 to index
    %swap3A_1024 = arith.constant 928 : index
    %swap3A_1025 = tpu.vector_load %arg7[%swap3A_1023, %swap3A_1024] {strides = array<i32>} : memref<1x1024xf32, #tpu.memory_space<vmem>>, vector<1x16xf32>,
    %swap3A_1026 = vector.shape_cast %swap3A_1025 : vector<1x16xf32> to vector<16xf32>
    %swap3A_1027 = vector.shape_cast %add3A_1021 : vector<16xf32> to vector<1x16xf32>
    tpu.vector_store %arg7[%swap3A_1023, %swap3A_1024], %swap3A_1027 {strides = array<i32>} : memref<1x1024xf32, #tpu.memory_space<vmem>>, vector<1x16xf32>,
    %get3A_1028 = arith.constant 0 : i32
    %get3A_1029 = arith.index_cast %get3A_1028 : i32 to index
    %get3A_1030 = arith.constant 944 : index
    %get3A_1031 = tpu.vector_load %arg7[%get3A_1029, %get3A_1030] {strides = array<i32>} : memref<1x1024xf32, #tpu.memory_space<vmem>>, vector<1x16xf32>,
    %get3A_1032 = vector.shape_cast %get3A_1031 : vector<1x16xf32> to vector<16xf32>
    %get3A_1033 = arith.constant 0 : i32
    %get3A_1034 = arith.index_cast %get3A_1033 : i32 to index
    %get3A_1035 = arith.constant 944 : index
    %get3A_1036 = tpu.vector_load %arg9[%get3A_1034, %get3A_1035] {strides = array<i32>} : memref<1x1024xf32, #tpu.memory_space<vmem>>, vector<1x16xf32>,
    %get3A_1037 = vector.shape_cast %get3A_1036 : vector<1x16xf32> to vector<16xf32>
    %add3A_1038 = arith.addf %get3A_1032, %get3A_1037 : vector<16xf32>
    %swap3A_1039 = arith.constant 0 : i32
    %swap3A_1040 = arith.index_cast %swap3A_1039 : i32 to index
    %swap3A_1041 = arith.constant 944 : index
    %swap3A_1042 = tpu.vector_load %arg7[%swap3A_1040, %swap3A_1041] {strides = array<i32>} : memref<1x1024xf32, #tpu.memory_space<vmem>>, vector<1x16xf32>,
    %swap3A_1043 = vector.shape_cast %swap3A_1042 : vector<1x16xf32> to vector<16xf32>
    %swap3A_1044 = vector.shape_cast %add3A_1038 : vector<16xf32> to vector<1x16xf32>
    tpu.vector_store %arg7[%swap3A_1040, %swap3A_1041], %swap3A_1044 {strides = array<i32>} : memref<1x1024xf32, #tpu.memory_space<vmem>>, vector<1x16xf32>,
    %get3A_1045 = arith.constant 0 : i32
    %get3A_1046 = arith.index_cast %get3A_1045 : i32 to index
    %get3A_1047 = arith.constant 960 : index
    %get3A_1048 = tpu.vector_load %arg7[%get3A_1046, %get3A_1047] {strides = array<i32>} : memref<1x1024xf32, #tpu.memory_space<vmem>>, vector<1x16xf32>,
    %get3A_1049 = vector.shape_cast %get3A_1048 : vector<1x16xf32> to vector<16xf32>
    %get3A_1050 = arith.constant 0 : i32
    %get3A_1051 = arith.index_cast %get3A_1050 : i32 to index
    %get3A_1052 = arith.constant 960 : index
    %get3A_1053 = tpu.vector_load %arg9[%get3A_1051, %get3A_1052] {strides = array<i32>} : memref<1x1024xf32, #tpu.memory_space<vmem>>, vector<1x16xf32>,
    %get3A_1054 = vector.shape_cast %get3A_1053 : vector<1x16xf32> to vector<16xf32>
    %add3A_1055 = arith.addf %get3A_1049, %get3A_1054 : vector<16xf32>
    %swap3A_1056 = arith.constant 0 : i32
    %swap3A_1057 = arith.index_cast %swap3A_1056 : i32 to index
    %swap3A_1058 = arith.constant 960 : index
    %swap3A_1059 = tpu.vector_load %arg7[%swap3A_1057, %swap3A_1058] {strides = array<i32>} : memref<1x1024xf32, #tpu.memory_space<vmem>>, vector<1x16xf32>,
    %swap3A_1060 = vector.shape_cast %swap3A_1059 : vector<1x16xf32> to vector<16xf32>
    %swap3A_1061 = vector.shape_cast %add3A_1055 : vector<16xf32> to vector<1x16xf32>
    tpu.vector_store %arg7[%swap3A_1057, %swap3A_1058], %swap3A_1061 {strides = array<i32>} : memref<1x1024xf32, #tpu.memory_space<vmem>>, vector<1x16xf32>,
    %get3A_1062 = arith.constant 0 : i32
    %get3A_1063 = arith.index_cast %get3A_1062 : i32 to index
    %get3A_1064 = arith.constant 976 : index
    %get3A_1065 = tpu.vector_load %arg7[%get3A_1063, %get3A_1064] {strides = array<i32>} : memref<1x1024xf32, #tpu.memory_space<vmem>>, vector<1x16xf32>,
    %get3A_1066 = vector.shape_cast %get3A_1065 : vector<1x16xf32> to vector<16xf32>
    %get3A_1067 = arith.constant 0 : i32
    %get3A_1068 = arith.index_cast %get3A_1067 : i32 to index
    %get3A_1069 = arith.constant 976 : index
    %get3A_1070 = tpu.vector_load %arg9[%get3A_1068, %get3A_1069] {strides = array<i32>} : memref<1x1024xf32, #tpu.memory_space<vmem>>, vector<1x16xf32>,
    %get3A_1071 = vector.shape_cast %get3A_1070 : vector<1x16xf32> to vector<16xf32>
    %add3A_1072 = arith.addf %get3A_1066, %get3A_1071 : vector<16xf32>
    %swap3A_1073 = arith.constant 0 : i32
    %swap3A_1074 = arith.index_cast %swap3A_1073 : i32 to index
    %swap3A_1075 = arith.constant 976 : index
    %swap3A_1076 = tpu.vector_load %arg7[%swap3A_1074, %swap3A_1075] {strides = array<i32>} : memref<1x1024xf32, #tpu.memory_space<vmem>>, vector<1x16xf32>,
    %swap3A_1077 = vector.shape_cast %swap3A_1076 : vector<1x16xf32> to vector<16xf32>
    %swap3A_1078 = vector.shape_cast %add3A_1072 : vector<16xf32> to vector<1x16xf32>
    tpu.vector_store %arg7[%swap3A_1074, %swap3A_1075], %swap3A_1078 {strides = array<i32>} : memref<1x1024xf32, #tpu.memory_space<vmem>>, vector<1x16xf32>,
    %get3A_1079 = arith.constant 0 : i32
    %get3A_1080 = arith.index_cast %get3A_1079 : i32 to index
    %get3A_1081 = arith.constant 992 : index
    %get3A_1082 = tpu.vector_load %arg7[%get3A_1080, %get3A_1081] {strides = array<i32>} : memref<1x1024xf32, #tpu.memory_space<vmem>>, vector<1x16xf32>,
    %get3A_1083 = vector.shape_cast %get3A_1082 : vector<1x16xf32> to vector<16xf32>
    %get3A_1084 = arith.constant 0 : i32
    %get3A_1085 = arith.index_cast %get3A_1084 : i32 to index
    %get3A_1086 = arith.constant 992 : index
    %get3A_1087 = tpu.vector_load %arg9[%get3A_1085, %get3A_1086] {strides = array<i32>} : memref<1x1024xf32, #tpu.memory_space<vmem>>, vector<1x16xf32>,
    %get3A_1088 = vector.shape_cast %get3A_1087 : vector<1x16xf32> to vector<16xf32>
    %add3A_1089 = arith.addf %get3A_1083, %get3A_1088 : vector<16xf32>
    %swap3A_1090 = arith.constant 0 : i32
    %swap3A_1091 = arith.index_cast %swap3A_1090 : i32 to index
    %swap3A_1092 = arith.constant 992 : index
    %swap3A_1093 = tpu.vector_load %arg7[%swap3A_1091, %swap3A_1092] {strides = array<i32>} : memref<1x1024xf32, #tpu.memory_space<vmem>>, vector<1x16xf32>,
    %swap3A_1094 = vector.shape_cast %swap3A_1093 : vector<1x16xf32> to vector<16xf32>
    %swap3A_1095 = vector.shape_cast %add3A_1089 : vector<16xf32> to vector<1x16xf32>
    tpu.vector_store %arg7[%swap3A_1091, %swap3A_1092], %swap3A_1095 {strides = array<i32>} : memref<1x1024xf32, #tpu.memory_space<vmem>>, vector<1x16xf32>,
    %get3A_1096 = arith.constant 0 : i32
    %get3A_1097 = arith.index_cast %get3A_1096 : i32 to index
    %get3A_1098 = arith.constant 1008 : index
    %get3A_1099 = tpu.vector_load %arg7[%get3A_1097, %get3A_1098] {strides = array<i32>} : memref<1x1024xf32, #tpu.memory_space<vmem>>, vector<1x16xf32>,
    %get3A_1100 = vector.shape_cast %get3A_1099 : vector<1x16xf32> to vector<16xf32>
    %get3A_1101 = arith.constant 0 : i32
    %get3A_1102 = arith.index_cast %get3A_1101 : i32 to index
    %get3A_1103 = arith.constant 1008 : index
    %get3A_1104 = tpu.vector_load %arg9[%get3A_1102, %get3A_1103] {strides = array<i32>} : memref<1x1024xf32, #tpu.memory_space<vmem>>, vector<1x16xf32>,
    %get3A_1105 = vector.shape_cast %get3A_1104 : vector<1x16xf32> to vector<16xf32>
    %add3A_1106 = arith.addf %get3A_1100, %get3A_1105 : vector<16xf32>
    %swap3A_1107 = arith.constant 0 : i32
    %swap3A_1108 = arith.index_cast %swap3A_1107 : i32 to index
    %swap3A_1109 = arith.constant 1008 : index
    %swap3A_1110 = tpu.vector_load %arg7[%swap3A_1108, %swap3A_1109] {strides = array<i32>} : memref<1x1024xf32, #tpu.memory_space<vmem>>, vector<1x16xf32>,
    %swap3A_1111 = vector.shape_cast %swap3A_1110 : vector<1x16xf32> to vector<16xf32>
    %swap3A_1112 = vector.shape_cast %add3A_1106 : vector<16xf32> to vector<1x16xf32>
    tpu.vector_store %arg7[%swap3A_1108, %swap3A_1109], %swap3A_1112 {strides = array<i32>} : memref<1x1024xf32, #tpu.memory_space<vmem>>, vector<1x16xf32>,
    %mul3A = arith.constant 2 : i32
    %mul3A_1113 = arith.muli %arg1, %mul3A : i32
    %add3A_1114 = arith.constant 0 : i32
    %add3A_1115 = arith.addi %mul3A_1113, %add3A_1114 : i32
    %dma_start3A_1116 = arith.constant 0 : i32
    %dma_start3A_1117 = tpu.memref_slice %arg5[%add3A_1115, %dma_start3A_1116] : memref<32x1024xf32, #tpu.memory_space<hbm>> -> memref<1x1024xf32, #tpu.memory_space<hbm>>
    %dma_start3A_1118 = arith.constant 0 : i32
    %dma_start3A_1119 = tpu.memref_slice %arg5[%add3A_1115, %dma_start3A_1118] : memref<32x1024xf32, #tpu.memory_space<hbm>> -> memref<1x1024xf32, #tpu.memory_space<hbm>>
    tpu.enqueue_dma source(%arg7 : memref<1x1024xf32, #tpu.memory_space<vmem>>) target(%dma_start3A_1119 : memref<1x1024xf32, #tpu.memory_space<hbm>>) target_semaphore(%arg11 : memref<!tpu.dma_semaphore, #tpu.memory_space<semaphore_mem>>)
    %dma_wait3A_1120 = arith.constant 8 : i32
    %dma_wait3A_1121 = tpu.memref_slice %arg6[%dma_wait3A_1120] : memref<16xi32, #tpu.memory_space<vmem>> -> memref<1xi32, #tpu.memory_space<vmem>>
    %dma_wait3A_1122 = arith.constant 0 : i32
    %dma_wait3A_1123 = arith.constant 0 : i32
    %dma_wait3A_1124 = tpu.memref_slice %arg2[%dma_wait3A_1122, %dma_wait3A_1123] : memref<65536x1024xf32, #tpu.memory_space<hbm>> -> memref<65536x1024xf32, #tpu.memory_space<hbm>>
    tpu.wait_indirect_dma semaphore(%arg12 : memref<!tpu.dma_semaphore, #tpu.memory_space<semaphore_mem>>) src(%dma_wait3A_1124 : memref<65536x1024xf32, #tpu.memory_space<hbm>>) dst(%arg8 : memref<1x1024xf32, #tpu.memory_space<vmem>>)
    %dma_wait3A_1125 = arith.constant 8 : i32
    %dma_wait3A_1126 = tpu.memref_slice %arg6[%dma_wait3A_1125] : memref<16xi32, #tpu.memory_space<vmem>> -> memref<1xi32, #tpu.memory_space<vmem>>
    %dma_wait3A_1127 = arith.constant 0 : i32
    %dma_wait3A_1128 = arith.constant 0 : i32
    %dma_wait3A_1129 = tpu.memref_slice %arg3[%dma_wait3A_1127, %dma_wait3A_1128] : memref<65536x1024xf32, #tpu.memory_space<hbm>> -> memref<65536x1024xf32, #tpu.memory_space<hbm>>
    tpu.wait_indirect_dma semaphore(%arg12 : memref<!tpu.dma_semaphore, #tpu.memory_space<semaphore_mem>>) src(%dma_wait3A_1129 : memref<65536x1024xf32, #tpu.memory_space<hbm>>) dst(%arg10 : memref<1x1024xf32, #tpu.memory_space<vmem>>)
    %get3A_1130 = arith.constant 0 : i32
    %get3A_1131 = arith.index_cast %get3A_1130 : i32 to index
    %get3A_1132 = arith.constant 0 : index
    %get3A_1133 = tpu.vector_load %arg8[%get3A_1131, %get3A_1132] {strides = array<i32>} : memref<1x1024xf32, #tpu.memory_space<vmem>>, vector<1x16xf32>,
    %get3A_1134 = vector.shape_cast %get3A_1133 : vector<1x16xf32> to vector<16xf32>
    %get3A_1135 = arith.constant 0 : i32
    %get3A_1136 = arith.index_cast %get3A_1135 : i32 to index
    %get3A_1137 = arith.constant 0 : index
    %get3A_1138 = tpu.vector_load %arg10[%get3A_1136, %get3A_1137] {strides = array<i32>} : memref<1x1024xf32, #tpu.memory_space<vmem>>, vector<1x16xf32>,
    %get3A_1139 = vector.shape_cast %get3A_1138 : vector<1x16xf32> to vector<16xf32>
    %add3A_1140 = arith.addf %get3A_1134, %get3A_1139 : vector<16xf32>
    %swap3A_1141 = arith.constant 0 : i32
    %swap3A_1142 = arith.index_cast %swap3A_1141 : i32 to index
    %swap3A_1143 = arith.constant 0 : index
    %swap3A_1144 = tpu.vector_load %arg8[%swap3A_1142, %swap3A_1143] {strides = array<i32>} : memref<1x1024xf32, #tpu.memory_space<vmem>>, vector<1x16xf32>,
    %swap3A_1145 = vector.shape_cast %swap3A_1144 : vector<1x16xf32> to vector<16xf32>
    %swap3A_1146 = vector.shape_cast %add3A_1140 : vector<16xf32> to vector<1x16xf32>
    tpu.vector_store %arg8[%swap3A_1142, %swap3A_1143], %swap3A_1146 {strides = array<i32>} : memref<1x1024xf32, #tpu.memory_space<vmem>>, vector<1x16xf32>,
    %get3A_1147 = arith.constant 0 : i32
    %get3A_1148 = arith.index_cast %get3A_1147 : i32 to index
    %get3A_1149 = arith.constant 16 : index
    %get3A_1150 = tpu.vector_load %arg8[%get3A_1148, %get3A_1149] {strides = array<i32>} : memref<1x1024xf32, #tpu.memory_space<vmem>>, vector<1x16xf32>,
    %get3A_1151 = vector.shape_cast %get3A_1150 : vector<1x16xf32> to vector<16xf32>
    %get3A_1152 = arith.constant 0 : i32
    %get3A_1153 = arith.index_cast %get3A_1152 : i32 to index
    %get3A_1154 = arith.constant 16 : index
    %get3A_1155 = tpu.vector_load %arg10[%get3A_1153, %get3A_1154] {strides = array<i32>} : memref<1x1024xf32, #tpu.memory_space<vmem>>, vector<1x16xf32>,
    %get3A_1156 = vector.shape_cast %get3A_1155 : vector<1x16xf32> to vector<16xf32>
    %add3A_1157 = arith.addf %get3A_1151, %get3A_1156 : vector<16xf32>
    %swap3A_1158 = arith.constant 0 : i32
    %swap3A_1159 = arith.index_cast %swap3A_1158 : i32 to index
    %swap3A_1160 = arith.constant 16 : index
    %swap3A_1161 = tpu.vector_load %arg8[%swap3A_1159, %swap3A_1160] {strides = array<i32>} : memref<1x1024xf32, #tpu.memory_space<vmem>>, vector<1x16xf32>,
    %swap3A_1162 = vector.shape_cast %swap3A_1161 : vector<1x16xf32> to vector<16xf32>
    %swap3A_1163 = vector.shape_cast %add3A_1157 : vector<16xf32> to vector<1x16xf32>
    tpu.vector_store %arg8[%swap3A_1159, %swap3A_1160], %swap3A_1163 {strides = array<i32>} : memref<1x1024xf32, #tpu.memory_space<vmem>>, vector<1x16xf32>,
    %get3A_1164 = arith.constant 0 : i32
    %get3A_1165 = arith.index_cast %get3A_1164 : i32 to index
    %get3A_1166 = arith.constant 32 : index
    %get3A_1167 = tpu.vector_load %arg8[%get3A_1165, %get3A_1166] {strides = array<i32>} : memref<1x1024xf32, #tpu.memory_space<vmem>>, vector<1x16xf32>,
    %get3A_1168 = vector.shape_cast %get3A_1167 : vector<1x16xf32> to vector<16xf32>
    %get3A_1169 = arith.constant 0 : i32
    %get3A_1170 = arith.index_cast %get3A_1169 : i32 to index
    %get3A_1171 = arith.constant 32 : index
    %get3A_1172 = tpu.vector_load %arg10[%get3A_1170, %get3A_1171] {strides = array<i32>} : memref<1x1024xf32, #tpu.memory_space<vmem>>, vector<1x16xf32>,
    %get3A_1173 = vector.shape_cast %get3A_1172 : vector<1x16xf32> to vector<16xf32>
    %add3A_1174 = arith.addf %get3A_1168, %get3A_1173 : vector<16xf32>
    %swap3A_1175 = arith.constant 0 : i32
    %swap3A_1176 = arith.index_cast %swap3A_1175 : i32 to index
    %swap3A_1177 = arith.constant 32 : index
    %swap3A_1178 = tpu.vector_load %arg8[%swap3A_1176, %swap3A_1177] {strides = array<i32>} : memref<1x1024xf32, #tpu.memory_space<vmem>>, vector<1x16xf32>,
    %swap3A_1179 = vector.shape_cast %swap3A_1178 : vector<1x16xf32> to vector<16xf32>
    %swap3A_1180 = vector.shape_cast %add3A_1174 : vector<16xf32> to vector<1x16xf32>
    tpu.vector_store %arg8[%swap3A_1176, %swap3A_1177], %swap3A_1180 {strides = array<i32>} : memref<1x1024xf32, #tpu.memory_space<vmem>>, vector<1x16xf32>,
    %get3A_1181 = arith.constant 0 : i32
    %get3A_1182 = arith.index_cast %get3A_1181 : i32 to index
    %get3A_1183 = arith.constant 48 : index
    %get3A_1184 = tpu.vector_load %arg8[%get3A_1182, %get3A_1183] {strides = array<i32>} : memref<1x1024xf32, #tpu.memory_space<vmem>>, vector<1x16xf32>,
    %get3A_1185 = vector.shape_cast %get3A_1184 : vector<1x16xf32> to vector<16xf32>
    %get3A_1186 = arith.constant 0 : i32
    %get3A_1187 = arith.index_cast %get3A_1186 : i32 to index
    %get3A_1188 = arith.constant 48 : index
    %get3A_1189 = tpu.vector_load %arg10[%get3A_1187, %get3A_1188] {strides = array<i32>} : memref<1x1024xf32, #tpu.memory_space<vmem>>, vector<1x16xf32>,
    %get3A_1190 = vector.shape_cast %get3A_1189 : vector<1x16xf32> to vector<16xf32>
    %add3A_1191 = arith.addf %get3A_1185, %get3A_1190 : vector<16xf32>
    %swap3A_1192 = arith.constant 0 : i32
    %swap3A_1193 = arith.index_cast %swap3A_1192 : i32 to index
    %swap3A_1194 = arith.constant 48 : index
    %swap3A_1195 = tpu.vector_load %arg8[%swap3A_1193, %swap3A_1194] {strides = array<i32>} : memref<1x1024xf32, #tpu.memory_space<vmem>>, vector<1x16xf32>,
    %swap3A_1196 = vector.shape_cast %swap3A_1195 : vector<1x16xf32> to vector<16xf32>
    %swap3A_1197 = vector.shape_cast %add3A_1191 : vector<16xf32> to vector<1x16xf32>
    tpu.vector_store %arg8[%swap3A_1193, %swap3A_1194], %swap3A_1197 {strides = array<i32>} : memref<1x1024xf32, #tpu.memory_space<vmem>>, vector<1x16xf32>,
    %get3A_1198 = arith.constant 0 : i32
    %get3A_1199 = arith.index_cast %get3A_1198 : i32 to index
    %get3A_1200 = arith.constant 64 : index
    %get3A_1201 = tpu.vector_load %arg8[%get3A_1199, %get3A_1200] {strides = array<i32>} : memref<1x1024xf32, #tpu.memory_space<vmem>>, vector<1x16xf32>,
    %get3A_1202 = vector.shape_cast %get3A_1201 : vector<1x16xf32> to vector<16xf32>
    %get3A_1203 = arith.constant 0 : i32
    %get3A_1204 = arith.index_cast %get3A_1203 : i32 to index
    %get3A_1205 = arith.constant 64 : index
    %get3A_1206 = tpu.vector_load %arg10[%get3A_1204, %get3A_1205] {strides = array<i32>} : memref<1x1024xf32, #tpu.memory_space<vmem>>, vector<1x16xf32>,
    %get3A_1207 = vector.shape_cast %get3A_1206 : vector<1x16xf32> to vector<16xf32>
    %add3A_1208 = arith.addf %get3A_1202, %get3A_1207 : vector<16xf32>
    %swap3A_1209 = arith.constant 0 : i32
    %swap3A_1210 = arith.index_cast %swap3A_1209 : i32 to index
    %swap3A_1211 = arith.constant 64 : index
    %swap3A_1212 = tpu.vector_load %arg8[%swap3A_1210, %swap3A_1211] {strides = array<i32>} : memref<1x1024xf32, #tpu.memory_space<vmem>>, vector<1x16xf32>,
    %swap3A_1213 = vector.shape_cast %swap3A_1212 : vector<1x16xf32> to vector<16xf32>
    %swap3A_1214 = vector.shape_cast %add3A_1208 : vector<16xf32> to vector<1x16xf32>
    tpu.vector_store %arg8[%swap3A_1210, %swap3A_1211], %swap3A_1214 {strides = array<i32>} : memref<1x1024xf32, #tpu.memory_space<vmem>>, vector<1x16xf32>,
    %get3A_1215 = arith.constant 0 : i32
    %get3A_1216 = arith.index_cast %get3A_1215 : i32 to index
    %get3A_1217 = arith.constant 80 : index
    %get3A_1218 = tpu.vector_load %arg8[%get3A_1216, %get3A_1217] {strides = array<i32>} : memref<1x1024xf32, #tpu.memory_space<vmem>>, vector<1x16xf32>,
    %get3A_1219 = vector.shape_cast %get3A_1218 : vector<1x16xf32> to vector<16xf32>
    %get3A_1220 = arith.constant 0 : i32
    %get3A_1221 = arith.index_cast %get3A_1220 : i32 to index
    %get3A_1222 = arith.constant 80 : index
    %get3A_1223 = tpu.vector_load %arg10[%get3A_1221, %get3A_1222] {strides = array<i32>} : memref<1x1024xf32, #tpu.memory_space<vmem>>, vector<1x16xf32>,
    %get3A_1224 = vector.shape_cast %get3A_1223 : vector<1x16xf32> to vector<16xf32>
    %add3A_1225 = arith.addf %get3A_1219, %get3A_1224 : vector<16xf32>
    %swap3A_1226 = arith.constant 0 : i32
    %swap3A_1227 = arith.index_cast %swap3A_1226 : i32 to index
    %swap3A_1228 = arith.constant 80 : index
    %swap3A_1229 = tpu.vector_load %arg8[%swap3A_1227, %swap3A_1228] {strides = array<i32>} : memref<1x1024xf32, #tpu.memory_space<vmem>>, vector<1x16xf32>,
    %swap3A_1230 = vector.shape_cast %swap3A_1229 : vector<1x16xf32> to vector<16xf32>
    %swap3A_1231 = vector.shape_cast %add3A_1225 : vector<16xf32> to vector<1x16xf32>
    tpu.vector_store %arg8[%swap3A_1227, %swap3A_1228], %swap3A_1231 {strides = array<i32>} : memref<1x1024xf32, #tpu.memory_space<vmem>>, vector<1x16xf32>,
    %get3A_1232 = arith.constant 0 : i32
    %get3A_1233 = arith.index_cast %get3A_1232 : i32 to index
    %get3A_1234 = arith.constant 96 : index
    %get3A_1235 = tpu.vector_load %arg8[%get3A_1233, %get3A_1234] {strides = array<i32>} : memref<1x1024xf32, #tpu.memory_space<vmem>>, vector<1x16xf32>,
    %get3A_1236 = vector.shape_cast %get3A_1235 : vector<1x16xf32> to vector<16xf32>
    %get3A_1237 = arith.constant 0 : i32
    %get3A_1238 = arith.index_cast %get3A_1237 : i32 to index
    %get3A_1239 = arith.constant 96 : index
    %get3A_1240 = tpu.vector_load %arg10[%get3A_1238, %get3A_1239] {strides = array<i32>} : memref<1x1024xf32, #tpu.memory_space<vmem>>, vector<1x16xf32>,
    %get3A_1241 = vector.shape_cast %get3A_1240 : vector<1x16xf32> to vector<16xf32>
    %add3A_1242 = arith.addf %get3A_1236, %get3A_1241 : vector<16xf32>
    %swap3A_1243 = arith.constant 0 : i32
    %swap3A_1244 = arith.index_cast %swap3A_1243 : i32 to index
    %swap3A_1245 = arith.constant 96 : index
    %swap3A_1246 = tpu.vector_load %arg8[%swap3A_1244, %swap3A_1245] {strides = array<i32>} : memref<1x1024xf32, #tpu.memory_space<vmem>>, vector<1x16xf32>,
    %swap3A_1247 = vector.shape_cast %swap3A_1246 : vector<1x16xf32> to vector<16xf32>
    %swap3A_1248 = vector.shape_cast %add3A_1242 : vector<16xf32> to vector<1x16xf32>
    tpu.vector_store %arg8[%swap3A_1244, %swap3A_1245], %swap3A_1248 {strides = array<i32>} : memref<1x1024xf32, #tpu.memory_space<vmem>>, vector<1x16xf32>,
    %get3A_1249 = arith.constant 0 : i32
    %get3A_1250 = arith.index_cast %get3A_1249 : i32 to index
    %get3A_1251 = arith.constant 112 : index
    %get3A_1252 = tpu.vector_load %arg8[%get3A_1250, %get3A_1251] {strides = array<i32>} : memref<1x1024xf32, #tpu.memory_space<vmem>>, vector<1x16xf32>,
    %get3A_1253 = vector.shape_cast %get3A_1252 : vector<1x16xf32> to vector<16xf32>
    %get3A_1254 = arith.constant 0 : i32
    %get3A_1255 = arith.index_cast %get3A_1254 : i32 to index
    %get3A_1256 = arith.constant 112 : index
    %get3A_1257 = tpu.vector_load %arg10[%get3A_1255, %get3A_1256] {strides = array<i32>} : memref<1x1024xf32, #tpu.memory_space<vmem>>, vector<1x16xf32>,
    %get3A_1258 = vector.shape_cast %get3A_1257 : vector<1x16xf32> to vector<16xf32>
    %add3A_1259 = arith.addf %get3A_1253, %get3A_1258 : vector<16xf32>
    %swap3A_1260 = arith.constant 0 : i32
    %swap3A_1261 = arith.index_cast %swap3A_1260 : i32 to index
    %swap3A_1262 = arith.constant 112 : index
    %swap3A_1263 = tpu.vector_load %arg8[%swap3A_1261, %swap3A_1262] {strides = array<i32>} : memref<1x1024xf32, #tpu.memory_space<vmem>>, vector<1x16xf32>,
    %swap3A_1264 = vector.shape_cast %swap3A_1263 : vector<1x16xf32> to vector<16xf32>
    %swap3A_1265 = vector.shape_cast %add3A_1259 : vector<16xf32> to vector<1x16xf32>
    tpu.vector_store %arg8[%swap3A_1261, %swap3A_1262], %swap3A_1265 {strides = array<i32>} : memref<1x1024xf32, #tpu.memory_space<vmem>>, vector<1x16xf32>,
    %get3A_1266 = arith.constant 0 : i32
    %get3A_1267 = arith.index_cast %get3A_1266 : i32 to index
    %get3A_1268 = arith.constant 128 : index
    %get3A_1269 = tpu.vector_load %arg8[%get3A_1267, %get3A_1268] {strides = array<i32>} : memref<1x1024xf32, #tpu.memory_space<vmem>>, vector<1x16xf32>,
    %get3A_1270 = vector.shape_cast %get3A_1269 : vector<1x16xf32> to vector<16xf32>
    %get3A_1271 = arith.constant 0 : i32
    %get3A_1272 = arith.index_cast %get3A_1271 : i32 to index
    %get3A_1273 = arith.constant 128 : index
    %get3A_1274 = tpu.vector_load %arg10[%get3A_1272, %get3A_1273] {strides = array<i32>} : memref<1x1024xf32, #tpu.memory_space<vmem>>, vector<1x16xf32>,
    %get3A_1275 = vector.shape_cast %get3A_1274 : vector<1x16xf32> to vector<16xf32>
    %add3A_1276 = arith.addf %get3A_1270, %get3A_1275 : vector<16xf32>
    %swap3A_1277 = arith.constant 0 : i32
    %swap3A_1278 = arith.index_cast %swap3A_1277 : i32 to index
    %swap3A_1279 = arith.constant 128 : index
    %swap3A_1280 = tpu.vector_load %arg8[%swap3A_1278, %swap3A_1279] {strides = array<i32>} : memref<1x1024xf32, #tpu.memory_space<vmem>>, vector<1x16xf32>,
    %swap3A_1281 = vector.shape_cast %swap3A_1280 : vector<1x16xf32> to vector<16xf32>
    %swap3A_1282 = vector.shape_cast %add3A_1276 : vector<16xf32> to vector<1x16xf32>
    tpu.vector_store %arg8[%swap3A_1278, %swap3A_1279], %swap3A_1282 {strides = array<i32>} : memref<1x1024xf32, #tpu.memory_space<vmem>>, vector<1x16xf32>,
    %get3A_1283 = arith.constant 0 : i32
    %get3A_1284 = arith.index_cast %get3A_1283 : i32 to index
    %get3A_1285 = arith.constant 144 : index
    %get3A_1286 = tpu.vector_load %arg8[%get3A_1284, %get3A_1285] {strides = array<i32>} : memref<1x1024xf32, #tpu.memory_space<vmem>>, vector<1x16xf32>,
    %get3A_1287 = vector.shape_cast %get3A_1286 : vector<1x16xf32> to vector<16xf32>
    %get3A_1288 = arith.constant 0 : i32
    %get3A_1289 = arith.index_cast %get3A_1288 : i32 to index
    %get3A_1290 = arith.constant 144 : index
    %get3A_1291 = tpu.vector_load %arg10[%get3A_1289, %get3A_1290] {strides = array<i32>} : memref<1x1024xf32, #tpu.memory_space<vmem>>, vector<1x16xf32>,
    %get3A_1292 = vector.shape_cast %get3A_1291 : vector<1x16xf32> to vector<16xf32>
    %add3A_1293 = arith.addf %get3A_1287, %get3A_1292 : vector<16xf32>
    %swap3A_1294 = arith.constant 0 : i32
    %swap3A_1295 = arith.index_cast %swap3A_1294 : i32 to index
    %swap3A_1296 = arith.constant 144 : index
    %swap3A_1297 = tpu.vector_load %arg8[%swap3A_1295, %swap3A_1296] {strides = array<i32>} : memref<1x1024xf32, #tpu.memory_space<vmem>>, vector<1x16xf32>,
    %swap3A_1298 = vector.shape_cast %swap3A_1297 : vector<1x16xf32> to vector<16xf32>
    %swap3A_1299 = vector.shape_cast %add3A_1293 : vector<16xf32> to vector<1x16xf32>
    tpu.vector_store %arg8[%swap3A_1295, %swap3A_1296], %swap3A_1299 {strides = array<i32>} : memref<1x1024xf32, #tpu.memory_space<vmem>>, vector<1x16xf32>,
    %get3A_1300 = arith.constant 0 : i32
    %get3A_1301 = arith.index_cast %get3A_1300 : i32 to index
    %get3A_1302 = arith.constant 160 : index
    %get3A_1303 = tpu.vector_load %arg8[%get3A_1301, %get3A_1302] {strides = array<i32>} : memref<1x1024xf32, #tpu.memory_space<vmem>>, vector<1x16xf32>,
    %get3A_1304 = vector.shape_cast %get3A_1303 : vector<1x16xf32> to vector<16xf32>
    %get3A_1305 = arith.constant 0 : i32
    %get3A_1306 = arith.index_cast %get3A_1305 : i32 to index
    %get3A_1307 = arith.constant 160 : index
    %get3A_1308 = tpu.vector_load %arg10[%get3A_1306, %get3A_1307] {strides = array<i32>} : memref<1x1024xf32, #tpu.memory_space<vmem>>, vector<1x16xf32>,
    %get3A_1309 = vector.shape_cast %get3A_1308 : vector<1x16xf32> to vector<16xf32>
    %add3A_1310 = arith.addf %get3A_1304, %get3A_1309 : vector<16xf32>
    %swap3A_1311 = arith.constant 0 : i32
    %swap3A_1312 = arith.index_cast %swap3A_1311 : i32 to index
    %swap3A_1313 = arith.constant 160 : index
    %swap3A_1314 = tpu.vector_load %arg8[%swap3A_1312, %swap3A_1313] {strides = array<i32>} : memref<1x1024xf32, #tpu.memory_space<vmem>>, vector<1x16xf32>,
    %swap3A_1315 = vector.shape_cast %swap3A_1314 : vector<1x16xf32> to vector<16xf32>
    %swap3A_1316 = vector.shape_cast %add3A_1310 : vector<16xf32> to vector<1x16xf32>
    tpu.vector_store %arg8[%swap3A_1312, %swap3A_1313], %swap3A_1316 {strides = array<i32>} : memref<1x1024xf32, #tpu.memory_space<vmem>>, vector<1x16xf32>,
    %get3A_1317 = arith.constant 0 : i32
    %get3A_1318 = arith.index_cast %get3A_1317 : i32 to index
    %get3A_1319 = arith.constant 176 : index
    %get3A_1320 = tpu.vector_load %arg8[%get3A_1318, %get3A_1319] {strides = array<i32>} : memref<1x1024xf32, #tpu.memory_space<vmem>>, vector<1x16xf32>,
    %get3A_1321 = vector.shape_cast %get3A_1320 : vector<1x16xf32> to vector<16xf32>
    %get3A_1322 = arith.constant 0 : i32
    %get3A_1323 = arith.index_cast %get3A_1322 : i32 to index
    %get3A_1324 = arith.constant 176 : index
    %get3A_1325 = tpu.vector_load %arg10[%get3A_1323, %get3A_1324] {strides = array<i32>} : memref<1x1024xf32, #tpu.memory_space<vmem>>, vector<1x16xf32>,
    %get3A_1326 = vector.shape_cast %get3A_1325 : vector<1x16xf32> to vector<16xf32>
    %add3A_1327 = arith.addf %get3A_1321, %get3A_1326 : vector<16xf32>
    %swap3A_1328 = arith.constant 0 : i32
    %swap3A_1329 = arith.index_cast %swap3A_1328 : i32 to index
    %swap3A_1330 = arith.constant 176 : index
    %swap3A_1331 = tpu.vector_load %arg8[%swap3A_1329, %swap3A_1330] {strides = array<i32>} : memref<1x1024xf32, #tpu.memory_space<vmem>>, vector<1x16xf32>,
    %swap3A_1332 = vector.shape_cast %swap3A_1331 : vector<1x16xf32> to vector<16xf32>
    %swap3A_1333 = vector.shape_cast %add3A_1327 : vector<16xf32> to vector<1x16xf32>
    tpu.vector_store %arg8[%swap3A_1329, %swap3A_1330], %swap3A_1333 {strides = array<i32>} : memref<1x1024xf32, #tpu.memory_space<vmem>>, vector<1x16xf32>,
    %get3A_1334 = arith.constant 0 : i32
    %get3A_1335 = arith.index_cast %get3A_1334 : i32 to index
    %get3A_1336 = arith.constant 192 : index
    %get3A_1337 = tpu.vector_load %arg8[%get3A_1335, %get3A_1336] {strides = array<i32>} : memref<1x1024xf32, #tpu.memory_space<vmem>>, vector<1x16xf32>,
    %get3A_1338 = vector.shape_cast %get3A_1337 : vector<1x16xf32> to vector<16xf32>
    %get3A_1339 = arith.constant 0 : i32
    %get3A_1340 = arith.index_cast %get3A_1339 : i32 to index
    %get3A_1341 = arith.constant 192 : index
    %get3A_1342 = tpu.vector_load %arg10[%get3A_1340, %get3A_1341] {strides = array<i32>} : memref<1x1024xf32, #tpu.memory_space<vmem>>, vector<1x16xf32>,
    %get3A_1343 = vector.shape_cast %get3A_1342 : vector<1x16xf32> to vector<16xf32>
    %add3A_1344 = arith.addf %get3A_1338, %get3A_1343 : vector<16xf32>
    %swap3A_1345 = arith.constant 0 : i32
    %swap3A_1346 = arith.index_cast %swap3A_1345 : i32 to index
    %swap3A_1347 = arith.constant 192 : index
    %swap3A_1348 = tpu.vector_load %arg8[%swap3A_1346, %swap3A_1347] {strides = array<i32>} : memref<1x1024xf32, #tpu.memory_space<vmem>>, vector<1x16xf32>,
    %swap3A_1349 = vector.shape_cast %swap3A_1348 : vector<1x16xf32> to vector<16xf32>
    %swap3A_1350 = vector.shape_cast %add3A_1344 : vector<16xf32> to vector<1x16xf32>
    tpu.vector_store %arg8[%swap3A_1346, %swap3A_1347], %swap3A_1350 {strides = array<i32>} : memref<1x1024xf32, #tpu.memory_space<vmem>>, vector<1x16xf32>,
    %get3A_1351 = arith.constant 0 : i32
    %get3A_1352 = arith.index_cast %get3A_1351 : i32 to index
    %get3A_1353 = arith.constant 208 : index
    %get3A_1354 = tpu.vector_load %arg8[%get3A_1352, %get3A_1353] {strides = array<i32>} : memref<1x1024xf32, #tpu.memory_space<vmem>>, vector<1x16xf32>,
    %get3A_1355 = vector.shape_cast %get3A_1354 : vector<1x16xf32> to vector<16xf32>
    %get3A_1356 = arith.constant 0 : i32
    %get3A_1357 = arith.index_cast %get3A_1356 : i32 to index
    %get3A_1358 = arith.constant 208 : index
    %get3A_1359 = tpu.vector_load %arg10[%get3A_1357, %get3A_1358] {strides = array<i32>} : memref<1x1024xf32, #tpu.memory_space<vmem>>, vector<1x16xf32>,
    %get3A_1360 = vector.shape_cast %get3A_1359 : vector<1x16xf32> to vector<16xf32>
    %add3A_1361 = arith.addf %get3A_1355, %get3A_1360 : vector<16xf32>
    %swap3A_1362 = arith.constant 0 : i32
    %swap3A_1363 = arith.index_cast %swap3A_1362 : i32 to index
    %swap3A_1364 = arith.constant 208 : index
    %swap3A_1365 = tpu.vector_load %arg8[%swap3A_1363, %swap3A_1364] {strides = array<i32>} : memref<1x1024xf32, #tpu.memory_space<vmem>>, vector<1x16xf32>,
    %swap3A_1366 = vector.shape_cast %swap3A_1365 : vector<1x16xf32> to vector<16xf32>
    %swap3A_1367 = vector.shape_cast %add3A_1361 : vector<16xf32> to vector<1x16xf32>
    tpu.vector_store %arg8[%swap3A_1363, %swap3A_1364], %swap3A_1367 {strides = array<i32>} : memref<1x1024xf32, #tpu.memory_space<vmem>>, vector<1x16xf32>,
    %get3A_1368 = arith.constant 0 : i32
    %get3A_1369 = arith.index_cast %get3A_1368 : i32 to index
    %get3A_1370 = arith.constant 224 : index
    %get3A_1371 = tpu.vector_load %arg8[%get3A_1369, %get3A_1370] {strides = array<i32>} : memref<1x1024xf32, #tpu.memory_space<vmem>>, vector<1x16xf32>,
    %get3A_1372 = vector.shape_cast %get3A_1371 : vector<1x16xf32> to vector<16xf32>
    %get3A_1373 = arith.constant 0 : i32
    %get3A_1374 = arith.index_cast %get3A_1373 : i32 to index
    %get3A_1375 = arith.constant 224 : index
    %get3A_1376 = tpu.vector_load %arg10[%get3A_1374, %get3A_1375] {strides = array<i32>} : memref<1x1024xf32, #tpu.memory_space<vmem>>, vector<1x16xf32>,
    %get3A_1377 = vector.shape_cast %get3A_1376 : vector<1x16xf32> to vector<16xf32>
    %add3A_1378 = arith.addf %get3A_1372, %get3A_1377 : vector<16xf32>
    %swap3A_1379 = arith.constant 0 : i32
    %swap3A_1380 = arith.index_cast %swap3A_1379 : i32 to index
    %swap3A_1381 = arith.constant 224 : index
    %swap3A_1382 = tpu.vector_load %arg8[%swap3A_1380, %swap3A_1381] {strides = array<i32>} : memref<1x1024xf32, #tpu.memory_space<vmem>>, vector<1x16xf32>,
    %swap3A_1383 = vector.shape_cast %swap3A_1382 : vector<1x16xf32> to vector<16xf32>
    %swap3A_1384 = vector.shape_cast %add3A_1378 : vector<16xf32> to vector<1x16xf32>
    tpu.vector_store %arg8[%swap3A_1380, %swap3A_1381], %swap3A_1384 {strides = array<i32>} : memref<1x1024xf32, #tpu.memory_space<vmem>>, vector<1x16xf32>,
    %get3A_1385 = arith.constant 0 : i32
    %get3A_1386 = arith.index_cast %get3A_1385 : i32 to index
    %get3A_1387 = arith.constant 240 : index
    %get3A_1388 = tpu.vector_load %arg8[%get3A_1386, %get3A_1387] {strides = array<i32>} : memref<1x1024xf32, #tpu.memory_space<vmem>>, vector<1x16xf32>,
    %get3A_1389 = vector.shape_cast %get3A_1388 : vector<1x16xf32> to vector<16xf32>
    %get3A_1390 = arith.constant 0 : i32
    %get3A_1391 = arith.index_cast %get3A_1390 : i32 to index
    %get3A_1392 = arith.constant 240 : index
    %get3A_1393 = tpu.vector_load %arg10[%get3A_1391, %get3A_1392] {strides = array<i32>} : memref<1x1024xf32, #tpu.memory_space<vmem>>, vector<1x16xf32>,
    %get3A_1394 = vector.shape_cast %get3A_1393 : vector<1x16xf32> to vector<16xf32>
    %add3A_1395 = arith.addf %get3A_1389, %get3A_1394 : vector<16xf32>
    %swap3A_1396 = arith.constant 0 : i32
    %swap3A_1397 = arith.index_cast %swap3A_1396 : i32 to index
    %swap3A_1398 = arith.constant 240 : index
    %swap3A_1399 = tpu.vector_load %arg8[%swap3A_1397, %swap3A_1398] {strides = array<i32>} : memref<1x1024xf32, #tpu.memory_space<vmem>>, vector<1x16xf32>,
    %swap3A_1400 = vector.shape_cast %swap3A_1399 : vector<1x16xf32> to vector<16xf32>
    %swap3A_1401 = vector.shape_cast %add3A_1395 : vector<16xf32> to vector<1x16xf32>
    tpu.vector_store %arg8[%swap3A_1397, %swap3A_1398], %swap3A_1401 {strides = array<i32>} : memref<1x1024xf32, #tpu.memory_space<vmem>>, vector<1x16xf32>,
    %get3A_1402 = arith.constant 0 : i32
    %get3A_1403 = arith.index_cast %get3A_1402 : i32 to index
    %get3A_1404 = arith.constant 256 : index
    %get3A_1405 = tpu.vector_load %arg8[%get3A_1403, %get3A_1404] {strides = array<i32>} : memref<1x1024xf32, #tpu.memory_space<vmem>>, vector<1x16xf32>,
    %get3A_1406 = vector.shape_cast %get3A_1405 : vector<1x16xf32> to vector<16xf32>
    %get3A_1407 = arith.constant 0 : i32
    %get3A_1408 = arith.index_cast %get3A_1407 : i32 to index
    %get3A_1409 = arith.constant 256 : index
    %get3A_1410 = tpu.vector_load %arg10[%get3A_1408, %get3A_1409] {strides = array<i32>} : memref<1x1024xf32, #tpu.memory_space<vmem>>, vector<1x16xf32>,
    %get3A_1411 = vector.shape_cast %get3A_1410 : vector<1x16xf32> to vector<16xf32>
    %add3A_1412 = arith.addf %get3A_1406, %get3A_1411 : vector<16xf32>
    %swap3A_1413 = arith.constant 0 : i32
    %swap3A_1414 = arith.index_cast %swap3A_1413 : i32 to index
    %swap3A_1415 = arith.constant 256 : index
    %swap3A_1416 = tpu.vector_load %arg8[%swap3A_1414, %swap3A_1415] {strides = array<i32>} : memref<1x1024xf32, #tpu.memory_space<vmem>>, vector<1x16xf32>,
    %swap3A_1417 = vector.shape_cast %swap3A_1416 : vector<1x16xf32> to vector<16xf32>
    %swap3A_1418 = vector.shape_cast %add3A_1412 : vector<16xf32> to vector<1x16xf32>
    tpu.vector_store %arg8[%swap3A_1414, %swap3A_1415], %swap3A_1418 {strides = array<i32>} : memref<1x1024xf32, #tpu.memory_space<vmem>>, vector<1x16xf32>,
    %get3A_1419 = arith.constant 0 : i32
    %get3A_1420 = arith.index_cast %get3A_1419 : i32 to index
    %get3A_1421 = arith.constant 272 : index
    %get3A_1422 = tpu.vector_load %arg8[%get3A_1420, %get3A_1421] {strides = array<i32>} : memref<1x1024xf32, #tpu.memory_space<vmem>>, vector<1x16xf32>,
    %get3A_1423 = vector.shape_cast %get3A_1422 : vector<1x16xf32> to vector<16xf32>
    %get3A_1424 = arith.constant 0 : i32
    %get3A_1425 = arith.index_cast %get3A_1424 : i32 to index
    %get3A_1426 = arith.constant 272 : index
    %get3A_1427 = tpu.vector_load %arg10[%get3A_1425, %get3A_1426] {strides = array<i32>} : memref<1x1024xf32, #tpu.memory_space<vmem>>, vector<1x16xf32>,
    %get3A_1428 = vector.shape_cast %get3A_1427 : vector<1x16xf32> to vector<16xf32>
    %add3A_1429 = arith.addf %get3A_1423, %get3A_1428 : vector<16xf32>
    %swap3A_1430 = arith.constant 0 : i32
    %swap3A_1431 = arith.index_cast %swap3A_1430 : i32 to index
    %swap3A_1432 = arith.constant 272 : index
    %swap3A_1433 = tpu.vector_load %arg8[%swap3A_1431, %swap3A_1432] {strides = array<i32>} : memref<1x1024xf32, #tpu.memory_space<vmem>>, vector<1x16xf32>,
    %swap3A_1434 = vector.shape_cast %swap3A_1433 : vector<1x16xf32> to vector<16xf32>
    %swap3A_1435 = vector.shape_cast %add3A_1429 : vector<16xf32> to vector<1x16xf32>
    tpu.vector_store %arg8[%swap3A_1431, %swap3A_1432], %swap3A_1435 {strides = array<i32>} : memref<1x1024xf32, #tpu.memory_space<vmem>>, vector<1x16xf32>,
    %get3A_1436 = arith.constant 0 : i32
    %get3A_1437 = arith.index_cast %get3A_1436 : i32 to index
    %get3A_1438 = arith.constant 288 : index
    %get3A_1439 = tpu.vector_load %arg8[%get3A_1437, %get3A_1438] {strides = array<i32>} : memref<1x1024xf32, #tpu.memory_space<vmem>>, vector<1x16xf32>,
    %get3A_1440 = vector.shape_cast %get3A_1439 : vector<1x16xf32> to vector<16xf32>
    %get3A_1441 = arith.constant 0 : i32
    %get3A_1442 = arith.index_cast %get3A_1441 : i32 to index
    %get3A_1443 = arith.constant 288 : index
    %get3A_1444 = tpu.vector_load %arg10[%get3A_1442, %get3A_1443] {strides = array<i32>} : memref<1x1024xf32, #tpu.memory_space<vmem>>, vector<1x16xf32>,
    %get3A_1445 = vector.shape_cast %get3A_1444 : vector<1x16xf32> to vector<16xf32>
    %add3A_1446 = arith.addf %get3A_1440, %get3A_1445 : vector<16xf32>
    %swap3A_1447 = arith.constant 0 : i32
    %swap3A_1448 = arith.index_cast %swap3A_1447 : i32 to index
    %swap3A_1449 = arith.constant 288 : index
    %swap3A_1450 = tpu.vector_load %arg8[%swap3A_1448, %swap3A_1449] {strides = array<i32>} : memref<1x1024xf32, #tpu.memory_space<vmem>>, vector<1x16xf32>,
    %swap3A_1451 = vector.shape_cast %swap3A_1450 : vector<1x16xf32> to vector<16xf32>
    %swap3A_1452 = vector.shape_cast %add3A_1446 : vector<16xf32> to vector<1x16xf32>
    tpu.vector_store %arg8[%swap3A_1448, %swap3A_1449], %swap3A_1452 {strides = array<i32>} : memref<1x1024xf32, #tpu.memory_space<vmem>>, vector<1x16xf32>,
    %get3A_1453 = arith.constant 0 : i32
    %get3A_1454 = arith.index_cast %get3A_1453 : i32 to index
    %get3A_1455 = arith.constant 304 : index
    %get3A_1456 = tpu.vector_load %arg8[%get3A_1454, %get3A_1455] {strides = array<i32>} : memref<1x1024xf32, #tpu.memory_space<vmem>>, vector<1x16xf32>,
    %get3A_1457 = vector.shape_cast %get3A_1456 : vector<1x16xf32> to vector<16xf32>
    %get3A_1458 = arith.constant 0 : i32
    %get3A_1459 = arith.index_cast %get3A_1458 : i32 to index
    %get3A_1460 = arith.constant 304 : index
    %get3A_1461 = tpu.vector_load %arg10[%get3A_1459, %get3A_1460] {strides = array<i32>} : memref<1x1024xf32, #tpu.memory_space<vmem>>, vector<1x16xf32>,
    %get3A_1462 = vector.shape_cast %get3A_1461 : vector<1x16xf32> to vector<16xf32>
    %add3A_1463 = arith.addf %get3A_1457, %get3A_1462 : vector<16xf32>
    %swap3A_1464 = arith.constant 0 : i32
    %swap3A_1465 = arith.index_cast %swap3A_1464 : i32 to index
    %swap3A_1466 = arith.constant 304 : index
    %swap3A_1467 = tpu.vector_load %arg8[%swap3A_1465, %swap3A_1466] {strides = array<i32>} : memref<1x1024xf32, #tpu.memory_space<vmem>>, vector<1x16xf32>,
    %swap3A_1468 = vector.shape_cast %swap3A_1467 : vector<1x16xf32> to vector<16xf32>
    %swap3A_1469 = vector.shape_cast %add3A_1463 : vector<16xf32> to vector<1x16xf32>
    tpu.vector_store %arg8[%swap3A_1465, %swap3A_1466], %swap3A_1469 {strides = array<i32>} : memref<1x1024xf32, #tpu.memory_space<vmem>>, vector<1x16xf32>,
    %get3A_1470 = arith.constant 0 : i32
    %get3A_1471 = arith.index_cast %get3A_1470 : i32 to index
    %get3A_1472 = arith.constant 320 : index
    %get3A_1473 = tpu.vector_load %arg8[%get3A_1471, %get3A_1472] {strides = array<i32>} : memref<1x1024xf32, #tpu.memory_space<vmem>>, vector<1x16xf32>,
    %get3A_1474 = vector.shape_cast %get3A_1473 : vector<1x16xf32> to vector<16xf32>
    %get3A_1475 = arith.constant 0 : i32
    %get3A_1476 = arith.index_cast %get3A_1475 : i32 to index
    %get3A_1477 = arith.constant 320 : index
    %get3A_1478 = tpu.vector_load %arg10[%get3A_1476, %get3A_1477] {strides = array<i32>} : memref<1x1024xf32, #tpu.memory_space<vmem>>, vector<1x16xf32>,
    %get3A_1479 = vector.shape_cast %get3A_1478 : vector<1x16xf32> to vector<16xf32>
    %add3A_1480 = arith.addf %get3A_1474, %get3A_1479 : vector<16xf32>
    %swap3A_1481 = arith.constant 0 : i32
    %swap3A_1482 = arith.index_cast %swap3A_1481 : i32 to index
    %swap3A_1483 = arith.constant 320 : index
    %swap3A_1484 = tpu.vector_load %arg8[%swap3A_1482, %swap3A_1483] {strides = array<i32>} : memref<1x1024xf32, #tpu.memory_space<vmem>>, vector<1x16xf32>,
    %swap3A_1485 = vector.shape_cast %swap3A_1484 : vector<1x16xf32> to vector<16xf32>
    %swap3A_1486 = vector.shape_cast %add3A_1480 : vector<16xf32> to vector<1x16xf32>
    tpu.vector_store %arg8[%swap3A_1482, %swap3A_1483], %swap3A_1486 {strides = array<i32>} : memref<1x1024xf32, #tpu.memory_space<vmem>>, vector<1x16xf32>,
    %get3A_1487 = arith.constant 0 : i32
    %get3A_1488 = arith.index_cast %get3A_1487 : i32 to index
    %get3A_1489 = arith.constant 336 : index
    %get3A_1490 = tpu.vector_load %arg8[%get3A_1488, %get3A_1489] {strides = array<i32>} : memref<1x1024xf32, #tpu.memory_space<vmem>>, vector<1x16xf32>,
    %get3A_1491 = vector.shape_cast %get3A_1490 : vector<1x16xf32> to vector<16xf32>
    %get3A_1492 = arith.constant 0 : i32
    %get3A_1493 = arith.index_cast %get3A_1492 : i32 to index
    %get3A_1494 = arith.constant 336 : index
    %get3A_1495 = tpu.vector_load %arg10[%get3A_1493, %get3A_1494] {strides = array<i32>} : memref<1x1024xf32, #tpu.memory_space<vmem>>, vector<1x16xf32>,
    %get3A_1496 = vector.shape_cast %get3A_1495 : vector<1x16xf32> to vector<16xf32>
    %add3A_1497 = arith.addf %get3A_1491, %get3A_1496 : vector<16xf32>
    %swap3A_1498 = arith.constant 0 : i32
    %swap3A_1499 = arith.index_cast %swap3A_1498 : i32 to index
    %swap3A_1500 = arith.constant 336 : index
    %swap3A_1501 = tpu.vector_load %arg8[%swap3A_1499, %swap3A_1500] {strides = array<i32>} : memref<1x1024xf32, #tpu.memory_space<vmem>>, vector<1x16xf32>,
    %swap3A_1502 = vector.shape_cast %swap3A_1501 : vector<1x16xf32> to vector<16xf32>
    %swap3A_1503 = vector.shape_cast %add3A_1497 : vector<16xf32> to vector<1x16xf32>
    tpu.vector_store %arg8[%swap3A_1499, %swap3A_1500], %swap3A_1503 {strides = array<i32>} : memref<1x1024xf32, #tpu.memory_space<vmem>>, vector<1x16xf32>,
    %get3A_1504 = arith.constant 0 : i32
    %get3A_1505 = arith.index_cast %get3A_1504 : i32 to index
    %get3A_1506 = arith.constant 352 : index
    %get3A_1507 = tpu.vector_load %arg8[%get3A_1505, %get3A_1506] {strides = array<i32>} : memref<1x1024xf32, #tpu.memory_space<vmem>>, vector<1x16xf32>,
    %get3A_1508 = vector.shape_cast %get3A_1507 : vector<1x16xf32> to vector<16xf32>
    %get3A_1509 = arith.constant 0 : i32
    %get3A_1510 = arith.index_cast %get3A_1509 : i32 to index
    %get3A_1511 = arith.constant 352 : index
    %get3A_1512 = tpu.vector_load %arg10[%get3A_1510, %get3A_1511] {strides = array<i32>} : memref<1x1024xf32, #tpu.memory_space<vmem>>, vector<1x16xf32>,
    %get3A_1513 = vector.shape_cast %get3A_1512 : vector<1x16xf32> to vector<16xf32>
    %add3A_1514 = arith.addf %get3A_1508, %get3A_1513 : vector<16xf32>
    %swap3A_1515 = arith.constant 0 : i32
    %swap3A_1516 = arith.index_cast %swap3A_1515 : i32 to index
    %swap3A_1517 = arith.constant 352 : index
    %swap3A_1518 = tpu.vector_load %arg8[%swap3A_1516, %swap3A_1517] {strides = array<i32>} : memref<1x1024xf32, #tpu.memory_space<vmem>>, vector<1x16xf32>,
    %swap3A_1519 = vector.shape_cast %swap3A_1518 : vector<1x16xf32> to vector<16xf32>
    %swap3A_1520 = vector.shape_cast %add3A_1514 : vector<16xf32> to vector<1x16xf32>
    tpu.vector_store %arg8[%swap3A_1516, %swap3A_1517], %swap3A_1520 {strides = array<i32>} : memref<1x1024xf32, #tpu.memory_space<vmem>>, vector<1x16xf32>,
    %get3A_1521 = arith.constant 0 : i32
    %get3A_1522 = arith.index_cast %get3A_1521 : i32 to index
    %get3A_1523 = arith.constant 368 : index
    %get3A_1524 = tpu.vector_load %arg8[%get3A_1522, %get3A_1523] {strides = array<i32>} : memref<1x1024xf32, #tpu.memory_space<vmem>>, vector<1x16xf32>,
    %get3A_1525 = vector.shape_cast %get3A_1524 : vector<1x16xf32> to vector<16xf32>
    %get3A_1526 = arith.constant 0 : i32
    %get3A_1527 = arith.index_cast %get3A_1526 : i32 to index
    %get3A_1528 = arith.constant 368 : index
    %get3A_1529 = tpu.vector_load %arg10[%get3A_1527, %get3A_1528] {strides = array<i32>} : memref<1x1024xf32, #tpu.memory_space<vmem>>, vector<1x16xf32>,
    %get3A_1530 = vector.shape_cast %get3A_1529 : vector<1x16xf32> to vector<16xf32>
    %add3A_1531 = arith.addf %get3A_1525, %get3A_1530 : vector<16xf32>
    %swap3A_1532 = arith.constant 0 : i32
    %swap3A_1533 = arith.index_cast %swap3A_1532 : i32 to index
    %swap3A_1534 = arith.constant 368 : index
    %swap3A_1535 = tpu.vector_load %arg8[%swap3A_1533, %swap3A_1534] {strides = array<i32>} : memref<1x1024xf32, #tpu.memory_space<vmem>>, vector<1x16xf32>,
    %swap3A_1536 = vector.shape_cast %swap3A_1535 : vector<1x16xf32> to vector<16xf32>
    %swap3A_1537 = vector.shape_cast %add3A_1531 : vector<16xf32> to vector<1x16xf32>
    tpu.vector_store %arg8[%swap3A_1533, %swap3A_1534], %swap3A_1537 {strides = array<i32>} : memref<1x1024xf32, #tpu.memory_space<vmem>>, vector<1x16xf32>,
    %get3A_1538 = arith.constant 0 : i32
    %get3A_1539 = arith.index_cast %get3A_1538 : i32 to index
    %get3A_1540 = arith.constant 384 : index
    %get3A_1541 = tpu.vector_load %arg8[%get3A_1539, %get3A_1540] {strides = array<i32>} : memref<1x1024xf32, #tpu.memory_space<vmem>>, vector<1x16xf32>,
    %get3A_1542 = vector.shape_cast %get3A_1541 : vector<1x16xf32> to vector<16xf32>
    %get3A_1543 = arith.constant 0 : i32
    %get3A_1544 = arith.index_cast %get3A_1543 : i32 to index
    %get3A_1545 = arith.constant 384 : index
    %get3A_1546 = tpu.vector_load %arg10[%get3A_1544, %get3A_1545] {strides = array<i32>} : memref<1x1024xf32, #tpu.memory_space<vmem>>, vector<1x16xf32>,
    %get3A_1547 = vector.shape_cast %get3A_1546 : vector<1x16xf32> to vector<16xf32>
    %add3A_1548 = arith.addf %get3A_1542, %get3A_1547 : vector<16xf32>
    %swap3A_1549 = arith.constant 0 : i32
    %swap3A_1550 = arith.index_cast %swap3A_1549 : i32 to index
    %swap3A_1551 = arith.constant 384 : index
    %swap3A_1552 = tpu.vector_load %arg8[%swap3A_1550, %swap3A_1551] {strides = array<i32>} : memref<1x1024xf32, #tpu.memory_space<vmem>>, vector<1x16xf32>,
    %swap3A_1553 = vector.shape_cast %swap3A_1552 : vector<1x16xf32> to vector<16xf32>
    %swap3A_1554 = vector.shape_cast %add3A_1548 : vector<16xf32> to vector<1x16xf32>
    tpu.vector_store %arg8[%swap3A_1550, %swap3A_1551], %swap3A_1554 {strides = array<i32>} : memref<1x1024xf32, #tpu.memory_space<vmem>>, vector<1x16xf32>,
    %get3A_1555 = arith.constant 0 : i32
    %get3A_1556 = arith.index_cast %get3A_1555 : i32 to index
    %get3A_1557 = arith.constant 400 : index
    %get3A_1558 = tpu.vector_load %arg8[%get3A_1556, %get3A_1557] {strides = array<i32>} : memref<1x1024xf32, #tpu.memory_space<vmem>>, vector<1x16xf32>,
    %get3A_1559 = vector.shape_cast %get3A_1558 : vector<1x16xf32> to vector<16xf32>
    %get3A_1560 = arith.constant 0 : i32
    %get3A_1561 = arith.index_cast %get3A_1560 : i32 to index
    %get3A_1562 = arith.constant 400 : index
    %get3A_1563 = tpu.vector_load %arg10[%get3A_1561, %get3A_1562] {strides = array<i32>} : memref<1x1024xf32, #tpu.memory_space<vmem>>, vector<1x16xf32>,
    %get3A_1564 = vector.shape_cast %get3A_1563 : vector<1x16xf32> to vector<16xf32>
    %add3A_1565 = arith.addf %get3A_1559, %get3A_1564 : vector<16xf32>
    %swap3A_1566 = arith.constant 0 : i32
    %swap3A_1567 = arith.index_cast %swap3A_1566 : i32 to index
    %swap3A_1568 = arith.constant 400 : index
    %swap3A_1569 = tpu.vector_load %arg8[%swap3A_1567, %swap3A_1568] {strides = array<i32>} : memref<1x1024xf32, #tpu.memory_space<vmem>>, vector<1x16xf32>,
    %swap3A_1570 = vector.shape_cast %swap3A_1569 : vector<1x16xf32> to vector<16xf32>
    %swap3A_1571 = vector.shape_cast %add3A_1565 : vector<16xf32> to vector<1x16xf32>
    tpu.vector_store %arg8[%swap3A_1567, %swap3A_1568], %swap3A_1571 {strides = array<i32>} : memref<1x1024xf32, #tpu.memory_space<vmem>>, vector<1x16xf32>,
    %get3A_1572 = arith.constant 0 : i32
    %get3A_1573 = arith.index_cast %get3A_1572 : i32 to index
    %get3A_1574 = arith.constant 416 : index
    %get3A_1575 = tpu.vector_load %arg8[%get3A_1573, %get3A_1574] {strides = array<i32>} : memref<1x1024xf32, #tpu.memory_space<vmem>>, vector<1x16xf32>,
    %get3A_1576 = vector.shape_cast %get3A_1575 : vector<1x16xf32> to vector<16xf32>
    %get3A_1577 = arith.constant 0 : i32
    %get3A_1578 = arith.index_cast %get3A_1577 : i32 to index
    %get3A_1579 = arith.constant 416 : index
    %get3A_1580 = tpu.vector_load %arg10[%get3A_1578, %get3A_1579] {strides = array<i32>} : memref<1x1024xf32, #tpu.memory_space<vmem>>, vector<1x16xf32>,
    %get3A_1581 = vector.shape_cast %get3A_1580 : vector<1x16xf32> to vector<16xf32>
    %add3A_1582 = arith.addf %get3A_1576, %get3A_1581 : vector<16xf32>
    %swap3A_1583 = arith.constant 0 : i32
    %swap3A_1584 = arith.index_cast %swap3A_1583 : i32 to index
    %swap3A_1585 = arith.constant 416 : index
    %swap3A_1586 = tpu.vector_load %arg8[%swap3A_1584, %swap3A_1585] {strides = array<i32>} : memref<1x1024xf32, #tpu.memory_space<vmem>>, vector<1x16xf32>,
    %swap3A_1587 = vector.shape_cast %swap3A_1586 : vector<1x16xf32> to vector<16xf32>
    %swap3A_1588 = vector.shape_cast %add3A_1582 : vector<16xf32> to vector<1x16xf32>
    tpu.vector_store %arg8[%swap3A_1584, %swap3A_1585], %swap3A_1588 {strides = array<i32>} : memref<1x1024xf32, #tpu.memory_space<vmem>>, vector<1x16xf32>,
    %get3A_1589 = arith.constant 0 : i32
    %get3A_1590 = arith.index_cast %get3A_1589 : i32 to index
    %get3A_1591 = arith.constant 432 : index
    %get3A_1592 = tpu.vector_load %arg8[%get3A_1590, %get3A_1591] {strides = array<i32>} : memref<1x1024xf32, #tpu.memory_space<vmem>>, vector<1x16xf32>,
    %get3A_1593 = vector.shape_cast %get3A_1592 : vector<1x16xf32> to vector<16xf32>
    %get3A_1594 = arith.constant 0 : i32
    %get3A_1595 = arith.index_cast %get3A_1594 : i32 to index
    %get3A_1596 = arith.constant 432 : index
    %get3A_1597 = tpu.vector_load %arg10[%get3A_1595, %get3A_1596] {strides = array<i32>} : memref<1x1024xf32, #tpu.memory_space<vmem>>, vector<1x16xf32>,
    %get3A_1598 = vector.shape_cast %get3A_1597 : vector<1x16xf32> to vector<16xf32>
    %add3A_1599 = arith.addf %get3A_1593, %get3A_1598 : vector<16xf32>
    %swap3A_1600 = arith.constant 0 : i32
    %swap3A_1601 = arith.index_cast %swap3A_1600 : i32 to index
    %swap3A_1602 = arith.constant 432 : index
    %swap3A_1603 = tpu.vector_load %arg8[%swap3A_1601, %swap3A_1602] {strides = array<i32>} : memref<1x1024xf32, #tpu.memory_space<vmem>>, vector<1x16xf32>,
    %swap3A_1604 = vector.shape_cast %swap3A_1603 : vector<1x16xf32> to vector<16xf32>
    %swap3A_1605 = vector.shape_cast %add3A_1599 : vector<16xf32> to vector<1x16xf32>
    tpu.vector_store %arg8[%swap3A_1601, %swap3A_1602], %swap3A_1605 {strides = array<i32>} : memref<1x1024xf32, #tpu.memory_space<vmem>>, vector<1x16xf32>,
    %get3A_1606 = arith.constant 0 : i32
    %get3A_1607 = arith.index_cast %get3A_1606 : i32 to index
    %get3A_1608 = arith.constant 448 : index
    %get3A_1609 = tpu.vector_load %arg8[%get3A_1607, %get3A_1608] {strides = array<i32>} : memref<1x1024xf32, #tpu.memory_space<vmem>>, vector<1x16xf32>,
    %get3A_1610 = vector.shape_cast %get3A_1609 : vector<1x16xf32> to vector<16xf32>
    %get3A_1611 = arith.constant 0 : i32
    %get3A_1612 = arith.index_cast %get3A_1611 : i32 to index
    %get3A_1613 = arith.constant 448 : index
    %get3A_1614 = tpu.vector_load %arg10[%get3A_1612, %get3A_1613] {strides = array<i32>} : memref<1x1024xf32, #tpu.memory_space<vmem>>, vector<1x16xf32>,
    %get3A_1615 = vector.shape_cast %get3A_1614 : vector<1x16xf32> to vector<16xf32>
    %add3A_1616 = arith.addf %get3A_1610, %get3A_1615 : vector<16xf32>
    %swap3A_1617 = arith.constant 0 : i32
    %swap3A_1618 = arith.index_cast %swap3A_1617 : i32 to index
    %swap3A_1619 = arith.constant 448 : index
    %swap3A_1620 = tpu.vector_load %arg8[%swap3A_1618, %swap3A_1619] {strides = array<i32>} : memref<1x1024xf32, #tpu.memory_space<vmem>>, vector<1x16xf32>,
    %swap3A_1621 = vector.shape_cast %swap3A_1620 : vector<1x16xf32> to vector<16xf32>
    %swap3A_1622 = vector.shape_cast %add3A_1616 : vector<16xf32> to vector<1x16xf32>
    tpu.vector_store %arg8[%swap3A_1618, %swap3A_1619], %swap3A_1622 {strides = array<i32>} : memref<1x1024xf32, #tpu.memory_space<vmem>>, vector<1x16xf32>,
    %get3A_1623 = arith.constant 0 : i32
    %get3A_1624 = arith.index_cast %get3A_1623 : i32 to index
    %get3A_1625 = arith.constant 464 : index
    %get3A_1626 = tpu.vector_load %arg8[%get3A_1624, %get3A_1625] {strides = array<i32>} : memref<1x1024xf32, #tpu.memory_space<vmem>>, vector<1x16xf32>,
    %get3A_1627 = vector.shape_cast %get3A_1626 : vector<1x16xf32> to vector<16xf32>
    %get3A_1628 = arith.constant 0 : i32
    %get3A_1629 = arith.index_cast %get3A_1628 : i32 to index
    %get3A_1630 = arith.constant 464 : index
    %get3A_1631 = tpu.vector_load %arg10[%get3A_1629, %get3A_1630] {strides = array<i32>} : memref<1x1024xf32, #tpu.memory_space<vmem>>, vector<1x16xf32>,
    %get3A_1632 = vector.shape_cast %get3A_1631 : vector<1x16xf32> to vector<16xf32>
    %add3A_1633 = arith.addf %get3A_1627, %get3A_1632 : vector<16xf32>
    %swap3A_1634 = arith.constant 0 : i32
    %swap3A_1635 = arith.index_cast %swap3A_1634 : i32 to index
    %swap3A_1636 = arith.constant 464 : index
    %swap3A_1637 = tpu.vector_load %arg8[%swap3A_1635, %swap3A_1636] {strides = array<i32>} : memref<1x1024xf32, #tpu.memory_space<vmem>>, vector<1x16xf32>,
    %swap3A_1638 = vector.shape_cast %swap3A_1637 : vector<1x16xf32> to vector<16xf32>
    %swap3A_1639 = vector.shape_cast %add3A_1633 : vector<16xf32> to vector<1x16xf32>
    tpu.vector_store %arg8[%swap3A_1635, %swap3A_1636], %swap3A_1639 {strides = array<i32>} : memref<1x1024xf32, #tpu.memory_space<vmem>>, vector<1x16xf32>,
    %get3A_1640 = arith.constant 0 : i32
    %get3A_1641 = arith.index_cast %get3A_1640 : i32 to index
    %get3A_1642 = arith.constant 480 : index
    %get3A_1643 = tpu.vector_load %arg8[%get3A_1641, %get3A_1642] {strides = array<i32>} : memref<1x1024xf32, #tpu.memory_space<vmem>>, vector<1x16xf32>,
    %get3A_1644 = vector.shape_cast %get3A_1643 : vector<1x16xf32> to vector<16xf32>
    %get3A_1645 = arith.constant 0 : i32
    %get3A_1646 = arith.index_cast %get3A_1645 : i32 to index
    %get3A_1647 = arith.constant 480 : index
    %get3A_1648 = tpu.vector_load %arg10[%get3A_1646, %get3A_1647] {strides = array<i32>} : memref<1x1024xf32, #tpu.memory_space<vmem>>, vector<1x16xf32>,
    %get3A_1649 = vector.shape_cast %get3A_1648 : vector<1x16xf32> to vector<16xf32>
    %add3A_1650 = arith.addf %get3A_1644, %get3A_1649 : vector<16xf32>
    %swap3A_1651 = arith.constant 0 : i32
    %swap3A_1652 = arith.index_cast %swap3A_1651 : i32 to index
    %swap3A_1653 = arith.constant 480 : index
    %swap3A_1654 = tpu.vector_load %arg8[%swap3A_1652, %swap3A_1653] {strides = array<i32>} : memref<1x1024xf32, #tpu.memory_space<vmem>>, vector<1x16xf32>,
    %swap3A_1655 = vector.shape_cast %swap3A_1654 : vector<1x16xf32> to vector<16xf32>
    %swap3A_1656 = vector.shape_cast %add3A_1650 : vector<16xf32> to vector<1x16xf32>
    tpu.vector_store %arg8[%swap3A_1652, %swap3A_1653], %swap3A_1656 {strides = array<i32>} : memref<1x1024xf32, #tpu.memory_space<vmem>>, vector<1x16xf32>,
    %get3A_1657 = arith.constant 0 : i32
    %get3A_1658 = arith.index_cast %get3A_1657 : i32 to index
    %get3A_1659 = arith.constant 496 : index
    %get3A_1660 = tpu.vector_load %arg8[%get3A_1658, %get3A_1659] {strides = array<i32>} : memref<1x1024xf32, #tpu.memory_space<vmem>>, vector<1x16xf32>,
    %get3A_1661 = vector.shape_cast %get3A_1660 : vector<1x16xf32> to vector<16xf32>
    %get3A_1662 = arith.constant 0 : i32
    %get3A_1663 = arith.index_cast %get3A_1662 : i32 to index
    %get3A_1664 = arith.constant 496 : index
    %get3A_1665 = tpu.vector_load %arg10[%get3A_1663, %get3A_1664] {strides = array<i32>} : memref<1x1024xf32, #tpu.memory_space<vmem>>, vector<1x16xf32>,
    %get3A_1666 = vector.shape_cast %get3A_1665 : vector<1x16xf32> to vector<16xf32>
    %add3A_1667 = arith.addf %get3A_1661, %get3A_1666 : vector<16xf32>
    %swap3A_1668 = arith.constant 0 : i32
    %swap3A_1669 = arith.index_cast %swap3A_1668 : i32 to index
    %swap3A_1670 = arith.constant 496 : index
    %swap3A_1671 = tpu.vector_load %arg8[%swap3A_1669, %swap3A_1670] {strides = array<i32>} : memref<1x1024xf32, #tpu.memory_space<vmem>>, vector<1x16xf32>,
    %swap3A_1672 = vector.shape_cast %swap3A_1671 : vector<1x16xf32> to vector<16xf32>
    %swap3A_1673 = vector.shape_cast %add3A_1667 : vector<16xf32> to vector<1x16xf32>
    tpu.vector_store %arg8[%swap3A_1669, %swap3A_1670], %swap3A_1673 {strides = array<i32>} : memref<1x1024xf32, #tpu.memory_space<vmem>>, vector<1x16xf32>,
    %get3A_1674 = arith.constant 0 : i32
    %get3A_1675 = arith.index_cast %get3A_1674 : i32 to index
    %get3A_1676 = arith.constant 512 : index
    %get3A_1677 = tpu.vector_load %arg8[%get3A_1675, %get3A_1676] {strides = array<i32>} : memref<1x1024xf32, #tpu.memory_space<vmem>>, vector<1x16xf32>,
    %get3A_1678 = vector.shape_cast %get3A_1677 : vector<1x16xf32> to vector<16xf32>
    %get3A_1679 = arith.constant 0 : i32
    %get3A_1680 = arith.index_cast %get3A_1679 : i32 to index
    %get3A_1681 = arith.constant 512 : index
    %get3A_1682 = tpu.vector_load %arg10[%get3A_1680, %get3A_1681] {strides = array<i32>} : memref<1x1024xf32, #tpu.memory_space<vmem>>, vector<1x16xf32>,
    %get3A_1683 = vector.shape_cast %get3A_1682 : vector<1x16xf32> to vector<16xf32>
    %add3A_1684 = arith.addf %get3A_1678, %get3A_1683 : vector<16xf32>
    %swap3A_1685 = arith.constant 0 : i32
    %swap3A_1686 = arith.index_cast %swap3A_1685 : i32 to index
    %swap3A_1687 = arith.constant 512 : index
    %swap3A_1688 = tpu.vector_load %arg8[%swap3A_1686, %swap3A_1687] {strides = array<i32>} : memref<1x1024xf32, #tpu.memory_space<vmem>>, vector<1x16xf32>,
    %swap3A_1689 = vector.shape_cast %swap3A_1688 : vector<1x16xf32> to vector<16xf32>
    %swap3A_1690 = vector.shape_cast %add3A_1684 : vector<16xf32> to vector<1x16xf32>
    tpu.vector_store %arg8[%swap3A_1686, %swap3A_1687], %swap3A_1690 {strides = array<i32>} : memref<1x1024xf32, #tpu.memory_space<vmem>>, vector<1x16xf32>,
    %get3A_1691 = arith.constant 0 : i32
    %get3A_1692 = arith.index_cast %get3A_1691 : i32 to index
    %get3A_1693 = arith.constant 528 : index
    %get3A_1694 = tpu.vector_load %arg8[%get3A_1692, %get3A_1693] {strides = array<i32>} : memref<1x1024xf32, #tpu.memory_space<vmem>>, vector<1x16xf32>,
    %get3A_1695 = vector.shape_cast %get3A_1694 : vector<1x16xf32> to vector<16xf32>
    %get3A_1696 = arith.constant 0 : i32
    %get3A_1697 = arith.index_cast %get3A_1696 : i32 to index
    %get3A_1698 = arith.constant 528 : index
    %get3A_1699 = tpu.vector_load %arg10[%get3A_1697, %get3A_1698] {strides = array<i32>} : memref<1x1024xf32, #tpu.memory_space<vmem>>, vector<1x16xf32>,
    %get3A_1700 = vector.shape_cast %get3A_1699 : vector<1x16xf32> to vector<16xf32>
    %add3A_1701 = arith.addf %get3A_1695, %get3A_1700 : vector<16xf32>
    %swap3A_1702 = arith.constant 0 : i32
    %swap3A_1703 = arith.index_cast %swap3A_1702 : i32 to index
    %swap3A_1704 = arith.constant 528 : index
    %swap3A_1705 = tpu.vector_load %arg8[%swap3A_1703, %swap3A_1704] {strides = array<i32>} : memref<1x1024xf32, #tpu.memory_space<vmem>>, vector<1x16xf32>,
    %swap3A_1706 = vector.shape_cast %swap3A_1705 : vector<1x16xf32> to vector<16xf32>
    %swap3A_1707 = vector.shape_cast %add3A_1701 : vector<16xf32> to vector<1x16xf32>
    tpu.vector_store %arg8[%swap3A_1703, %swap3A_1704], %swap3A_1707 {strides = array<i32>} : memref<1x1024xf32, #tpu.memory_space<vmem>>, vector<1x16xf32>,
    %get3A_1708 = arith.constant 0 : i32
    %get3A_1709 = arith.index_cast %get3A_1708 : i32 to index
    %get3A_1710 = arith.constant 544 : index
    %get3A_1711 = tpu.vector_load %arg8[%get3A_1709, %get3A_1710] {strides = array<i32>} : memref<1x1024xf32, #tpu.memory_space<vmem>>, vector<1x16xf32>,
    %get3A_1712 = vector.shape_cast %get3A_1711 : vector<1x16xf32> to vector<16xf32>
    %get3A_1713 = arith.constant 0 : i32
    %get3A_1714 = arith.index_cast %get3A_1713 : i32 to index
    %get3A_1715 = arith.constant 544 : index
    %get3A_1716 = tpu.vector_load %arg10[%get3A_1714, %get3A_1715] {strides = array<i32>} : memref<1x1024xf32, #tpu.memory_space<vmem>>, vector<1x16xf32>,
    %get3A_1717 = vector.shape_cast %get3A_1716 : vector<1x16xf32> to vector<16xf32>
    %add3A_1718 = arith.addf %get3A_1712, %get3A_1717 : vector<16xf32>
    %swap3A_1719 = arith.constant 0 : i32
    %swap3A_1720 = arith.index_cast %swap3A_1719 : i32 to index
    %swap3A_1721 = arith.constant 544 : index
    %swap3A_1722 = tpu.vector_load %arg8[%swap3A_1720, %swap3A_1721] {strides = array<i32>} : memref<1x1024xf32, #tpu.memory_space<vmem>>, vector<1x16xf32>,
    %swap3A_1723 = vector.shape_cast %swap3A_1722 : vector<1x16xf32> to vector<16xf32>
    %swap3A_1724 = vector.shape_cast %add3A_1718 : vector<16xf32> to vector<1x16xf32>
    tpu.vector_store %arg8[%swap3A_1720, %swap3A_1721], %swap3A_1724 {strides = array<i32>} : memref<1x1024xf32, #tpu.memory_space<vmem>>, vector<1x16xf32>,
    %get3A_1725 = arith.constant 0 : i32
    %get3A_1726 = arith.index_cast %get3A_1725 : i32 to index
    %get3A_1727 = arith.constant 560 : index
    %get3A_1728 = tpu.vector_load %arg8[%get3A_1726, %get3A_1727] {strides = array<i32>} : memref<1x1024xf32, #tpu.memory_space<vmem>>, vector<1x16xf32>,
    %get3A_1729 = vector.shape_cast %get3A_1728 : vector<1x16xf32> to vector<16xf32>
    %get3A_1730 = arith.constant 0 : i32
    %get3A_1731 = arith.index_cast %get3A_1730 : i32 to index
    %get3A_1732 = arith.constant 560 : index
    %get3A_1733 = tpu.vector_load %arg10[%get3A_1731, %get3A_1732] {strides = array<i32>} : memref<1x1024xf32, #tpu.memory_space<vmem>>, vector<1x16xf32>,
    %get3A_1734 = vector.shape_cast %get3A_1733 : vector<1x16xf32> to vector<16xf32>
    %add3A_1735 = arith.addf %get3A_1729, %get3A_1734 : vector<16xf32>
    %swap3A_1736 = arith.constant 0 : i32
    %swap3A_1737 = arith.index_cast %swap3A_1736 : i32 to index
    %swap3A_1738 = arith.constant 560 : index
    %swap3A_1739 = tpu.vector_load %arg8[%swap3A_1737, %swap3A_1738] {strides = array<i32>} : memref<1x1024xf32, #tpu.memory_space<vmem>>, vector<1x16xf32>,
    %swap3A_1740 = vector.shape_cast %swap3A_1739 : vector<1x16xf32> to vector<16xf32>
    %swap3A_1741 = vector.shape_cast %add3A_1735 : vector<16xf32> to vector<1x16xf32>
    tpu.vector_store %arg8[%swap3A_1737, %swap3A_1738], %swap3A_1741 {strides = array<i32>} : memref<1x1024xf32, #tpu.memory_space<vmem>>, vector<1x16xf32>,
    %get3A_1742 = arith.constant 0 : i32
    %get3A_1743 = arith.index_cast %get3A_1742 : i32 to index
    %get3A_1744 = arith.constant 576 : index
    %get3A_1745 = tpu.vector_load %arg8[%get3A_1743, %get3A_1744] {strides = array<i32>} : memref<1x1024xf32, #tpu.memory_space<vmem>>, vector<1x16xf32>,
    %get3A_1746 = vector.shape_cast %get3A_1745 : vector<1x16xf32> to vector<16xf32>
    %get3A_1747 = arith.constant 0 : i32
    %get3A_1748 = arith.index_cast %get3A_1747 : i32 to index
    %get3A_1749 = arith.constant 576 : index
    %get3A_1750 = tpu.vector_load %arg10[%get3A_1748, %get3A_1749] {strides = array<i32>} : memref<1x1024xf32, #tpu.memory_space<vmem>>, vector<1x16xf32>,
    %get3A_1751 = vector.shape_cast %get3A_1750 : vector<1x16xf32> to vector<16xf32>
    %add3A_1752 = arith.addf %get3A_1746, %get3A_1751 : vector<16xf32>
    %swap3A_1753 = arith.constant 0 : i32
    %swap3A_1754 = arith.index_cast %swap3A_1753 : i32 to index
    %swap3A_1755 = arith.constant 576 : index
    %swap3A_1756 = tpu.vector_load %arg8[%swap3A_1754, %swap3A_1755] {strides = array<i32>} : memref<1x1024xf32, #tpu.memory_space<vmem>>, vector<1x16xf32>,
    %swap3A_1757 = vector.shape_cast %swap3A_1756 : vector<1x16xf32> to vector<16xf32>
    %swap3A_1758 = vector.shape_cast %add3A_1752 : vector<16xf32> to vector<1x16xf32>
    tpu.vector_store %arg8[%swap3A_1754, %swap3A_1755], %swap3A_1758 {strides = array<i32>} : memref<1x1024xf32, #tpu.memory_space<vmem>>, vector<1x16xf32>,
    %get3A_1759 = arith.constant 0 : i32
    %get3A_1760 = arith.index_cast %get3A_1759 : i32 to index
    %get3A_1761 = arith.constant 592 : index
    %get3A_1762 = tpu.vector_load %arg8[%get3A_1760, %get3A_1761] {strides = array<i32>} : memref<1x1024xf32, #tpu.memory_space<vmem>>, vector<1x16xf32>,
    %get3A_1763 = vector.shape_cast %get3A_1762 : vector<1x16xf32> to vector<16xf32>
    %get3A_1764 = arith.constant 0 : i32
    %get3A_1765 = arith.index_cast %get3A_1764 : i32 to index
    %get3A_1766 = arith.constant 592 : index
    %get3A_1767 = tpu.vector_load %arg10[%get3A_1765, %get3A_1766] {strides = array<i32>} : memref<1x1024xf32, #tpu.memory_space<vmem>>, vector<1x16xf32>,
    %get3A_1768 = vector.shape_cast %get3A_1767 : vector<1x16xf32> to vector<16xf32>
    %add3A_1769 = arith.addf %get3A_1763, %get3A_1768 : vector<16xf32>
    %swap3A_1770 = arith.constant 0 : i32
    %swap3A_1771 = arith.index_cast %swap3A_1770 : i32 to index
    %swap3A_1772 = arith.constant 592 : index
    %swap3A_1773 = tpu.vector_load %arg8[%swap3A_1771, %swap3A_1772] {strides = array<i32>} : memref<1x1024xf32, #tpu.memory_space<vmem>>, vector<1x16xf32>,
    %swap3A_1774 = vector.shape_cast %swap3A_1773 : vector<1x16xf32> to vector<16xf32>
    %swap3A_1775 = vector.shape_cast %add3A_1769 : vector<16xf32> to vector<1x16xf32>
    tpu.vector_store %arg8[%swap3A_1771, %swap3A_1772], %swap3A_1775 {strides = array<i32>} : memref<1x1024xf32, #tpu.memory_space<vmem>>, vector<1x16xf32>,
    %get3A_1776 = arith.constant 0 : i32
    %get3A_1777 = arith.index_cast %get3A_1776 : i32 to index
    %get3A_1778 = arith.constant 608 : index
    %get3A_1779 = tpu.vector_load %arg8[%get3A_1777, %get3A_1778] {strides = array<i32>} : memref<1x1024xf32, #tpu.memory_space<vmem>>, vector<1x16xf32>,
    %get3A_1780 = vector.shape_cast %get3A_1779 : vector<1x16xf32> to vector<16xf32>
    %get3A_1781 = arith.constant 0 : i32
    %get3A_1782 = arith.index_cast %get3A_1781 : i32 to index
    %get3A_1783 = arith.constant 608 : index
    %get3A_1784 = tpu.vector_load %arg10[%get3A_1782, %get3A_1783] {strides = array<i32>} : memref<1x1024xf32, #tpu.memory_space<vmem>>, vector<1x16xf32>,
    %get3A_1785 = vector.shape_cast %get3A_1784 : vector<1x16xf32> to vector<16xf32>
    %add3A_1786 = arith.addf %get3A_1780, %get3A_1785 : vector<16xf32>
    %swap3A_1787 = arith.constant 0 : i32
    %swap3A_1788 = arith.index_cast %swap3A_1787 : i32 to index
    %swap3A_1789 = arith.constant 608 : index
    %swap3A_1790 = tpu.vector_load %arg8[%swap3A_1788, %swap3A_1789] {strides = array<i32>} : memref<1x1024xf32, #tpu.memory_space<vmem>>, vector<1x16xf32>,
    %swap3A_1791 = vector.shape_cast %swap3A_1790 : vector<1x16xf32> to vector<16xf32>
    %swap3A_1792 = vector.shape_cast %add3A_1786 : vector<16xf32> to vector<1x16xf32>
    tpu.vector_store %arg8[%swap3A_1788, %swap3A_1789], %swap3A_1792 {strides = array<i32>} : memref<1x1024xf32, #tpu.memory_space<vmem>>, vector<1x16xf32>,
    %get3A_1793 = arith.constant 0 : i32
    %get3A_1794 = arith.index_cast %get3A_1793 : i32 to index
    %get3A_1795 = arith.constant 624 : index
    %get3A_1796 = tpu.vector_load %arg8[%get3A_1794, %get3A_1795] {strides = array<i32>} : memref<1x1024xf32, #tpu.memory_space<vmem>>, vector<1x16xf32>,
    %get3A_1797 = vector.shape_cast %get3A_1796 : vector<1x16xf32> to vector<16xf32>
    %get3A_1798 = arith.constant 0 : i32
    %get3A_1799 = arith.index_cast %get3A_1798 : i32 to index
    %get3A_1800 = arith.constant 624 : index
    %get3A_1801 = tpu.vector_load %arg10[%get3A_1799, %get3A_1800] {strides = array<i32>} : memref<1x1024xf32, #tpu.memory_space<vmem>>, vector<1x16xf32>,
    %get3A_1802 = vector.shape_cast %get3A_1801 : vector<1x16xf32> to vector<16xf32>
    %add3A_1803 = arith.addf %get3A_1797, %get3A_1802 : vector<16xf32>
    %swap3A_1804 = arith.constant 0 : i32
    %swap3A_1805 = arith.index_cast %swap3A_1804 : i32 to index
    %swap3A_1806 = arith.constant 624 : index
    %swap3A_1807 = tpu.vector_load %arg8[%swap3A_1805, %swap3A_1806] {strides = array<i32>} : memref<1x1024xf32, #tpu.memory_space<vmem>>, vector<1x16xf32>,
    %swap3A_1808 = vector.shape_cast %swap3A_1807 : vector<1x16xf32> to vector<16xf32>
    %swap3A_1809 = vector.shape_cast %add3A_1803 : vector<16xf32> to vector<1x16xf32>
    tpu.vector_store %arg8[%swap3A_1805, %swap3A_1806], %swap3A_1809 {strides = array<i32>} : memref<1x1024xf32, #tpu.memory_space<vmem>>, vector<1x16xf32>,
    %get3A_1810 = arith.constant 0 : i32
    %get3A_1811 = arith.index_cast %get3A_1810 : i32 to index
    %get3A_1812 = arith.constant 640 : index
    %get3A_1813 = tpu.vector_load %arg8[%get3A_1811, %get3A_1812] {strides = array<i32>} : memref<1x1024xf32, #tpu.memory_space<vmem>>, vector<1x16xf32>,
    %get3A_1814 = vector.shape_cast %get3A_1813 : vector<1x16xf32> to vector<16xf32>
    %get3A_1815 = arith.constant 0 : i32
    %get3A_1816 = arith.index_cast %get3A_1815 : i32 to index
    %get3A_1817 = arith.constant 640 : index
    %get3A_1818 = tpu.vector_load %arg10[%get3A_1816, %get3A_1817] {strides = array<i32>} : memref<1x1024xf32, #tpu.memory_space<vmem>>, vector<1x16xf32>,
    %get3A_1819 = vector.shape_cast %get3A_1818 : vector<1x16xf32> to vector<16xf32>
    %add3A_1820 = arith.addf %get3A_1814, %get3A_1819 : vector<16xf32>
    %swap3A_1821 = arith.constant 0 : i32
    %swap3A_1822 = arith.index_cast %swap3A_1821 : i32 to index
    %swap3A_1823 = arith.constant 640 : index
    %swap3A_1824 = tpu.vector_load %arg8[%swap3A_1822, %swap3A_1823] {strides = array<i32>} : memref<1x1024xf32, #tpu.memory_space<vmem>>, vector<1x16xf32>,
    %swap3A_1825 = vector.shape_cast %swap3A_1824 : vector<1x16xf32> to vector<16xf32>
    %swap3A_1826 = vector.shape_cast %add3A_1820 : vector<16xf32> to vector<1x16xf32>
    tpu.vector_store %arg8[%swap3A_1822, %swap3A_1823], %swap3A_1826 {strides = array<i32>} : memref<1x1024xf32, #tpu.memory_space<vmem>>, vector<1x16xf32>,
    %get3A_1827 = arith.constant 0 : i32
    %get3A_1828 = arith.index_cast %get3A_1827 : i32 to index
    %get3A_1829 = arith.constant 656 : index
    %get3A_1830 = tpu.vector_load %arg8[%get3A_1828, %get3A_1829] {strides = array<i32>} : memref<1x1024xf32, #tpu.memory_space<vmem>>, vector<1x16xf32>,
    %get3A_1831 = vector.shape_cast %get3A_1830 : vector<1x16xf32> to vector<16xf32>
    %get3A_1832 = arith.constant 0 : i32
    %get3A_1833 = arith.index_cast %get3A_1832 : i32 to index
    %get3A_1834 = arith.constant 656 : index
    %get3A_1835 = tpu.vector_load %arg10[%get3A_1833, %get3A_1834] {strides = array<i32>} : memref<1x1024xf32, #tpu.memory_space<vmem>>, vector<1x16xf32>,
    %get3A_1836 = vector.shape_cast %get3A_1835 : vector<1x16xf32> to vector<16xf32>
    %add3A_1837 = arith.addf %get3A_1831, %get3A_1836 : vector<16xf32>
    %swap3A_1838 = arith.constant 0 : i32
    %swap3A_1839 = arith.index_cast %swap3A_1838 : i32 to index
    %swap3A_1840 = arith.constant 656 : index
    %swap3A_1841 = tpu.vector_load %arg8[%swap3A_1839, %swap3A_1840] {strides = array<i32>} : memref<1x1024xf32, #tpu.memory_space<vmem>>, vector<1x16xf32>,
    %swap3A_1842 = vector.shape_cast %swap3A_1841 : vector<1x16xf32> to vector<16xf32>
    %swap3A_1843 = vector.shape_cast %add3A_1837 : vector<16xf32> to vector<1x16xf32>
    tpu.vector_store %arg8[%swap3A_1839, %swap3A_1840], %swap3A_1843 {strides = array<i32>} : memref<1x1024xf32, #tpu.memory_space<vmem>>, vector<1x16xf32>,
    %get3A_1844 = arith.constant 0 : i32
    %get3A_1845 = arith.index_cast %get3A_1844 : i32 to index
    %get3A_1846 = arith.constant 672 : index
    %get3A_1847 = tpu.vector_load %arg8[%get3A_1845, %get3A_1846] {strides = array<i32>} : memref<1x1024xf32, #tpu.memory_space<vmem>>, vector<1x16xf32>,
    %get3A_1848 = vector.shape_cast %get3A_1847 : vector<1x16xf32> to vector<16xf32>
    %get3A_1849 = arith.constant 0 : i32
    %get3A_1850 = arith.index_cast %get3A_1849 : i32 to index
    %get3A_1851 = arith.constant 672 : index
    %get3A_1852 = tpu.vector_load %arg10[%get3A_1850, %get3A_1851] {strides = array<i32>} : memref<1x1024xf32, #tpu.memory_space<vmem>>, vector<1x16xf32>,
    %get3A_1853 = vector.shape_cast %get3A_1852 : vector<1x16xf32> to vector<16xf32>
    %add3A_1854 = arith.addf %get3A_1848, %get3A_1853 : vector<16xf32>
    %swap3A_1855 = arith.constant 0 : i32
    %swap3A_1856 = arith.index_cast %swap3A_1855 : i32 to index
    %swap3A_1857 = arith.constant 672 : index
    %swap3A_1858 = tpu.vector_load %arg8[%swap3A_1856, %swap3A_1857] {strides = array<i32>} : memref<1x1024xf32, #tpu.memory_space<vmem>>, vector<1x16xf32>,
    %swap3A_1859 = vector.shape_cast %swap3A_1858 : vector<1x16xf32> to vector<16xf32>
    %swap3A_1860 = vector.shape_cast %add3A_1854 : vector<16xf32> to vector<1x16xf32>
    tpu.vector_store %arg8[%swap3A_1856, %swap3A_1857], %swap3A_1860 {strides = array<i32>} : memref<1x1024xf32, #tpu.memory_space<vmem>>, vector<1x16xf32>,
    %get3A_1861 = arith.constant 0 : i32
    %get3A_1862 = arith.index_cast %get3A_1861 : i32 to index
    %get3A_1863 = arith.constant 688 : index
    %get3A_1864 = tpu.vector_load %arg8[%get3A_1862, %get3A_1863] {strides = array<i32>} : memref<1x1024xf32, #tpu.memory_space<vmem>>, vector<1x16xf32>,
    %get3A_1865 = vector.shape_cast %get3A_1864 : vector<1x16xf32> to vector<16xf32>
    %get3A_1866 = arith.constant 0 : i32
    %get3A_1867 = arith.index_cast %get3A_1866 : i32 to index
    %get3A_1868 = arith.constant 688 : index
    %get3A_1869 = tpu.vector_load %arg10[%get3A_1867, %get3A_1868] {strides = array<i32>} : memref<1x1024xf32, #tpu.memory_space<vmem>>, vector<1x16xf32>,
    %get3A_1870 = vector.shape_cast %get3A_1869 : vector<1x16xf32> to vector<16xf32>
    %add3A_1871 = arith.addf %get3A_1865, %get3A_1870 : vector<16xf32>
    %swap3A_1872 = arith.constant 0 : i32
    %swap3A_1873 = arith.index_cast %swap3A_1872 : i32 to index
    %swap3A_1874 = arith.constant 688 : index
    %swap3A_1875 = tpu.vector_load %arg8[%swap3A_1873, %swap3A_1874] {strides = array<i32>} : memref<1x1024xf32, #tpu.memory_space<vmem>>, vector<1x16xf32>,
    %swap3A_1876 = vector.shape_cast %swap3A_1875 : vector<1x16xf32> to vector<16xf32>
    %swap3A_1877 = vector.shape_cast %add3A_1871 : vector<16xf32> to vector<1x16xf32>
    tpu.vector_store %arg8[%swap3A_1873, %swap3A_1874], %swap3A_1877 {strides = array<i32>} : memref<1x1024xf32, #tpu.memory_space<vmem>>, vector<1x16xf32>,
    %get3A_1878 = arith.constant 0 : i32
    %get3A_1879 = arith.index_cast %get3A_1878 : i32 to index
    %get3A_1880 = arith.constant 704 : index
    %get3A_1881 = tpu.vector_load %arg8[%get3A_1879, %get3A_1880] {strides = array<i32>} : memref<1x1024xf32, #tpu.memory_space<vmem>>, vector<1x16xf32>,
    %get3A_1882 = vector.shape_cast %get3A_1881 : vector<1x16xf32> to vector<16xf32>
    %get3A_1883 = arith.constant 0 : i32
    %get3A_1884 = arith.index_cast %get3A_1883 : i32 to index
    %get3A_1885 = arith.constant 704 : index
    %get3A_1886 = tpu.vector_load %arg10[%get3A_1884, %get3A_1885] {strides = array<i32>} : memref<1x1024xf32, #tpu.memory_space<vmem>>, vector<1x16xf32>,
    %get3A_1887 = vector.shape_cast %get3A_1886 : vector<1x16xf32> to vector<16xf32>
    %add3A_1888 = arith.addf %get3A_1882, %get3A_1887 : vector<16xf32>
    %swap3A_1889 = arith.constant 0 : i32
    %swap3A_1890 = arith.index_cast %swap3A_1889 : i32 to index
    %swap3A_1891 = arith.constant 704 : index
    %swap3A_1892 = tpu.vector_load %arg8[%swap3A_1890, %swap3A_1891] {strides = array<i32>} : memref<1x1024xf32, #tpu.memory_space<vmem>>, vector<1x16xf32>,
    %swap3A_1893 = vector.shape_cast %swap3A_1892 : vector<1x16xf32> to vector<16xf32>
    %swap3A_1894 = vector.shape_cast %add3A_1888 : vector<16xf32> to vector<1x16xf32>
    tpu.vector_store %arg8[%swap3A_1890, %swap3A_1891], %swap3A_1894 {strides = array<i32>} : memref<1x1024xf32, #tpu.memory_space<vmem>>, vector<1x16xf32>,
    %get3A_1895 = arith.constant 0 : i32
    %get3A_1896 = arith.index_cast %get3A_1895 : i32 to index
    %get3A_1897 = arith.constant 720 : index
    %get3A_1898 = tpu.vector_load %arg8[%get3A_1896, %get3A_1897] {strides = array<i32>} : memref<1x1024xf32, #tpu.memory_space<vmem>>, vector<1x16xf32>,
    %get3A_1899 = vector.shape_cast %get3A_1898 : vector<1x16xf32> to vector<16xf32>
    %get3A_1900 = arith.constant 0 : i32
    %get3A_1901 = arith.index_cast %get3A_1900 : i32 to index
    %get3A_1902 = arith.constant 720 : index
    %get3A_1903 = tpu.vector_load %arg10[%get3A_1901, %get3A_1902] {strides = array<i32>} : memref<1x1024xf32, #tpu.memory_space<vmem>>, vector<1x16xf32>,
    %get3A_1904 = vector.shape_cast %get3A_1903 : vector<1x16xf32> to vector<16xf32>
    %add3A_1905 = arith.addf %get3A_1899, %get3A_1904 : vector<16xf32>
    %swap3A_1906 = arith.constant 0 : i32
    %swap3A_1907 = arith.index_cast %swap3A_1906 : i32 to index
    %swap3A_1908 = arith.constant 720 : index
    %swap3A_1909 = tpu.vector_load %arg8[%swap3A_1907, %swap3A_1908] {strides = array<i32>} : memref<1x1024xf32, #tpu.memory_space<vmem>>, vector<1x16xf32>,
    %swap3A_1910 = vector.shape_cast %swap3A_1909 : vector<1x16xf32> to vector<16xf32>
    %swap3A_1911 = vector.shape_cast %add3A_1905 : vector<16xf32> to vector<1x16xf32>
    tpu.vector_store %arg8[%swap3A_1907, %swap3A_1908], %swap3A_1911 {strides = array<i32>} : memref<1x1024xf32, #tpu.memory_space<vmem>>, vector<1x16xf32>,
    %get3A_1912 = arith.constant 0 : i32
    %get3A_1913 = arith.index_cast %get3A_1912 : i32 to index
    %get3A_1914 = arith.constant 736 : index
    %get3A_1915 = tpu.vector_load %arg8[%get3A_1913, %get3A_1914] {strides = array<i32>} : memref<1x1024xf32, #tpu.memory_space<vmem>>, vector<1x16xf32>,
    %get3A_1916 = vector.shape_cast %get3A_1915 : vector<1x16xf32> to vector<16xf32>
    %get3A_1917 = arith.constant 0 : i32
    %get3A_1918 = arith.index_cast %get3A_1917 : i32 to index
    %get3A_1919 = arith.constant 736 : index
    %get3A_1920 = tpu.vector_load %arg10[%get3A_1918, %get3A_1919] {strides = array<i32>} : memref<1x1024xf32, #tpu.memory_space<vmem>>, vector<1x16xf32>,
    %get3A_1921 = vector.shape_cast %get3A_1920 : vector<1x16xf32> to vector<16xf32>
    %add3A_1922 = arith.addf %get3A_1916, %get3A_1921 : vector<16xf32>
    %swap3A_1923 = arith.constant 0 : i32
    %swap3A_1924 = arith.index_cast %swap3A_1923 : i32 to index
    %swap3A_1925 = arith.constant 736 : index
    %swap3A_1926 = tpu.vector_load %arg8[%swap3A_1924, %swap3A_1925] {strides = array<i32>} : memref<1x1024xf32, #tpu.memory_space<vmem>>, vector<1x16xf32>,
    %swap3A_1927 = vector.shape_cast %swap3A_1926 : vector<1x16xf32> to vector<16xf32>
    %swap3A_1928 = vector.shape_cast %add3A_1922 : vector<16xf32> to vector<1x16xf32>
    tpu.vector_store %arg8[%swap3A_1924, %swap3A_1925], %swap3A_1928 {strides = array<i32>} : memref<1x1024xf32, #tpu.memory_space<vmem>>, vector<1x16xf32>,
    %get3A_1929 = arith.constant 0 : i32
    %get3A_1930 = arith.index_cast %get3A_1929 : i32 to index
    %get3A_1931 = arith.constant 752 : index
    %get3A_1932 = tpu.vector_load %arg8[%get3A_1930, %get3A_1931] {strides = array<i32>} : memref<1x1024xf32, #tpu.memory_space<vmem>>, vector<1x16xf32>,
    %get3A_1933 = vector.shape_cast %get3A_1932 : vector<1x16xf32> to vector<16xf32>
    %get3A_1934 = arith.constant 0 : i32
    %get3A_1935 = arith.index_cast %get3A_1934 : i32 to index
    %get3A_1936 = arith.constant 752 : index
    %get3A_1937 = tpu.vector_load %arg10[%get3A_1935, %get3A_1936] {strides = array<i32>} : memref<1x1024xf32, #tpu.memory_space<vmem>>, vector<1x16xf32>,
    %get3A_1938 = vector.shape_cast %get3A_1937 : vector<1x16xf32> to vector<16xf32>
    %add3A_1939 = arith.addf %get3A_1933, %get3A_1938 : vector<16xf32>
    %swap3A_1940 = arith.constant 0 : i32
    %swap3A_1941 = arith.index_cast %swap3A_1940 : i32 to index
    %swap3A_1942 = arith.constant 752 : index
    %swap3A_1943 = tpu.vector_load %arg8[%swap3A_1941, %swap3A_1942] {strides = array<i32>} : memref<1x1024xf32, #tpu.memory_space<vmem>>, vector<1x16xf32>,
    %swap3A_1944 = vector.shape_cast %swap3A_1943 : vector<1x16xf32> to vector<16xf32>
    %swap3A_1945 = vector.shape_cast %add3A_1939 : vector<16xf32> to vector<1x16xf32>
    tpu.vector_store %arg8[%swap3A_1941, %swap3A_1942], %swap3A_1945 {strides = array<i32>} : memref<1x1024xf32, #tpu.memory_space<vmem>>, vector<1x16xf32>,
    %get3A_1946 = arith.constant 0 : i32
    %get3A_1947 = arith.index_cast %get3A_1946 : i32 to index
    %get3A_1948 = arith.constant 768 : index
    %get3A_1949 = tpu.vector_load %arg8[%get3A_1947, %get3A_1948] {strides = array<i32>} : memref<1x1024xf32, #tpu.memory_space<vmem>>, vector<1x16xf32>,
    %get3A_1950 = vector.shape_cast %get3A_1949 : vector<1x16xf32> to vector<16xf32>
    %get3A_1951 = arith.constant 0 : i32
    %get3A_1952 = arith.index_cast %get3A_1951 : i32 to index
    %get3A_1953 = arith.constant 768 : index
    %get3A_1954 = tpu.vector_load %arg10[%get3A_1952, %get3A_1953] {strides = array<i32>} : memref<1x1024xf32, #tpu.memory_space<vmem>>, vector<1x16xf32>,
    %get3A_1955 = vector.shape_cast %get3A_1954 : vector<1x16xf32> to vector<16xf32>
    %add3A_1956 = arith.addf %get3A_1950, %get3A_1955 : vector<16xf32>
    %swap3A_1957 = arith.constant 0 : i32
    %swap3A_1958 = arith.index_cast %swap3A_1957 : i32 to index
    %swap3A_1959 = arith.constant 768 : index
    %swap3A_1960 = tpu.vector_load %arg8[%swap3A_1958, %swap3A_1959] {strides = array<i32>} : memref<1x1024xf32, #tpu.memory_space<vmem>>, vector<1x16xf32>,
    %swap3A_1961 = vector.shape_cast %swap3A_1960 : vector<1x16xf32> to vector<16xf32>
    %swap3A_1962 = vector.shape_cast %add3A_1956 : vector<16xf32> to vector<1x16xf32>
    tpu.vector_store %arg8[%swap3A_1958, %swap3A_1959], %swap3A_1962 {strides = array<i32>} : memref<1x1024xf32, #tpu.memory_space<vmem>>, vector<1x16xf32>,
    %get3A_1963 = arith.constant 0 : i32
    %get3A_1964 = arith.index_cast %get3A_1963 : i32 to index
    %get3A_1965 = arith.constant 784 : index
    %get3A_1966 = tpu.vector_load %arg8[%get3A_1964, %get3A_1965] {strides = array<i32>} : memref<1x1024xf32, #tpu.memory_space<vmem>>, vector<1x16xf32>,
    %get3A_1967 = vector.shape_cast %get3A_1966 : vector<1x16xf32> to vector<16xf32>
    %get3A_1968 = arith.constant 0 : i32
    %get3A_1969 = arith.index_cast %get3A_1968 : i32 to index
    %get3A_1970 = arith.constant 784 : index
    %get3A_1971 = tpu.vector_load %arg10[%get3A_1969, %get3A_1970] {strides = array<i32>} : memref<1x1024xf32, #tpu.memory_space<vmem>>, vector<1x16xf32>,
    %get3A_1972 = vector.shape_cast %get3A_1971 : vector<1x16xf32> to vector<16xf32>
    %add3A_1973 = arith.addf %get3A_1967, %get3A_1972 : vector<16xf32>
    %swap3A_1974 = arith.constant 0 : i32
    %swap3A_1975 = arith.index_cast %swap3A_1974 : i32 to index
    %swap3A_1976 = arith.constant 784 : index
    %swap3A_1977 = tpu.vector_load %arg8[%swap3A_1975, %swap3A_1976] {strides = array<i32>} : memref<1x1024xf32, #tpu.memory_space<vmem>>, vector<1x16xf32>,
    %swap3A_1978 = vector.shape_cast %swap3A_1977 : vector<1x16xf32> to vector<16xf32>
    %swap3A_1979 = vector.shape_cast %add3A_1973 : vector<16xf32> to vector<1x16xf32>
    tpu.vector_store %arg8[%swap3A_1975, %swap3A_1976], %swap3A_1979 {strides = array<i32>} : memref<1x1024xf32, #tpu.memory_space<vmem>>, vector<1x16xf32>,
    %get3A_1980 = arith.constant 0 : i32
    %get3A_1981 = arith.index_cast %get3A_1980 : i32 to index
    %get3A_1982 = arith.constant 800 : index
    %get3A_1983 = tpu.vector_load %arg8[%get3A_1981, %get3A_1982] {strides = array<i32>} : memref<1x1024xf32, #tpu.memory_space<vmem>>, vector<1x16xf32>,
    %get3A_1984 = vector.shape_cast %get3A_1983 : vector<1x16xf32> to vector<16xf32>
    %get3A_1985 = arith.constant 0 : i32
    %get3A_1986 = arith.index_cast %get3A_1985 : i32 to index
    %get3A_1987 = arith.constant 800 : index
    %get3A_1988 = tpu.vector_load %arg10[%get3A_1986, %get3A_1987] {strides = array<i32>} : memref<1x1024xf32, #tpu.memory_space<vmem>>, vector<1x16xf32>,
    %get3A_1989 = vector.shape_cast %get3A_1988 : vector<1x16xf32> to vector<16xf32>
    %add3A_1990 = arith.addf %get3A_1984, %get3A_1989 : vector<16xf32>
    %swap3A_1991 = arith.constant 0 : i32
    %swap3A_1992 = arith.index_cast %swap3A_1991 : i32 to index
    %swap3A_1993 = arith.constant 800 : index
    %swap3A_1994 = tpu.vector_load %arg8[%swap3A_1992, %swap3A_1993] {strides = array<i32>} : memref<1x1024xf32, #tpu.memory_space<vmem>>, vector<1x16xf32>,
    %swap3A_1995 = vector.shape_cast %swap3A_1994 : vector<1x16xf32> to vector<16xf32>
    %swap3A_1996 = vector.shape_cast %add3A_1990 : vector<16xf32> to vector<1x16xf32>
    tpu.vector_store %arg8[%swap3A_1992, %swap3A_1993], %swap3A_1996 {strides = array<i32>} : memref<1x1024xf32, #tpu.memory_space<vmem>>, vector<1x16xf32>,
    %get3A_1997 = arith.constant 0 : i32
    %get3A_1998 = arith.index_cast %get3A_1997 : i32 to index
    %get3A_1999 = arith.constant 816 : index
    %get3A_2000 = tpu.vector_load %arg8[%get3A_1998, %get3A_1999] {strides = array<i32>} : memref<1x1024xf32, #tpu.memory_space<vmem>>, vector<1x16xf32>,
    %get3A_2001 = vector.shape_cast %get3A_2000 : vector<1x16xf32> to vector<16xf32>
    %get3A_2002 = arith.constant 0 : i32
    %get3A_2003 = arith.index_cast %get3A_2002 : i32 to index
    %get3A_2004 = arith.constant 816 : index
    %get3A_2005 = tpu.vector_load %arg10[%get3A_2003, %get3A_2004] {strides = array<i32>} : memref<1x1024xf32, #tpu.memory_space<vmem>>, vector<1x16xf32>,
    %get3A_2006 = vector.shape_cast %get3A_2005 : vector<1x16xf32> to vector<16xf32>
    %add3A_2007 = arith.addf %get3A_2001, %get3A_2006 : vector<16xf32>
    %swap3A_2008 = arith.constant 0 : i32
    %swap3A_2009 = arith.index_cast %swap3A_2008 : i32 to index
    %swap3A_2010 = arith.constant 816 : index
    %swap3A_2011 = tpu.vector_load %arg8[%swap3A_2009, %swap3A_2010] {strides = array<i32>} : memref<1x1024xf32, #tpu.memory_space<vmem>>, vector<1x16xf32>,
    %swap3A_2012 = vector.shape_cast %swap3A_2011 : vector<1x16xf32> to vector<16xf32>
    %swap3A_2013 = vector.shape_cast %add3A_2007 : vector<16xf32> to vector<1x16xf32>
    tpu.vector_store %arg8[%swap3A_2009, %swap3A_2010], %swap3A_2013 {strides = array<i32>} : memref<1x1024xf32, #tpu.memory_space<vmem>>, vector<1x16xf32>,
    %get3A_2014 = arith.constant 0 : i32
    %get3A_2015 = arith.index_cast %get3A_2014 : i32 to index
    %get3A_2016 = arith.constant 832 : index
    %get3A_2017 = tpu.vector_load %arg8[%get3A_2015, %get3A_2016] {strides = array<i32>} : memref<1x1024xf32, #tpu.memory_space<vmem>>, vector<1x16xf32>,
    %get3A_2018 = vector.shape_cast %get3A_2017 : vector<1x16xf32> to vector<16xf32>
    %get3A_2019 = arith.constant 0 : i32
    %get3A_2020 = arith.index_cast %get3A_2019 : i32 to index
    %get3A_2021 = arith.constant 832 : index
    %get3A_2022 = tpu.vector_load %arg10[%get3A_2020, %get3A_2021] {strides = array<i32>} : memref<1x1024xf32, #tpu.memory_space<vmem>>, vector<1x16xf32>,
    %get3A_2023 = vector.shape_cast %get3A_2022 : vector<1x16xf32> to vector<16xf32>
    %add3A_2024 = arith.addf %get3A_2018, %get3A_2023 : vector<16xf32>
    %swap3A_2025 = arith.constant 0 : i32
    %swap3A_2026 = arith.index_cast %swap3A_2025 : i32 to index
    %swap3A_2027 = arith.constant 832 : index
    %swap3A_2028 = tpu.vector_load %arg8[%swap3A_2026, %swap3A_2027] {strides = array<i32>} : memref<1x1024xf32, #tpu.memory_space<vmem>>, vector<1x16xf32>,
    %swap3A_2029 = vector.shape_cast %swap3A_2028 : vector<1x16xf32> to vector<16xf32>
    %swap3A_2030 = vector.shape_cast %add3A_2024 : vector<16xf32> to vector<1x16xf32>
    tpu.vector_store %arg8[%swap3A_2026, %swap3A_2027], %swap3A_2030 {strides = array<i32>} : memref<1x1024xf32, #tpu.memory_space<vmem>>, vector<1x16xf32>,
    %get3A_2031 = arith.constant 0 : i32
    %get3A_2032 = arith.index_cast %get3A_2031 : i32 to index
    %get3A_2033 = arith.constant 848 : index
    %get3A_2034 = tpu.vector_load %arg8[%get3A_2032, %get3A_2033] {strides = array<i32>} : memref<1x1024xf32, #tpu.memory_space<vmem>>, vector<1x16xf32>,
    %get3A_2035 = vector.shape_cast %get3A_2034 : vector<1x16xf32> to vector<16xf32>
    %get3A_2036 = arith.constant 0 : i32
    %get3A_2037 = arith.index_cast %get3A_2036 : i32 to index
    %get3A_2038 = arith.constant 848 : index
    %get3A_2039 = tpu.vector_load %arg10[%get3A_2037, %get3A_2038] {strides = array<i32>} : memref<1x1024xf32, #tpu.memory_space<vmem>>, vector<1x16xf32>,
    %get3A_2040 = vector.shape_cast %get3A_2039 : vector<1x16xf32> to vector<16xf32>
    %add3A_2041 = arith.addf %get3A_2035, %get3A_2040 : vector<16xf32>
    %swap3A_2042 = arith.constant 0 : i32
    %swap3A_2043 = arith.index_cast %swap3A_2042 : i32 to index
    %swap3A_2044 = arith.constant 848 : index
    %swap3A_2045 = tpu.vector_load %arg8[%swap3A_2043, %swap3A_2044] {strides = array<i32>} : memref<1x1024xf32, #tpu.memory_space<vmem>>, vector<1x16xf32>,
    %swap3A_2046 = vector.shape_cast %swap3A_2045 : vector<1x16xf32> to vector<16xf32>
    %swap3A_2047 = vector.shape_cast %add3A_2041 : vector<16xf32> to vector<1x16xf32>
    tpu.vector_store %arg8[%swap3A_2043, %swap3A_2044], %swap3A_2047 {strides = array<i32>} : memref<1x1024xf32, #tpu.memory_space<vmem>>, vector<1x16xf32>,
    %get3A_2048 = arith.constant 0 : i32
    %get3A_2049 = arith.index_cast %get3A_2048 : i32 to index
    %get3A_2050 = arith.constant 864 : index
    %get3A_2051 = tpu.vector_load %arg8[%get3A_2049, %get3A_2050] {strides = array<i32>} : memref<1x1024xf32, #tpu.memory_space<vmem>>, vector<1x16xf32>,
    %get3A_2052 = vector.shape_cast %get3A_2051 : vector<1x16xf32> to vector<16xf32>
    %get3A_2053 = arith.constant 0 : i32
    %get3A_2054 = arith.index_cast %get3A_2053 : i32 to index
    %get3A_2055 = arith.constant 864 : index
    %get3A_2056 = tpu.vector_load %arg10[%get3A_2054, %get3A_2055] {strides = array<i32>} : memref<1x1024xf32, #tpu.memory_space<vmem>>, vector<1x16xf32>,
    %get3A_2057 = vector.shape_cast %get3A_2056 : vector<1x16xf32> to vector<16xf32>
    %add3A_2058 = arith.addf %get3A_2052, %get3A_2057 : vector<16xf32>
    %swap3A_2059 = arith.constant 0 : i32
    %swap3A_2060 = arith.index_cast %swap3A_2059 : i32 to index
    %swap3A_2061 = arith.constant 864 : index
    %swap3A_2062 = tpu.vector_load %arg8[%swap3A_2060, %swap3A_2061] {strides = array<i32>} : memref<1x1024xf32, #tpu.memory_space<vmem>>, vector<1x16xf32>,
    %swap3A_2063 = vector.shape_cast %swap3A_2062 : vector<1x16xf32> to vector<16xf32>
    %swap3A_2064 = vector.shape_cast %add3A_2058 : vector<16xf32> to vector<1x16xf32>
    tpu.vector_store %arg8[%swap3A_2060, %swap3A_2061], %swap3A_2064 {strides = array<i32>} : memref<1x1024xf32, #tpu.memory_space<vmem>>, vector<1x16xf32>,
    %get3A_2065 = arith.constant 0 : i32
    %get3A_2066 = arith.index_cast %get3A_2065 : i32 to index
    %get3A_2067 = arith.constant 880 : index
    %get3A_2068 = tpu.vector_load %arg8[%get3A_2066, %get3A_2067] {strides = array<i32>} : memref<1x1024xf32, #tpu.memory_space<vmem>>, vector<1x16xf32>,
    %get3A_2069 = vector.shape_cast %get3A_2068 : vector<1x16xf32> to vector<16xf32>
    %get3A_2070 = arith.constant 0 : i32
    %get3A_2071 = arith.index_cast %get3A_2070 : i32 to index
    %get3A_2072 = arith.constant 880 : index
    %get3A_2073 = tpu.vector_load %arg10[%get3A_2071, %get3A_2072] {strides = array<i32>} : memref<1x1024xf32, #tpu.memory_space<vmem>>, vector<1x16xf32>,
    %get3A_2074 = vector.shape_cast %get3A_2073 : vector<1x16xf32> to vector<16xf32>
    %add3A_2075 = arith.addf %get3A_2069, %get3A_2074 : vector<16xf32>
    %swap3A_2076 = arith.constant 0 : i32
    %swap3A_2077 = arith.index_cast %swap3A_2076 : i32 to index
    %swap3A_2078 = arith.constant 880 : index
    %swap3A_2079 = tpu.vector_load %arg8[%swap3A_2077, %swap3A_2078] {strides = array<i32>} : memref<1x1024xf32, #tpu.memory_space<vmem>>, vector<1x16xf32>,
    %swap3A_2080 = vector.shape_cast %swap3A_2079 : vector<1x16xf32> to vector<16xf32>
    %swap3A_2081 = vector.shape_cast %add3A_2075 : vector<16xf32> to vector<1x16xf32>
    tpu.vector_store %arg8[%swap3A_2077, %swap3A_2078], %swap3A_2081 {strides = array<i32>} : memref<1x1024xf32, #tpu.memory_space<vmem>>, vector<1x16xf32>,
    %get3A_2082 = arith.constant 0 : i32
    %get3A_2083 = arith.index_cast %get3A_2082 : i32 to index
    %get3A_2084 = arith.constant 896 : index
    %get3A_2085 = tpu.vector_load %arg8[%get3A_2083, %get3A_2084] {strides = array<i32>} : memref<1x1024xf32, #tpu.memory_space<vmem>>, vector<1x16xf32>,
    %get3A_2086 = vector.shape_cast %get3A_2085 : vector<1x16xf32> to vector<16xf32>
    %get3A_2087 = arith.constant 0 : i32
    %get3A_2088 = arith.index_cast %get3A_2087 : i32 to index
    %get3A_2089 = arith.constant 896 : index
    %get3A_2090 = tpu.vector_load %arg10[%get3A_2088, %get3A_2089] {strides = array<i32>} : memref<1x1024xf32, #tpu.memory_space<vmem>>, vector<1x16xf32>,
    %get3A_2091 = vector.shape_cast %get3A_2090 : vector<1x16xf32> to vector<16xf32>
    %add3A_2092 = arith.addf %get3A_2086, %get3A_2091 : vector<16xf32>
    %swap3A_2093 = arith.constant 0 : i32
    %swap3A_2094 = arith.index_cast %swap3A_2093 : i32 to index
    %swap3A_2095 = arith.constant 896 : index
    %swap3A_2096 = tpu.vector_load %arg8[%swap3A_2094, %swap3A_2095] {strides = array<i32>} : memref<1x1024xf32, #tpu.memory_space<vmem>>, vector<1x16xf32>,
    %swap3A_2097 = vector.shape_cast %swap3A_2096 : vector<1x16xf32> to vector<16xf32>
    %swap3A_2098 = vector.shape_cast %add3A_2092 : vector<16xf32> to vector<1x16xf32>
    tpu.vector_store %arg8[%swap3A_2094, %swap3A_2095], %swap3A_2098 {strides = array<i32>} : memref<1x1024xf32, #tpu.memory_space<vmem>>, vector<1x16xf32>,
    %get3A_2099 = arith.constant 0 : i32
    %get3A_2100 = arith.index_cast %get3A_2099 : i32 to index
    %get3A_2101 = arith.constant 912 : index
    %get3A_2102 = tpu.vector_load %arg8[%get3A_2100, %get3A_2101] {strides = array<i32>} : memref<1x1024xf32, #tpu.memory_space<vmem>>, vector<1x16xf32>,
    %get3A_2103 = vector.shape_cast %get3A_2102 : vector<1x16xf32> to vector<16xf32>
    %get3A_2104 = arith.constant 0 : i32
    %get3A_2105 = arith.index_cast %get3A_2104 : i32 to index
    %get3A_2106 = arith.constant 912 : index
    %get3A_2107 = tpu.vector_load %arg10[%get3A_2105, %get3A_2106] {strides = array<i32>} : memref<1x1024xf32, #tpu.memory_space<vmem>>, vector<1x16xf32>,
    %get3A_2108 = vector.shape_cast %get3A_2107 : vector<1x16xf32> to vector<16xf32>
    %add3A_2109 = arith.addf %get3A_2103, %get3A_2108 : vector<16xf32>
    %swap3A_2110 = arith.constant 0 : i32
    %swap3A_2111 = arith.index_cast %swap3A_2110 : i32 to index
    %swap3A_2112 = arith.constant 912 : index
    %swap3A_2113 = tpu.vector_load %arg8[%swap3A_2111, %swap3A_2112] {strides = array<i32>} : memref<1x1024xf32, #tpu.memory_space<vmem>>, vector<1x16xf32>,
    %swap3A_2114 = vector.shape_cast %swap3A_2113 : vector<1x16xf32> to vector<16xf32>
    %swap3A_2115 = vector.shape_cast %add3A_2109 : vector<16xf32> to vector<1x16xf32>
    tpu.vector_store %arg8[%swap3A_2111, %swap3A_2112], %swap3A_2115 {strides = array<i32>} : memref<1x1024xf32, #tpu.memory_space<vmem>>, vector<1x16xf32>,
    %get3A_2116 = arith.constant 0 : i32
    %get3A_2117 = arith.index_cast %get3A_2116 : i32 to index
    %get3A_2118 = arith.constant 928 : index
    %get3A_2119 = tpu.vector_load %arg8[%get3A_2117, %get3A_2118] {strides = array<i32>} : memref<1x1024xf32, #tpu.memory_space<vmem>>, vector<1x16xf32>,
    %get3A_2120 = vector.shape_cast %get3A_2119 : vector<1x16xf32> to vector<16xf32>
    %get3A_2121 = arith.constant 0 : i32
    %get3A_2122 = arith.index_cast %get3A_2121 : i32 to index
    %get3A_2123 = arith.constant 928 : index
    %get3A_2124 = tpu.vector_load %arg10[%get3A_2122, %get3A_2123] {strides = array<i32>} : memref<1x1024xf32, #tpu.memory_space<vmem>>, vector<1x16xf32>,
    %get3A_2125 = vector.shape_cast %get3A_2124 : vector<1x16xf32> to vector<16xf32>
    %add3A_2126 = arith.addf %get3A_2120, %get3A_2125 : vector<16xf32>
    %swap3A_2127 = arith.constant 0 : i32
    %swap3A_2128 = arith.index_cast %swap3A_2127 : i32 to index
    %swap3A_2129 = arith.constant 928 : index
    %swap3A_2130 = tpu.vector_load %arg8[%swap3A_2128, %swap3A_2129] {strides = array<i32>} : memref<1x1024xf32, #tpu.memory_space<vmem>>, vector<1x16xf32>,
    %swap3A_2131 = vector.shape_cast %swap3A_2130 : vector<1x16xf32> to vector<16xf32>
    %swap3A_2132 = vector.shape_cast %add3A_2126 : vector<16xf32> to vector<1x16xf32>
    tpu.vector_store %arg8[%swap3A_2128, %swap3A_2129], %swap3A_2132 {strides = array<i32>} : memref<1x1024xf32, #tpu.memory_space<vmem>>, vector<1x16xf32>,
    %get3A_2133 = arith.constant 0 : i32
    %get3A_2134 = arith.index_cast %get3A_2133 : i32 to index
    %get3A_2135 = arith.constant 944 : index
    %get3A_2136 = tpu.vector_load %arg8[%get3A_2134, %get3A_2135] {strides = array<i32>} : memref<1x1024xf32, #tpu.memory_space<vmem>>, vector<1x16xf32>,
    %get3A_2137 = vector.shape_cast %get3A_2136 : vector<1x16xf32> to vector<16xf32>
    %get3A_2138 = arith.constant 0 : i32
    %get3A_2139 = arith.index_cast %get3A_2138 : i32 to index
    %get3A_2140 = arith.constant 944 : index
    %get3A_2141 = tpu.vector_load %arg10[%get3A_2139, %get3A_2140] {strides = array<i32>} : memref<1x1024xf32, #tpu.memory_space<vmem>>, vector<1x16xf32>,
    %get3A_2142 = vector.shape_cast %get3A_2141 : vector<1x16xf32> to vector<16xf32>
    %add3A_2143 = arith.addf %get3A_2137, %get3A_2142 : vector<16xf32>
    %swap3A_2144 = arith.constant 0 : i32
    %swap3A_2145 = arith.index_cast %swap3A_2144 : i32 to index
    %swap3A_2146 = arith.constant 944 : index
    %swap3A_2147 = tpu.vector_load %arg8[%swap3A_2145, %swap3A_2146] {strides = array<i32>} : memref<1x1024xf32, #tpu.memory_space<vmem>>, vector<1x16xf32>,
    %swap3A_2148 = vector.shape_cast %swap3A_2147 : vector<1x16xf32> to vector<16xf32>
    %swap3A_2149 = vector.shape_cast %add3A_2143 : vector<16xf32> to vector<1x16xf32>
    tpu.vector_store %arg8[%swap3A_2145, %swap3A_2146], %swap3A_2149 {strides = array<i32>} : memref<1x1024xf32, #tpu.memory_space<vmem>>, vector<1x16xf32>,
    %get3A_2150 = arith.constant 0 : i32
    %get3A_2151 = arith.index_cast %get3A_2150 : i32 to index
    %get3A_2152 = arith.constant 960 : index
    %get3A_2153 = tpu.vector_load %arg8[%get3A_2151, %get3A_2152] {strides = array<i32>} : memref<1x1024xf32, #tpu.memory_space<vmem>>, vector<1x16xf32>,
    %get3A_2154 = vector.shape_cast %get3A_2153 : vector<1x16xf32> to vector<16xf32>
    %get3A_2155 = arith.constant 0 : i32
    %get3A_2156 = arith.index_cast %get3A_2155 : i32 to index
    %get3A_2157 = arith.constant 960 : index
    %get3A_2158 = tpu.vector_load %arg10[%get3A_2156, %get3A_2157] {strides = array<i32>} : memref<1x1024xf32, #tpu.memory_space<vmem>>, vector<1x16xf32>,
    %get3A_2159 = vector.shape_cast %get3A_2158 : vector<1x16xf32> to vector<16xf32>
    %add3A_2160 = arith.addf %get3A_2154, %get3A_2159 : vector<16xf32>
    %swap3A_2161 = arith.constant 0 : i32
    %swap3A_2162 = arith.index_cast %swap3A_2161 : i32 to index
    %swap3A_2163 = arith.constant 960 : index
    %swap3A_2164 = tpu.vector_load %arg8[%swap3A_2162, %swap3A_2163] {strides = array<i32>} : memref<1x1024xf32, #tpu.memory_space<vmem>>, vector<1x16xf32>,
    %swap3A_2165 = vector.shape_cast %swap3A_2164 : vector<1x16xf32> to vector<16xf32>
    %swap3A_2166 = vector.shape_cast %add3A_2160 : vector<16xf32> to vector<1x16xf32>
    tpu.vector_store %arg8[%swap3A_2162, %swap3A_2163], %swap3A_2166 {strides = array<i32>} : memref<1x1024xf32, #tpu.memory_space<vmem>>, vector<1x16xf32>,
    %get3A_2167 = arith.constant 0 : i32
    %get3A_2168 = arith.index_cast %get3A_2167 : i32 to index
    %get3A_2169 = arith.constant 976 : index
    %get3A_2170 = tpu.vector_load %arg8[%get3A_2168, %get3A_2169] {strides = array<i32>} : memref<1x1024xf32, #tpu.memory_space<vmem>>, vector<1x16xf32>,
    %get3A_2171 = vector.shape_cast %get3A_2170 : vector<1x16xf32> to vector<16xf32>
    %get3A_2172 = arith.constant 0 : i32
    %get3A_2173 = arith.index_cast %get3A_2172 : i32 to index
    %get3A_2174 = arith.constant 976 : index
    %get3A_2175 = tpu.vector_load %arg10[%get3A_2173, %get3A_2174] {strides = array<i32>} : memref<1x1024xf32, #tpu.memory_space<vmem>>, vector<1x16xf32>,
    %get3A_2176 = vector.shape_cast %get3A_2175 : vector<1x16xf32> to vector<16xf32>
    %add3A_2177 = arith.addf %get3A_2171, %get3A_2176 : vector<16xf32>
    %swap3A_2178 = arith.constant 0 : i32
    %swap3A_2179 = arith.index_cast %swap3A_2178 : i32 to index
    %swap3A_2180 = arith.constant 976 : index
    %swap3A_2181 = tpu.vector_load %arg8[%swap3A_2179, %swap3A_2180] {strides = array<i32>} : memref<1x1024xf32, #tpu.memory_space<vmem>>, vector<1x16xf32>,
    %swap3A_2182 = vector.shape_cast %swap3A_2181 : vector<1x16xf32> to vector<16xf32>
    %swap3A_2183 = vector.shape_cast %add3A_2177 : vector<16xf32> to vector<1x16xf32>
    tpu.vector_store %arg8[%swap3A_2179, %swap3A_2180], %swap3A_2183 {strides = array<i32>} : memref<1x1024xf32, #tpu.memory_space<vmem>>, vector<1x16xf32>,
    %get3A_2184 = arith.constant 0 : i32
    %get3A_2185 = arith.index_cast %get3A_2184 : i32 to index
    %get3A_2186 = arith.constant 992 : index
    %get3A_2187 = tpu.vector_load %arg8[%get3A_2185, %get3A_2186] {strides = array<i32>} : memref<1x1024xf32, #tpu.memory_space<vmem>>, vector<1x16xf32>,
    %get3A_2188 = vector.shape_cast %get3A_2187 : vector<1x16xf32> to vector<16xf32>
    %get3A_2189 = arith.constant 0 : i32
    %get3A_2190 = arith.index_cast %get3A_2189 : i32 to index
    %get3A_2191 = arith.constant 992 : index
    %get3A_2192 = tpu.vector_load %arg10[%get3A_2190, %get3A_2191] {strides = array<i32>} : memref<1x1024xf32, #tpu.memory_space<vmem>>, vector<1x16xf32>,
    %get3A_2193 = vector.shape_cast %get3A_2192 : vector<1x16xf32> to vector<16xf32>
    %add3A_2194 = arith.addf %get3A_2188, %get3A_2193 : vector<16xf32>
    %swap3A_2195 = arith.constant 0 : i32
    %swap3A_2196 = arith.index_cast %swap3A_2195 : i32 to index
    %swap3A_2197 = arith.constant 992 : index
    %swap3A_2198 = tpu.vector_load %arg8[%swap3A_2196, %swap3A_2197] {strides = array<i32>} : memref<1x1024xf32, #tpu.memory_space<vmem>>, vector<1x16xf32>,
    %swap3A_2199 = vector.shape_cast %swap3A_2198 : vector<1x16xf32> to vector<16xf32>
    %swap3A_2200 = vector.shape_cast %add3A_2194 : vector<16xf32> to vector<1x16xf32>
    tpu.vector_store %arg8[%swap3A_2196, %swap3A_2197], %swap3A_2200 {strides = array<i32>} : memref<1x1024xf32, #tpu.memory_space<vmem>>, vector<1x16xf32>,
    %get3A_2201 = arith.constant 0 : i32
    %get3A_2202 = arith.index_cast %get3A_2201 : i32 to index
    %get3A_2203 = arith.constant 1008 : index
    %get3A_2204 = tpu.vector_load %arg8[%get3A_2202, %get3A_2203] {strides = array<i32>} : memref<1x1024xf32, #tpu.memory_space<vmem>>, vector<1x16xf32>,
    %get3A_2205 = vector.shape_cast %get3A_2204 : vector<1x16xf32> to vector<16xf32>
    %get3A_2206 = arith.constant 0 : i32
    %get3A_2207 = arith.index_cast %get3A_2206 : i32 to index
    %get3A_2208 = arith.constant 1008 : index
    %get3A_2209 = tpu.vector_load %arg10[%get3A_2207, %get3A_2208] {strides = array<i32>} : memref<1x1024xf32, #tpu.memory_space<vmem>>, vector<1x16xf32>,
    %get3A_2210 = vector.shape_cast %get3A_2209 : vector<1x16xf32> to vector<16xf32>
    %add3A_2211 = arith.addf %get3A_2205, %get3A_2210 : vector<16xf32>
    %swap3A_2212 = arith.constant 0 : i32
    %swap3A_2213 = arith.index_cast %swap3A_2212 : i32 to index
    %swap3A_2214 = arith.constant 1008 : index
    %swap3A_2215 = tpu.vector_load %arg8[%swap3A_2213, %swap3A_2214] {strides = array<i32>} : memref<1x1024xf32, #tpu.memory_space<vmem>>, vector<1x16xf32>,
    %swap3A_2216 = vector.shape_cast %swap3A_2215 : vector<1x16xf32> to vector<16xf32>
    %swap3A_2217 = vector.shape_cast %add3A_2211 : vector<16xf32> to vector<1x16xf32>
    tpu.vector_store %arg8[%swap3A_2213, %swap3A_2214], %swap3A_2217 {strides = array<i32>} : memref<1x1024xf32, #tpu.memory_space<vmem>>, vector<1x16xf32>,
    %mul3A_2218 = arith.constant 2 : i32
    %mul3A_2219 = arith.muli %arg1, %mul3A_2218 : i32
    %add3A_2220 = arith.constant 1 : i32
    %add3A_2221 = arith.addi %mul3A_2219, %add3A_2220 : i32
    %dma_start3A_2222 = arith.constant 0 : i32
    %dma_start3A_2223 = tpu.memref_slice %arg5[%add3A_2221, %dma_start3A_2222] : memref<32x1024xf32, #tpu.memory_space<hbm>> -> memref<1x1024xf32, #tpu.memory_space<hbm>>
    %dma_start3A_2224 = arith.constant 0 : i32
    %dma_start3A_2225 = tpu.memref_slice %arg5[%add3A_2221, %dma_start3A_2224] : memref<32x1024xf32, #tpu.memory_space<hbm>> -> memref<1x1024xf32, #tpu.memory_space<hbm>>
    tpu.enqueue_dma source(%arg8 : memref<1x1024xf32, #tpu.memory_space<vmem>>) target(%dma_start3A_2225 : memref<1x1024xf32, #tpu.memory_space<hbm>>) target_semaphore(%arg12 : memref<!tpu.dma_semaphore, #tpu.memory_space<semaphore_mem>>)
    %dma_wait3A_2226 = arith.constant 0 : i32
    %dma_wait3A_2227 = tpu.memref_slice %arg5[%add3A_1115, %dma_wait3A_2226] : memref<32x1024xf32, #tpu.memory_space<hbm>> -> memref<1x1024xf32, #tpu.memory_space<hbm>>
    %dma_wait3A_2228 = arith.constant 0 : i32
    %dma_wait3A_2229 = tpu.memref_slice %arg5[%add3A_1115, %dma_wait3A_2228] : memref<32x1024xf32, #tpu.memory_space<hbm>> -> memref<1x1024xf32, #tpu.memory_space<hbm>>
    tpu.wait_dma2 semaphore(%arg11 : memref<!tpu.dma_semaphore, #tpu.memory_space<semaphore_mem>>) src(%arg7 : memref<1x1024xf32, #tpu.memory_space<vmem>>) dst(%dma_wait3A_2229 : memref<1x1024xf32, #tpu.memory_space<hbm>>)
    %dma_wait3A_2230 = arith.constant 0 : i32
    %dma_wait3A_2231 = tpu.memref_slice %arg5[%add3A_2221, %dma_wait3A_2230] : memref<32x1024xf32, #tpu.memory_space<hbm>> -> memref<1x1024xf32, #tpu.memory_space<hbm>>
    %dma_wait3A_2232 = arith.constant 0 : i32
    %dma_wait3A_2233 = tpu.memref_slice %arg5[%add3A_2221, %dma_wait3A_2232] : memref<32x1024xf32, #tpu.memory_space<hbm>> -> memref<1x1024xf32, #tpu.memory_space<hbm>>
    tpu.wait_dma2 semaphore(%arg12 : memref<!tpu.dma_semaphore, #tpu.memory_space<semaphore_mem>>) src(%arg8 : memref<1x1024xf32, #tpu.memory_space<vmem>>) dst(%dma_wait3A_2233 : memref<1x1024xf32, #tpu.memory_space<hbm>>)
    return
  }
}

</mosaic_0001>

<sc_bundles>
// kernel: kernel.3.cloned.1.call-start
scs
__scs_entry_jumppad:
0x0: {  	(pc) =	sbr.rel $0x88, $3  }
0x1: {  	(tag) =	ssettag $0x0;
	lr =	simm.s32 $0x1  }
0x2: {  	[smem:$0x3F9E] =	sst lr;
	_ =	strace $0xD0000000  }
0x3: {  	_ = 	snop  }
0x4: {  	_ = 	snop  }
0x5: {  	_ = 	snop  }
0x6: {  	_ = 	snop  }
0x7: {  	_ = 	snop  }
__scs_overlays_trampoline_lowered:
0x8: {  	[smem:$0x3FAD] =	sst s0  }
0x9: {  	[smem:$0x3FAE] =	sst s1  }
0xa: {  	[smem:$0x3FAF] =	sst s2  }
0xb: {  	[smem:$0x3FB0] =	sst s3  }
0xc: {  	[smem:$0x3FB1] =	sst s4  }
0xd: {  	[smem:$0x3FB2] =	sst s5  }
0xe: {  	[smem:$0x3FB3] =	sst s6  }
0xf: {  	[smem:$0x3FB4] =	sst s7  }
0x10: {  	[smem:$0x3FB5] =	sst s8  }
0x11: {  	[smem:$0x3FB6] =	sst s9;
	s0 =	simm.s32 @!p0 $0x0  }
0x12: {  	s1 =	sld [smem:$0x3F9C];
	s0 =	simm.s32 @p0 $0x1  }
0x13: {  	[smem:$0x3FB7] =	sst s0;
	s0 =	simm.s32 @!p1 $0x0  }
0x14: {  	s2 =	sld [smem:$0x3F9B];
	s0 =	simm.s32 @p1 $0x1  }
0x15: {  	[smem:$0x3FB8] =	sst s0;
	s0 =	simm.s32 @!p2 $0x0  }
0x16: {  	s3 =	sld [smem:$0x3FDB];
	s0 =	simm.s32 @p2 $0x1  }
0x17: {  	s4 =	simm.s32 $0x1BF5;
	[smem:$0x3FBA] =	sst s0  }
0x18: {  	s0 =	sld [smem:$0x3F9D];
	_ =	swait.ge [sflag:s4], $0x0  }
0x19: {  	s7 =	sld [smem:$0x3F9E]  }
0x1a: {  	s8 =	sadd.s32 $0xFFFFE003, lr  }
0x1b: {  	s9 =	sadd.s32 $0xFFFFFEF7, lr;
	s5 =	simm.s32 $0xFFFFFFFF;
	p2 =	slt.u32 s8, $0xFFFFF086  }
0x1c: {  	p1 =	slt.u32 s9, $0xF7A;
	s5 =	simm.s32 @!p2 $0x0  }
0x1d: {  	s5 =	simm.s32 @p1 $0x1;
	p0 =	seq.s32 s7, s2  }
0x1e: {  	s7 =	smul.u32 @!p0 $0xF7A, s2;
	p2 =	seq.s32 @!p0 s5, $0x0  }
0x1f: {  	s9 =	smul.u32 $0xF7A, s1;
	s8 =	simm.s32 @!p0 $0x1BF5;
	p2 =	por !p2, p0  }
0x20: {  	[sflag:s8] =	ssyncset.s32 @!p0 $0xFFFFF086;
	s6 =	sadd.s32 @!p0 s3, s7;
	s7 =	simm.s32 @!p0 $0x108  }
0x21: {  	s3 =	sadd.s32 s3, s9;
	s6 =	sadd.s32 @!p0 $0x88, s6;
	s7 =	simm.s32 @p2 $0x1082  }
0x22: {  	[simem:s7], [sflag:s8] =	dma.local @!p0 [hbm:s6], $0xF7A  }
0x23: {  	s9 =	sor.u32 $0xD0000000, s2;
	s6 =	simm.s32 $0x108;
	_ =	swait.ge @!p0 [sflag:s8], $0x0  }
0x24: {  	s3 =	sadd.s32 $0x88, s3;
	s6 =	simm.s32 @!p1 $0x1082;
	[sflag:s4] =	ssyncset.s32 $0xFFFFF086  }
0x25: {  	[simem:s6], [sflag:s4] =	dma.local [hbm:s3], $0xF7A  }
0x26: {  	[smem:$0x3F9E] =	sst s1;
	(tag) =	ssettag s2;
	_ =	strace s9  }
0x27: {  	s1 =	sld [smem:$0x3FAE]  }
0x28: {  	s2 =	sld [smem:$0x3FAF]  }
0x29: {  	s4 =	sld [smem:$0x3FB1]  }
0x2a: {  	p0 =	seq.s32 s5, $0x0;
	s5 =	sld [smem:$0x3FB2]  }
0x2b: {  	s6 =	sld [smem:$0x3FB3]  }
0x2c: {  	s7 =	sld [smem:$0x3FB4]  }
0x2d: {  	s3 =	simm.s32 $0x108;
	s8 =	sld [smem:$0x3FB5]  }
0x2e: {  	s3 =	simm.s32 @!p0 $0x1082;
	s9 =	sld [smem:$0x3FB6]  }
0x2f: {  	lr =	sadd.s32 s0, s3;
	s0 =	sld [smem:$0x3FAD]  }
0x30: {  	s3 =	sld [smem:$0x3FB0]  }
0x31: {  	[smem:$0x3FB9] =	sst s10  }
0x32: {  	s10 =	sld [smem:$0x3FB7];
	_ =	sdelay $0x3  }
0x33: {  	p0 =	seq.s32 s10, $0x1;
	s10 =	sld [smem:$0x3FB9];
	_ =	sdelay $0x3  }
0x34: {  	[smem:$0x3FB9] =	sst s10  }
0x35: {  	s10 =	sld [smem:$0x3FB8];
	_ =	sdelay $0x3  }
0x36: {  	p1 =	seq.s32 s10, $0x1;
	s10 =	sld [smem:$0x3FB9];
	_ =	sdelay $0x3  }
0x37: {  	[smem:$0x3FB9] =	sst s10  }
0x38: {  	s10 =	sld [smem:$0x3FBA]  }
0x39: {  	_ = 	snop;
	(pc) =	sbr.ind lr, $3  }
0x3a: {  	_ = 	snop  }
0x3b: {  	_ = 	snop  }
0x3c: {  	p2 =	seq.s32 s10, $0x1;
	s10 =	sld [smem:$0x3FB9]  }
0x3d: {  	_ =	shalt  }
0x3e: {  	_ =	shalt  }
0x3f: {  	_ =	shalt  }
0x40: {  	_ =	shalt  }
0x41: {  	_ =	shalt  }
0x42: {  	_ =	shalt  }
0x43: {  	_ =	shalt  }
0x44: {  	_ =	shalt  }
0x45: {  	_ =	shalt  }
0x46: {  	_ =	shalt  }
0x47: {  	_ =	shalt  }
0x48: {  	_ =	shalt  }
0x49: {  	_ =	shalt  }
0x4a: {  	_ =	shalt  }
0x4b: {  	_ =	shalt  }
0x4c: {  	_ =	shalt  }
0x4d: {  	_ =	shalt  }
0x4e: {  	_ =	shalt  }
0x4f: {  	_ =	shalt  }
0x50: {  	_ =	shalt  }
0x51: {  	_ =	shalt  }
0x52: {  	_ =	shalt  }
0x53: {  	_ =	shalt  }
0x54: {  	_ =	shalt  }
0x55: {  	_ =	shalt  }
0x56: {  	_ =	shalt  }
0x57: {  	_ =	shalt  }
0x58: {  	_ =	shalt  }
0x59: {  	_ =	shalt  }
0x5a: {  	_ =	shalt  }
0x5b: {  	_ =	shalt  }
0x5c: {  	_ =	shalt  }
0x5d: {  	_ =	shalt  }
0x5e: {  	_ =	shalt  }
0x5f: {  	_ =	shalt  }
0x60: {  	_ =	shalt  }
0x61: {  	_ =	shalt  }
0x62: {  	_ =	shalt  }
0x63: {  	_ =	shalt  }
0x64: {  	_ =	shalt  }
0x65: {  	_ =	shalt  }
0x66: {  	_ =	shalt  }
0x67: {  	_ =	shalt  }
0x68: {  	_ =	shalt  }
0x69: {  	_ =	shalt  }
0x6a: {  	_ =	shalt  }
0x6b: {  	_ =	shalt  }
0x6c: {  	_ =	shalt  }
0x6d: {  	_ =	shalt  }
0x6e: {  	_ =	shalt  }
0x6f: {  	_ =	shalt  }
0x70: {  	_ =	shalt  }
0x71: {  	_ =	shalt  }
0x72: {  	_ =	shalt  }
0x73: {  	_ =	shalt  }
0x74: {  	_ =	shalt  }
0x75: {  	_ =	shalt  }
0x76: {  	_ =	shalt  }
0x77: {  	_ =	shalt  }
0x78: {  	_ =	shalt  }
0x79: {  	_ =	shalt  }
0x7a: {  	_ =	shalt  }
0x7b: {  	_ =	shalt  }
0x7c: {  	_ =	shalt  }
0x7d: {  	_ =	shalt  }
0x7e: {  	_ =	shalt  }
0x7f: {  	_ =	shalt  }
0x80: {  	_ =	shalt  }
0x81: {  	_ =	shalt  }
0x82: {  	_ =	shalt  }
0x83: {  	_ =	shalt  }
0x84: {  	_ =	shalt  }
0x85: {  	_ =	shalt  }
0x86: {  	_ =	shalt  }
0x87: {  	_ =	shalt  }
.Lfunc_end0:
.L_simem_size_0:
called_computation_lowered:
.L_overlay_start_0:
0x88: {  	s0 =	sld [smem:$0x3FD9]  }
0x89: {  	s1 =	sld [smem:$0x3FFE];
	_ =	sdelay $0x3  }
0x8a: {  	s0 =	sadd.s32 s1, s0  }
0x8b: {  	[smem:$0x3FC5] =	sst s0  }
0x8c: {  	_ = 	snop  }
0x8d: {  	s0 =	sld [smem:$0x3FC9]  }
0x8e: {  	s16 =	sld [smem:$0x3FC8]  }
0x8f: {  	s2 =	sld [smem:$0x3FD0];
	(tm) =	ssettm $0x1  }
0x90: {  	s3 =	sld [smem:$0x3FFB];
	_ =	sdelay $0x3  }
0x91: {  	_ =	strace s3  }
0x92: {  	s3 =	sld [smem:$0x3FFC];
	_ =	sdelay $0x3  }
0x93: {  	_ =	strace s3  }
0x94: {  	s3 =	sld [smem:$0x3FFD];
	_ =	sdelay $0x3  }
0x95: {  	_ =	strace s3  }
0x96: {  	_ =	strace $0x8FFFFFFF  }
0x97: {  	s17 =	sld [smem:$0x3FDB];
	_ =	sdelay $0x1  }
0x98: {  	s4 =	simm.s32 $_scs_section_size  }
0x99: {  	s5 =	simm.s32 $_size__tile_overlayer_lowered;
	s6 =	simm.s32 $_tile_overlayer_lowered  }
0x9a: {  	s20 =	simm.s32 $0x1BFF;
	s19 =	sshll.u32 s6, $0x1;
	s3 =	sadd.s32 s4, s17  }
0x9b: {  	s7 =	simm.s32 $0x0;
	s18 =	sshll.u32 s5, $0x1;
	s5 =	sadd.s32 s19, s3  }
0x9c: {  	[timem:s7], [sflag:s20] =	dma.local [hbm:s5], s18  }
0x9d: {  	_ =	swait.ge [sflag:s20], s18  }
0x9e: {  	s4 =	ssub.s32 $0x0, s18;
	[sflag:s20] =	ssyncset.done $0x0  }
0x9f: {  	[sflag:s20] =	ssyncadd.s32 s4;
	_ =	sdelay $0x1  }
0xa0: {  	s21 =	simm.s32 $0x1B8B  }
0xa1: {  	_ =	swait.ge [sflag:s21], $0x1  }
0xa2: {  	[sflag:s21] =	ssyncset.done $0x0  }
0xa3: {  	s23 =	simm.s32 $0x1B8E;
	s22 =	sld [smem:$0x3FFE];
	[sflag:s21] =	ssyncadd.s32 $0xFFFFFFFF  }
0xa4: {  	s24 =	simm.s32 $execute0_lowered;
	[smem:$0x3FD2] =	sst s23  }
0xa5: {  	s5 =	sshll.u32 s24, $0x1;
	_ =	strace $0x80000046;
	[dreg:$0x1] =	wrdreg $0xFFFFFFFF  }
0xa6: {  	s25 =	simm.s32 $_size_execute0_lowered;
	s3 =	sadd.s32 s3, s5;
	[dreg:$0x0] =	wrdreg $0x0  }
0xa7: {  	s5 =	sshll.u32 s25, $0x1;
	[dreg:$0x2] =	wrdreg s3  }
0xa8: {  	[dreg:$0x3] =	wrdreg s5  }
0xa9: {  	[dreg:$0x4] =	wrdreg $0xC0  }
0xaa: {  	_ =	task [dreg:s7], $0x5FFFF  }
0xab: {  	[dreg:$0x1] =	wrdreg $0xFFFFFFFF  }
0xac: {  	[dreg:$0x0] =	wrdreg $0x60  }
0xad: {  	[dreg:$0x2] =	wrdreg s0  }
0xae: {  	[dreg:$0x3] =	wrdreg s16  }
0xaf: {  	[dreg:$0x4] =	wrdreg s22  }
0xb0: {  	[dreg:$0x5] =	wrdreg s2  }
0xb1: {  	[dreg:$0x6] =	wrdreg $0x9  }
0xb2: {  	_ =	task.clear_ibuf [dreg:s7], $0x7FFFF;
	_ =	strace $0x90000046  }
0xb3: {  	s26 =	simm.s32 $0x9;
	_ =	strace $0x80000048  }
0xb4: {  	_ =	swait.ge [sflag:s26], $0x1  }
0xb5: {  	[sflag:s26] =	ssyncadd.s32 $0xFFFFFFFF  }
0xb6: {  	_ =	strace $0x90000048  }
0xb7: {  	_ =	sfence  }
0xb8: {  	s28 =	sld [smem:$0x0];
	_ =	sdelay $0x1  }
0xb9: {  	s29 =	srdreg.scid  }
0xba: {  	s30 =	sshll.u32 s29, $0xD;
	s31 =	sshrl.u32 s29, $0x2  }
0xbb: {  	s1 =	sand.u32 $0x1, s29;
	s2 =	sand.u32 $0x4000, s30;
	s0 =	sadd.s32 s31, s28  }
0xbc: {  	s1 =	sor.u32 s2, s1;
	s0 =	sshll.u32 s0, $0x11  }
0xbd: {  	s0 =	sor.u32 s0, s1  }
0xbe: {  	s0 =	sadd.s32 $0x8F2B, s0  }
0xbf: {  	[sflag:s0] =	ssyncadd.remote.s32 $0x1  }
0xc0: {  	_ =	sfence.sel $0xFFFF  }
0xc1: {  	[dreg:$0x0] =	wrdreg $0xFFFFFFFF;
	(pc) =	sbr.abs _section_cstart, $3  }
0xc2: {  	[dreg:$0x1] =	wrdreg $0xFFFFFFFF  }
0xc3: {  	_ =	task.clear_ibuf [dreg:s7], $0x2FFFF;
	_ =	strace $0x9FFFFFFF  }
0xc4: {  	(tm) =	ssettm $0x7FFFFFFF  }
0xc5: {  	_ =	shalt  }
tec
execute0_lowered:
.L_overlay_start_1:
0x0: {  	(tag) =	ssettag $0x1  }
0x1: {  	s4 =	rddreg [dreg:$0x0]  }
0x2: {  	s6 =	rddreg [dreg:$0x1]  }
0x3: {  	s2 =	rddreg [dreg:$0x2]  }
0x4: {  	s5 =	rddreg [dreg:$0x3];
	s1 =	stileid.u32  }
0x5: {  	s0 =	rddreg [dreg:$0x4];
	s7 =	simm.s32 $0x0;
	s3 =	sshll.u32 s1, $0x4  }
0x6: {  	[smem:$0x7FF] =	sst s7;
	s2 =	sadd.s32 s3, s2  }
0x7: {  	s21 =	simm.s32 $0x3;
	_ =	strace $0x80000047;
	s2 =	sadd.s32 $0x400, s2  }
0x8: {  	[tilespmem:s7], [sflag:$0x3] =	stream.linear.gather [hbm4b:s2+s7], $0x80, $0x38;
	[tilespmem:$0x1080] =	vst v63  }
0x9: {  	_ =	swait.ge [sflag:s21], $0x80  }
0xa: {  	[sflag:s21] =	ssyncset.done $0x0  }
0xb: {  	[sflag:s21] =	ssyncadd.s32 $0xFFFFFF80  }
0xc: {  	v0 =	vld.msk [tilespmem:$0x0], $0x1;
	_ =	sdelay $0x4  }
0xd: {  	v1 =	vshll.u32 v0, $0x3  }
0xe: {  	v0 =	vand.u32 $0x7, v0;
	v1 =	vand.u32 $0xFFFFFFC0, v1  }
0xf: {  	v59 =	vimm.s32 $0x0;
	v2 =	vlaneseq.u32;
	v0 =	vor.u32 v0, v1  }
0x10: {  	v2 =	vmul.u32 $0x8, v2;
	v0 =	vperm.xlane v0, v59;
	_ =	sdelay $0x1  }
0x11: {  	v0 =	vadd.s32 v2, v0;
	_ =	sdelay $0x3  }
0x12: {  	vm0 =	vmmov $0xff;
	s22 =	simm.s32 $0x80  }
0x13: {  	[tilespmem:s22], [sflag:$0x1] =	stream.indirect_vreg.gather [hbm4b:s4+s7], $0x80, v0, vm0, $0xb8;
	[tilespmem:$0x1080] =	vst v63  }
0x14: {  	v0 =	vld.msk [tilespmem:$0x0], $0x1;
	_ =	sdelay $0x4  }
0x15: {  	v3 =	vshll.u32 v0, $0x3  }
0x16: {  	v0 =	vand.u32 $0x7, v0;
	v3 =	vand.u32 $0xFFFFFFC0, v3  }
0x17: {  	v0 =	vor.u32 v0, v3  }
0x18: {  	v0 =	vperm.xlane v0, v59;
	_ =	sdelay $0x1  }
0x19: {  	v0 =	vadd.s32 v2, v0;
	_ =	sdelay $0x3  }
0x1a: {  	s23 =	simm.s32 $0x880  }
0x1b: {  	[tilespmem:s23], [sflag:$0x1] =	stream.indirect_vreg.gather [hbm4b:s6+s7], $0x80, v0, vm0, $0xb8;
	[tilespmem:$0x1080] =	vst v63  }
0x1c: {  	v0 =	vld.msk [tilespmem:$0x8], $0x1;
	_ =	sdelay $0x4  }
0x1d: {  	v60 =	vshll.u32 v0, $0x3  }
0x1e: {  	v0 =	vand.u32 $0x7, v0;
	v3 =	vand.u32 $0xFFFFFFC0, v60  }
0x1f: {  	v0 =	vor.u32 v0, v3  }
0x20: {  	v0 =	vperm.xlane v0, v59;
	_ =	sdelay $0x1  }
0x21: {  	v0 =	vadd.s32 v2, v0;
	_ =	sdelay $0x3  }
0x22: {  	s24 =	simm.s32 $0x480  }
0x23: {  	[tilespmem:s24], [sflag:$0x2] =	stream.indirect_vreg.gather [hbm4b:s4+s7], $0x80, v0, vm0, $0xb8;
	[tilespmem:$0x1080] =	vst v63  }
0x24: {  	v0 =	vld.msk [tilespmem:$0x8], $0x1;
	_ =	sdelay $0x4  }
0x25: {  	v61 =	vshll.u32 v0, $0x3  }
0x26: {  	v0 =	vand.u32 $0x7, v0;
	v3 =	vand.u32 $0xFFFFFFC0, v61  }
0x27: {  	v0 =	vor.u32 v0, v3  }
0x28: {  	v0 =	vperm.xlane v0, v59;
	_ =	sdelay $0x1  }
0x29: {  	v0 =	vadd.s32 v2, v0;
	_ =	sdelay $0x3  }
0x2a: {  	s25 =	simm.s32 $0xC80;
	s26 =	simm.s32 $0x1  }
0x2b: {  	[tilespmem:s25], [sflag:$0x2] =	stream.indirect_vreg.gather [hbm4b:s6+s7], $0x80, v0, vm0, $0xb8;
	[tilespmem:$0x1080] =	vst v63  }
0x2c: {  	_ =	swait.ge [sflag:s26], $0x400  }
0x2d: {  	[sflag:s26] =	ssyncset.done $0x0  }
0x2e: {  	[sflag:s26] =	ssyncadd.s32 $0xFFFFFC00  }
0x2f: {  	_ =	swait.ge [sflag:s26], $0x400  }
0x30: {  	[sflag:s26] =	ssyncset.done $0x0  }
0x31: {  	[sflag:s26] =	ssyncadd.s32 $0xFFFFFC00  }
0x32: {  	v0 =	vld [tilespmem:$0x80]  }
0x33: {  	v1 =	vld [tilespmem:$0x880]  }
0x34: {  	v2 =	vld [tilespmem:$0x90]  }
0x35: {  	v3 =	vld [tilespmem:$0x890]  }
0x36: {  	v4 =	vld [tilespmem:$0xA0]  }
0x37: {  	v5 =	vld [tilespmem:$0x8A0]  }
0x38: {  	v6 =	vld [tilespmem:$0xB0]  }
0x39: {  	v7 =	vld [tilespmem:$0x8B0]  }
0x3a: {  	v8 =	vld [tilespmem:$0xC0]  }
0x3b: {  	v9 =	vld [tilespmem:$0x8C0]  }
0x3c: {  	v10 =	vld [tilespmem:$0xD0]  }
0x3d: {  	v11 =	vld [tilespmem:$0x8D0]  }
0x3e: {  	v12 =	vld [tilespmem:$0xE0]  }
0x3f: {  	v13 =	vld [tilespmem:$0x8E0]  }
0x40: {  	v14 =	vld [tilespmem:$0xF0]  }
0x41: {  	v15 =	vld [tilespmem:$0x8F0]  }
0x42: {  	v16 =	vld [tilespmem:$0x100]  }
0x43: {  	v17 =	vld [tilespmem:$0x900]  }
0x44: {  	v18 =	vld [tilespmem:$0x110]  }
0x45: {  	v19 =	vld [tilespmem:$0x910]  }
0x46: {  	v20 =	vld [tilespmem:$0x120]  }
0x47: {  	v21 =	vld [tilespmem:$0x920]  }
0x48: {  	v22 =	vld [tilespmem:$0x130]  }
0x49: {  	v23 =	vld [tilespmem:$0x930]  }
0x4a: {  	v24 =	vld [tilespmem:$0x140]  }
0x4b: {  	v25 =	vld [tilespmem:$0x940]  }
0x4c: {  	v26 =	vld [tilespmem:$0x150]  }
0x4d: {  	v27 =	vld [tilespmem:$0x950]  }
0x4e: {  	v28 =	vld [tilespmem:$0x160]  }
0x4f: {  	v29 =	vld [tilespmem:$0x960]  }
0x50: {  	v30 =	vld [tilespmem:$0x170]  }
0x51: {  	v31 =	vld [tilespmem:$0x970]  }
0x52: {  	v32 =	vld [tilespmem:$0x180]  }
0x53: {  	v33 =	vld [tilespmem:$0x980]  }
0x54: {  	v34 =	vld [tilespmem:$0x190]  }
0x55: {  	v35 =	vld [tilespmem:$0x990]  }
0x56: {  	v36 =	vld [tilespmem:$0x1A0]  }
0x57: {  	v37 =	vld [tilespmem:$0x9A0]  }
0x58: {  	v38 =	vld [tilespmem:$0x1B0]  }
0x59: {  	v39 =	vld [tilespmem:$0x9B0]  }
0x5a: {  	v40 =	vld [tilespmem:$0x1C0]  }
0x5b: {  	v41 =	vld [tilespmem:$0x9C0]  }
0x5c: {  	v42 =	vld [tilespmem:$0x1D0]  }
0x5d: {  	v43 =	vld [tilespmem:$0x9D0]  }
0x5e: {  	v44 =	vld [tilespmem:$0x1E0]  }
0x5f: {  	v45 =	vld [tilespmem:$0x9E0]  }
0x60: {  	v46 =	vld [tilespmem:$0x1F0]  }
0x61: {  	v47 =	vld [tilespmem:$0x9F0]  }
0x62: {  	v48 =	vld [tilespmem:$0x200]  }
0x63: {  	v49 =	vld [tilespmem:$0xA00]  }
0x64: {  	v50 =	vld [tilespmem:$0x210]  }
0x65: {  	v51 =	vld [tilespmem:$0xA10]  }
0x66: {  	v52 =	vld [tilespmem:$0x220]  }
0x67: {  	v53 =	vld [tilespmem:$0xA20]  }
0x68: {  	v54 =	vld [tilespmem:$0x230]  }
0x69: {  	v55 =	vld [tilespmem:$0xA30]  }
0x6a: {  	v56 =	vld [tilespmem:$0x240]  }
0x6b: {  	v57 =	vld [tilespmem:$0xA40]  }
0x6c: {  	v58 =	vld [tilespmem:$0x250]  }
0x6d: {  	v62 =	vld [tilespmem:$0x270]  }
0x6e: {  	v59 =	vld [tilespmem:$0xA50]  }
0x6f: {  	v60 =	vld [tilespmem:$0x260]  }
0x70: {  	v61 =	vld [tilespmem:$0xA60]  }
0x71: {  	v63 =	vld [tilespmem:$0xA70]  }
0x72: {  	[tilespmem:$0x1FF40] =	vst v62;
	v62 =	vld [tilespmem:$0x280]  }
0x73: {  	v0 =	vadd.f32 v1, v0;
	v1 =	vld [tilespmem:$0xAA0]  }
0x74: {  	v2 =	vadd.f32 v3, v2;
	v3 =	vld [tilespmem:$0x2B0]  }
0x75: {  	v9 =	vadd.f32 v9, v8;
	v8 =	vld [tilespmem:$0xAD0]  }
0x76: {  	v13 =	vadd.f32 v13, v12;
	v12 =	vld [tilespmem:$0xAF0]  }
0x77: {  	v15 =	vadd.f32 v15, v14;
	v14 =	vld [tilespmem:$0xB00]  }
0x78: {  	v17 =	vadd.f32 v17, v16;
	v16 =	vld [tilespmem:$0xB10]  }
0x79: {  	v19 =	vadd.f32 v19, v18;
	v18 =	vld [tilespmem:$0xB20]  }
0x7a: {  	v21 =	vadd.f32 v21, v20;
	v20 =	vld [tilespmem:$0xB30];
	[tilespmem:$0x80] =	vst v0  }
0x7b: {  	v23 =	vadd.f32 v23, v22;
	v22 =	vld [tilespmem:$0xB40];
	[tilespmem:$0x90] =	vst v2  }
0x7c: {  	v25 =	vadd.f32 v25, v24;
	v24 =	vld [tilespmem:$0xB50];
	[tilespmem:$0xC0] =	vst v9  }
0x7d: {  	v27 =	vadd.f32 v27, v26;
	v26 =	vld [tilespmem:$0xB60];
	[tilespmem:$0xE0] =	vst v13  }
0x7e: {  	v29 =	vadd.f32 v29, v28;
	v28 =	vld [tilespmem:$0xB70];
	[tilespmem:$0xF0] =	vst v15  }
0x7f: {  	v31 =	vadd.f32 v31, v30;
	v30 =	vld [tilespmem:$0xB80];
	[tilespmem:$0x100] =	vst v17  }
0x80: {  	v33 =	vadd.f32 v33, v32;
	v32 =	vld [tilespmem:$0xB90];
	[tilespmem:$0x110] =	vst v19  }
0x81: {  	v41 =	vadd.f32 v41, v40;
	v40 =	vld [tilespmem:$0xBA0];
	[tilespmem:$0x120] =	vst v21  }
0x82: {  	v37 =	vadd.f32 v37, v36;
	v36 =	vadd.f32 v61, v60;
	v61 =	vld [tilespmem:$0xBF0];
	[tilespmem:$0x130] =	vst v23  }
0x83: {  	v0 =	vadd.f32 v5, v4;
	v4 =	vld [tilespmem:$0xAB0];
	[tilespmem:$0x140] =	vst v25  }
0x84: {  	v5 =	vld [tilespmem:$0x2C0];
	[tilespmem:$0x150] =	vst v27  }
0x85: {  	v9 =	vld [tilespmem:$0x2E0];
	[tilespmem:$0x160] =	vst v29  }
0x86: {  	v35 =	vadd.f32 v35, v34;
	v13 =	vld [tilespmem:$0x300];
	[tilespmem:$0x170] =	vst v31  }
0x87: {  	v15 =	vld [tilespmem:$0x310];
	[tilespmem:$0x180] =	vst v33  }
0x88: {  	v39 =	vadd.f32 v39, v38;
	v17 =	vld [tilespmem:$0x320];
	[tilespmem:$0x190] =	vst v35  }
0x89: {  	v19 =	vld [tilespmem:$0x330];
	[tilespmem:$0x1A0] =	vst v37  }
0x8a: {  	v43 =	vadd.f32 v43, v42;
	v21 =	vld [tilespmem:$0x340];
	[tilespmem:$0x1B0] =	vst v39  }
0x8b: {  	v45 =	vadd.f32 v45, v44;
	v23 =	vld [tilespmem:$0x350];
	[tilespmem:$0x1C0] =	vst v41  }
0x8c: {  	v47 =	vadd.f32 v47, v46;
	[tilespmem:$0x1D0] =	vst v43;
	v25 =	vld [tilespmem:$0x360]  }
0x8d: {  	v49 =	vadd.f32 v49, v48;
	[tilespmem:$0x1E0] =	vst v45;
	v27 =	vld [tilespmem:$0x370]  }
0x8e: {  	[tilespmem:$0x1F0] =	vst v47;
	v29 =	vld [tilespmem:$0x380]  }
0x8f: {  	v51 =	vadd.f32 v51, v50;
	[tilespmem:$0x200] =	vst v49;
	v31 =	vld [tilespmem:$0x390]  }
0x90: {  	v53 =	vadd.f32 v53, v52;
	[tilespmem:$0x1FF50] =	vst v62;
	v62 =	vld [tilespmem:$0xA80]  }
0x91: {  	v55 =	vadd.f32 v55, v54;
	[tilespmem:$0x210] =	vst v51;
	v37 =	vld [tilespmem:$0x1FF40]  }
0x92: {  	v57 =	vadd.f32 v57, v56;
	[tilespmem:$0x220] =	vst v53;
	v33 =	vld [tilespmem:$0x3A0]  }
0x93: {  	[tilespmem:$0x230] =	vst v55;
	v43 =	vld [tilespmem:$0x3B0]  }
0x94: {  	[tilespmem:$0x240] =	vst v57;
	v45 =	vld [tilespmem:$0xBB0]  }
0x95: {  	[tilespmem:$0x1FF60] =	vst v62;
	v62 =	vld [tilespmem:$0x290]  }
0x96: {  	[tilespmem:$0x260] =	vst v36;
	v47 =	vld [tilespmem:$0x3C0];
	v2 =	vadd.f32 v63, v37  }
0x97: {  	v49 =	vld [tilespmem:$0xBC0];
	[tilespmem:$0xA0] =	vst v0;
	v46 =	vadd.f32 v4, v3  }
0x98: {  	v51 =	vld [tilespmem:$0x3D0];
	[tilespmem:$0x270] =	vst v2  }
0x99: {  	v53 =	vld [tilespmem:$0xBD0];
	v56 =	vadd.f32 v14, v13;
	[tilespmem:$0x2B0] =	vst v46  }
0x9a: {  	v60 =	vadd.f32 v18, v17;
	[tilespmem:$0x1FF70] =	vst v62;
	v62 =	vld [tilespmem:$0xA90]  }
0x9b: {  	v55 =	vld [tilespmem:$0x3E0];
	v21 =	vadd.f32 v22, v21;
	[tilespmem:$0x300] =	vst v56  }
0x9c: {  	v57 =	vld [tilespmem:$0xBE0];
	v23 =	vadd.f32 v24, v23;
	[tilespmem:$0x320] =	vst v60  }
0x9d: {  	v38 =	vld [tilespmem:$0x1FF50];
	[tilespmem:$0x340] =	vst v21  }
0x9e: {  	v25 =	vadd.f32 v26, v25;
	[tilespmem:$0x350] =	vst v23;
	v39 =	vld [tilespmem:$0x1FF60]  }
0x9f: {  	v27 =	vadd.f32 v28, v27;
	[tilespmem:$0x1FF80] =	vst v62;
	v62 =	vld [tilespmem:$0x2A0]  }
0xa0: {  	v63 =	vld [tilespmem:$0x400];
	v36 =	vadd.f32 v30, v29;
	[tilespmem:$0x360] =	vst v25  }
0xa1: {  	v40 =	vadd.f32 v40, v33;
	[tilespmem:$0x370] =	vst v27;
	v41 =	vld [tilespmem:$0x1FF70]  }
0xa2: {  	[tilespmem:$0x380] =	vst v36;
	v42 =	vld [tilespmem:$0x1FF80]  }
0xa3: {  	v22 =	vld [tilespmem:$0xC00];
	[tilespmem:$0x3A0] =	vst v40;
	v0 =	vadd.f32 v39, v38  }
0xa4: {  	v24 =	vld [tilespmem:$0x410];
	[tilespmem:$0x1FF90] =	vst v62;
	v62 =	vadd.f32 v7, v6  }
0xa5: {  	v38 =	vadd.f32 v32, v31;
	[tilespmem:$0x280] =	vst v0;
	v6 =	vld [tilespmem:$0xAC0]  }
0xa6: {  	v7 =	vld [tilespmem:$0x2D0];
	[tilespmem:$0xB0] =	vst v62;
	v62 =	vadd.f32 v11, v10  }
0xa7: {  	[tilespmem:$0x390] =	vst v38;
	v2 =	vadd.f32 v42, v41;
	v44 =	vld [tilespmem:$0x1FF90]  }
0xa8: {  	v26 =	vld [tilespmem:$0xC10];
	[tilespmem:$0xD0] =	vst v62;
	v62 =	vadd.f32 v59, v58  }
0xa9: {  	v28 =	vld [tilespmem:$0x420];
	[tilespmem:$0x290] =	vst v2;
	v58 =	vadd.f32 v16, v15  }
0xaa: {  	v37 =	vld [tilespmem:$0xC20];
	v48 =	vadd.f32 v6, v5;
	[tilespmem:$0x250] =	vst v62  }
0xab: {  	v46 =	vld [tilespmem:$0x450];
	v50 =	vadd.f32 v8, v7;
	[tilespmem:$0x310] =	vst v58  }
0xac: {  	v56 =	vld [tilespmem:$0xC70];
	v0 =	vadd.f32 v1, v44;
	[tilespmem:$0x2C0] =	vst v48  }
0xad: {  	v39 =	vld [tilespmem:$0x430];
	v62 =	vadd.f32 v20, v19;
	[tilespmem:$0x2D0] =	vst v50  }
0xae: {  	v41 =	vld [tilespmem:$0xC30];
	v1 =	vadd.f32 v45, v43;
	[tilespmem:$0x2A0] =	vst v0  }
0xaf: {  	v10 =	vld [tilespmem:$0xAE0];
	v43 =	vadd.f32 v49, v47;
	[tilespmem:$0x330] =	vst v62  }
0xb0: {  	v11 =	vld [tilespmem:$0x2F0];
	v45 =	vadd.f32 v53, v51;
	[tilespmem:$0x3B0] =	vst v1  }
0xb1: {  	v42 =	vld [tilespmem:$0x440];
	v47 =	vadd.f32 v57, v55;
	[tilespmem:$0x3C0] =	vst v43  }
0xb2: {  	v59 =	vld [tilespmem:$0x3F0];
	v51 =	vadd.f32 v22, v63;
	[tilespmem:$0x3D0] =	vst v45  }
0xb3: {  	v44 =	vld [tilespmem:$0xC40];
	v53 =	vadd.f32 v26, v24;
	[tilespmem:$0x3E0] =	vst v47  }
0xb4: {  	v52 =	vadd.f32 v10, v9;
	v48 =	vld [tilespmem:$0xC50];
	[tilespmem:$0x400] =	vst v51  }
0xb5: {  	v54 =	vadd.f32 v12, v11;
	v50 =	vld [tilespmem:$0x460];
	[tilespmem:$0x410] =	vst v53  }
0xb6: {  	v55 =	vadd.f32 v37, v28;
	[tilespmem:$0x2E0] =	vst v52;
	v52 =	vld [tilespmem:$0xC60]  }
0xb7: {  	v57 =	vadd.f32 v41, v39;
	[tilespmem:$0x2F0] =	vst v54;
	v54 =	vld [tilespmem:$0x470]  }
0xb8: {  	[tilespmem:$0x420] =	vst v55;
	v49 =	vadd.f32 v61, v59  }
0xb9: {  	[tilespmem:$0x430] =	vst v57;
	v58 =	vadd.f32 v44, v42  }
0xba: {  	[tilespmem:$0x3F0] =	vst v49;
	v59 =	vadd.f32 v48, v46  }
0xbb: {  	s28 =	sshll.u32 s1, $0x8;
	s29 =	sshll.u32 s1, $0x5;
	[tilespmem:$0x440] =	vst v58;
	v60 =	vadd.f32 v52, v50  }
0xbc: {  	s6 =	sor.u32 s29, s28;
	[tilespmem:$0x450] =	vst v59;
	v61 =	vadd.f32 v56, v54  }
0xbd: {  	s6 =	sand.u32 $0xC60, s6;
	[tilespmem:$0x460] =	vst v60  }
0xbe: {  	s30 =	simm.s32 $0x400;
	s31 =	simm.s32 $0x2;
	s6 =	sadd.s32 s5, s6;
	[tilespmem:$0x470] =	vst v61  }
0xbf: {  	[hbm4b:s6+s22] =	stream.strided.scatter [tilespmem:s22], [sflag:$0x1], $0x400, s30, s22, $0x38;
	[tilespmem:$0x1080] =	vst v63  }
0xc0: {  	_ =	swait.ge [sflag:s31], $0x400  }
0xc1: {  	[sflag:s31] =	ssyncset.done $0x0  }
0xc2: {  	[sflag:s31] =	ssyncadd.s32 $0xFFFFFC00  }
0xc3: {  	_ =	swait.ge [sflag:s31], $0x400  }
0xc4: {  	[sflag:s31] =	ssyncset.done $0x0  }
0xc5: {  	[sflag:s31] =	ssyncadd.s32 $0xFFFFFC00  }
0xc6: {  	v0 =	vld [tilespmem:$0x480]  }
0xc7: {  	v1 =	vld [tilespmem:$0xC80]  }
0xc8: {  	v2 =	vld [tilespmem:$0x490]  }
0xc9: {  	v3 =	vld [tilespmem:$0xC90]  }
0xca: {  	v4 =	vld [tilespmem:$0x4A0]  }
0xcb: {  	v5 =	vld [tilespmem:$0xCA0]  }
0xcc: {  	v6 =	vld [tilespmem:$0x4B0]  }
0xcd: {  	v7 =	vld [tilespmem:$0xCB0]  }
0xce: {  	v8 =	vld [tilespmem:$0x4C0]  }
0xcf: {  	v9 =	vld [tilespmem:$0xCC0]  }
0xd0: {  	v10 =	vld [tilespmem:$0x4D0]  }
0xd1: {  	v11 =	vld [tilespmem:$0xCD0]  }
0xd2: {  	v12 =	vld [tilespmem:$0x4E0]  }
0xd3: {  	v13 =	vld [tilespmem:$0xCE0]  }
0xd4: {  	v14 =	vld [tilespmem:$0x4F0]  }
0xd5: {  	v15 =	vld [tilespmem:$0xCF0]  }
0xd6: {  	v16 =	vld [tilespmem:$0x500]  }
0xd7: {  	v17 =	vld [tilespmem:$0xD00]  }
0xd8: {  	v18 =	vld [tilespmem:$0x510]  }
0xd9: {  	v19 =	vld [tilespmem:$0xD10]  }
0xda: {  	v20 =	vld [tilespmem:$0x520]  }
0xdb: {  	v21 =	vld [tilespmem:$0xD20]  }
0xdc: {  	v22 =	vld [tilespmem:$0x530]  }
0xdd: {  	v23 =	vld [tilespmem:$0xD30]  }
0xde: {  	v24 =	vld [tilespmem:$0x540]  }
0xdf: {  	v25 =	vld [tilespmem:$0xD40]  }
0xe0: {  	v26 =	vld [tilespmem:$0x550]  }
0xe1: {  	v27 =	vld [tilespmem:$0xD50]  }
0xe2: {  	v28 =	vld [tilespmem:$0x560]  }
0xe3: {  	v29 =	vld [tilespmem:$0xD60]  }
0xe4: {  	v30 =	vld [tilespmem:$0x570]  }
0xe5: {  	v31 =	vld [tilespmem:$0xD70]  }
0xe6: {  	v32 =	vld [tilespmem:$0x580]  }
0xe7: {  	v33 =	vld [tilespmem:$0xD80]  }
0xe8: {  	v34 =	vld [tilespmem:$0x590]  }
0xe9: {  	v35 =	vld [tilespmem:$0xD90]  }
0xea: {  	v36 =	vld [tilespmem:$0x5A0]  }
0xeb: {  	v37 =	vld [tilespmem:$0xDA0]  }
0xec: {  	v38 =	vld [tilespmem:$0x5B0]  }
0xed: {  	v39 =	vld [tilespmem:$0xDB0]  }
0xee: {  	v40 =	vld [tilespmem:$0x5C0]  }
0xef: {  	v41 =	vld [tilespmem:$0xDC0]  }
0xf0: {  	v42 =	vld [tilespmem:$0x5D0]  }
0xf1: {  	v43 =	vld [tilespmem:$0xDD0]  }
0xf2: {  	v44 =	vld [tilespmem:$0x5E0]  }
0xf3: {  	v45 =	vld [tilespmem:$0xDE0]  }
0xf4: {  	v46 =	vld [tilespmem:$0x5F0]  }
0xf5: {  	v47 =	vld [tilespmem:$0xDF0]  }
0xf6: {  	v48 =	vld [tilespmem:$0x600]  }
0xf7: {  	v49 =	vld [tilespmem:$0xE00]  }
0xf8: {  	v50 =	vld [tilespmem:$0x610]  }
0xf9: {  	v51 =	vld [tilespmem:$0xE10]  }
0xfa: {  	v52 =	vld [tilespmem:$0x620]  }
0xfb: {  	v53 =	vld [tilespmem:$0xE20]  }
0xfc: {  	v54 =	vld [tilespmem:$0x630]  }
0xfd: {  	v55 =	vld [tilespmem:$0xE30]  }
0xfe: {  	v56 =	vld [tilespmem:$0x640]  }
0xff: {  	v57 =	vld [tilespmem:$0xE40]  }
0x100: {  	v58 =	vld [tilespmem:$0x650]  }
0x101: {  	v62 =	vld [tilespmem:$0x670]  }
0x102: {  	v59 =	vld [tilespmem:$0xE50]  }
0x103: {  	v60 =	vld [tilespmem:$0x660]  }
0x104: {  	v61 =	vld [tilespmem:$0xE60]  }
0x105: {  	v63 =	vld [tilespmem:$0xE70]  }
0x106: {  	[tilespmem:$0x1FFA0] =	vst v62;
	v62 =	vld [tilespmem:$0x680]  }
0x107: {  	v0 =	vadd.f32 v1, v0;
	v1 =	vld [tilespmem:$0xEA0]  }
0x108: {  	v2 =	vadd.f32 v3, v2;
	v3 =	vld [tilespmem:$0x6B0]  }
0x109: {  	v9 =	vadd.f32 v9, v8;
	v8 =	vld [tilespmem:$0xED0]  }
0x10a: {  	v13 =	vadd.f32 v13, v12;
	v12 =	vld [tilespmem:$0xEF0]  }
0x10b: {  	v15 =	vadd.f32 v15, v14;
	v14 =	vld [tilespmem:$0xF00]  }
0x10c: {  	v17 =	vadd.f32 v17, v16;
	v16 =	vld [tilespmem:$0xF10]  }
0x10d: {  	v19 =	vadd.f32 v19, v18;
	v18 =	vld [tilespmem:$0xF20]  }
0x10e: {  	v23 =	vadd.f32 v23, v22;
	v22 =	vld [tilespmem:$0xF40];
	[tilespmem:$0x480] =	vst v0  }
0x10f: {  	v25 =	vadd.f32 v25, v24;
	v24 =	vld [tilespmem:$0xF50];
	[tilespmem:$0x490] =	vst v2  }
0x110: {  	v21 =	vadd.f32 v21, v20;
	v27 =	vadd.f32 v27, v26;
	v26 =	vld [tilespmem:$0xF60];
	[tilespmem:$0x4C0] =	vst v9  }
0x111: {  	v31 =	vadd.f32 v31, v30;
	v30 =	vadd.f32 v45, v44;
	v45 =	vld [tilespmem:$0xFB0];
	[tilespmem:$0x4E0] =	vst v13  }
0x112: {  	v33 =	vadd.f32 v33, v32;
	v32 =	vadd.f32 v49, v48;
	v49 =	vld [tilespmem:$0xFC0];
	[tilespmem:$0x4F0] =	vst v15  }
0x113: {  	v35 =	vadd.f32 v35, v34;
	v34 =	vadd.f32 v53, v52;
	v53 =	vld [tilespmem:$0xFD0];
	[tilespmem:$0x500] =	vst v17  }
0x114: {  	v37 =	vadd.f32 v37, v36;
	v36 =	vadd.f32 v57, v56;
	v57 =	vld [tilespmem:$0xFE0];
	[tilespmem:$0x510] =	vst v19  }
0x115: {  	v0 =	vadd.f32 v5, v4;
	v4 =	vld [tilespmem:$0xEB0];
	[tilespmem:$0x520] =	vst v21  }
0x116: {  	v5 =	vld [tilespmem:$0x6C0];
	[tilespmem:$0x530] =	vst v23  }
0x117: {  	v29 =	vadd.f32 v29, v28;
	v9 =	vld [tilespmem:$0x6E0];
	[tilespmem:$0x540] =	vst v25  }
0x118: {  	v13 =	vld [tilespmem:$0x700];
	[tilespmem:$0x550] =	vst v27  }
0x119: {  	v15 =	vld [tilespmem:$0x710];
	[tilespmem:$0x560] =	vst v29  }
0x11a: {  	v17 =	vld [tilespmem:$0x720];
	[tilespmem:$0x570] =	vst v31  }
0x11b: {  	v19 =	vld [tilespmem:$0x730];
	[tilespmem:$0x580] =	vst v33  }
0x11c: {  	v28 =	vadd.f32 v41, v40;
	[tilespmem:$0x590] =	vst v35;
	v21 =	vld [tilespmem:$0x740]  }
0x11d: {  	[tilespmem:$0x5A0] =	vst v37;
	v23 =	vld [tilespmem:$0x750]  }
0x11e: {  	[tilespmem:$0x5C0] =	vst v28;
	v25 =	vld [tilespmem:$0x760]  }
0x11f: {  	[tilespmem:$0x5E0] =	vst v30;
	v28 =	vld [tilespmem:$0xF70]  }
0x120: {  	[tilespmem:$0x600] =	vst v32;
	v30 =	vld [tilespmem:$0xF80]  }
0x121: {  	[tilespmem:$0x620] =	vst v34;
	v32 =	vld [tilespmem:$0xF90]  }
0x122: {  	v27 =	vadd.f32 v39, v38;
	[tilespmem:$0x640] =	vst v36;
	v39 =	vld [tilespmem:$0x1FFA0]  }
0x123: {  	v34 =	vld [tilespmem:$0xFA0];
	[tilespmem:$0x4A0] =	vst v0  }
0x124: {  	v29 =	vadd.f32 v43, v42;
	v31 =	vadd.f32 v47, v46;
	v47 =	vld [tilespmem:$0x7C0];
	[tilespmem:$0x5B0] =	vst v27  }
0x125: {  	[tilespmem:$0x1FFB0] =	vst v62;
	v62 =	vld [tilespmem:$0xE80]  }
0x126: {  	v33 =	vadd.f32 v51, v50;
	v51 =	vld [tilespmem:$0x7D0];
	[tilespmem:$0x5D0] =	vst v29  }
0x127: {  	v35 =	vadd.f32 v55, v54;
	v55 =	vld [tilespmem:$0x7E0];
	[tilespmem:$0x5F0] =	vst v31  }
0x128: {  	v37 =	vadd.f32 v59, v58;
	v59 =	vld [tilespmem:$0x7F0];
	[tilespmem:$0x610] =	vst v33  }
0x129: {  	v38 =	vadd.f32 v61, v60;
	v61 =	vld [tilespmem:$0xFF0];
	[tilespmem:$0x630] =	vst v35  }
0x12a: {  	[tilespmem:$0x1FFC0] =	vst v62;
	v62 =	vld [tilespmem:$0x690]  }
0x12b: {  	v27 =	vld [tilespmem:$0x770];
	[tilespmem:$0x650] =	vst v37;
	v2 =	vadd.f32 v63, v39  }
0x12c: {  	v29 =	vld [tilespmem:$0x780];
	[tilespmem:$0x660] =	vst v38;
	v46 =	vadd.f32 v4, v3  }
0x12d: {  	v31 =	vld [tilespmem:$0x790];
	[tilespmem:$0x670] =	vst v2  }
0x12e: {  	v33 =	vld [tilespmem:$0x7A0];
	v56 =	vadd.f32 v14, v13;
	[tilespmem:$0x6B0] =	vst v46  }
0x12f: {  	v58 =	vadd.f32 v16, v15;
	[tilespmem:$0x1FFD0] =	vst v62;
	v62 =	vld [tilespmem:$0xE90]  }
0x130: {  	v35 =	vld [tilespmem:$0x7B0];
	v60 =	vadd.f32 v18, v17;
	[tilespmem:$0x700] =	vst v56  }
0x131: {  	v37 =	vld [tilespmem:$0x820];
	v21 =	vadd.f32 v22, v21;
	[tilespmem:$0x710] =	vst v58  }
0x132: {  	v40 =	vld [tilespmem:$0x1FFB0];
	[tilespmem:$0x720] =	vst v60  }
0x133: {  	v23 =	vadd.f32 v24, v23;
	[tilespmem:$0x740] =	vst v21;
	v41 =	vld [tilespmem:$0x1FFC0]  }
0x134: {  	v25 =	vadd.f32 v26, v25;
	[tilespmem:$0x1FFE0] =	vst v62;
	v62 =	vld [tilespmem:$0x6A0]  }
0x135: {  	[tilespmem:$0x750] =	vst v23;
	v36 =	vadd.f32 v28, v27;
	v42 =	vld [tilespmem:$0x1FFD0]  }
0x136: {  	[tilespmem:$0x760] =	vst v25;
	v38 =	vadd.f32 v30, v29;
	v43 =	vld [tilespmem:$0x1FFE0]  }
0x137: {  	v63 =	vld [tilespmem:$0x800];
	[tilespmem:$0x770] =	vst v36  }
0x138: {  	v22 =	vld [tilespmem:$0x1000];
	[tilespmem:$0x780] =	vst v38;
	v0 =	vadd.f32 v41, v40  }
0x139: {  	v40 =	vadd.f32 v32, v31;
	[tilespmem:$0x1FFF0] =	vst v62;
	v62 =	vadd.f32 v7, v6;
	v6 =	vld [tilespmem:$0xEC0]  }
0x13a: {  	[tilespmem:$0x680] =	vst v0;
	v7 =	vld [tilespmem:$0x6D0]  }
0x13b: {  	[tilespmem:$0x790] =	vst v40;
	v2 =	vadd.f32 v43, v42;
	v44 =	vld [tilespmem:$0x1FFF0]  }
0x13c: {  	v24 =	vld [tilespmem:$0x810];
	v42 =	vadd.f32 v34, v33;
	[tilespmem:$0x4B0] =	vst v62  }
0x13d: {  	v26 =	vld [tilespmem:$0x1010];
	v62 =	vadd.f32 v11, v10;
	[tilespmem:$0x690] =	vst v2  }
0x13e: {  	v39 =	vld [tilespmem:$0x1020];
	[tilespmem:$0x7A0] =	vst v42;
	v48 =	vadd.f32 v6, v5  }
0x13f: {  	v46 =	vld [tilespmem:$0x1040];
	[tilespmem:$0x4D0] =	vst v62;
	v50 =	vadd.f32 v8, v7  }
0x140: {  	v56 =	vld [tilespmem:$0x870];
	v0 =	vadd.f32 v1, v44;
	[tilespmem:$0x6C0] =	vst v48  }
0x141: {  	v58 =	vld [tilespmem:$0x1070];
	v1 =	vadd.f32 v45, v35;
	[tilespmem:$0x6D0] =	vst v50  }
0x142: {  	v41 =	vld [tilespmem:$0x830];
	v45 =	vadd.f32 v49, v47;
	[tilespmem:$0x6A0] =	vst v0  }
0x143: {  	v10 =	vld [tilespmem:$0xEE0];
	v47 =	vadd.f32 v53, v51;
	[tilespmem:$0x7B0] =	vst v1  }
0x144: {  	v11 =	vld [tilespmem:$0x6F0];
	v49 =	vadd.f32 v57, v55;
	[tilespmem:$0x7C0] =	vst v45  }
0x145: {  	v43 =	vld [tilespmem:$0x1030];
	v51 =	vadd.f32 v61, v59;
	[tilespmem:$0x7D0] =	vst v47  }
0x146: {  	v62 =	vld [tilespmem:$0xF30];
	v53 =	vadd.f32 v22, v63;
	[tilespmem:$0x7E0] =	vst v49  }
0x147: {  	v44 =	vld [tilespmem:$0x840];
	v55 =	vadd.f32 v26, v24;
	[tilespmem:$0x7F0] =	vst v51  }
0x148: {  	v52 =	vadd.f32 v10, v9;
	v48 =	vld [tilespmem:$0x850];
	[tilespmem:$0x800] =	vst v53  }
0x149: {  	v54 =	vadd.f32 v12, v11;
	v50 =	vld [tilespmem:$0x1050];
	[tilespmem:$0x810] =	vst v55  }
0x14a: {  	v57 =	vadd.f32 v39, v37;
	[tilespmem:$0x6E0] =	vst v52;
	v52 =	vld [tilespmem:$0x860]  }
0x14b: {  	v59 =	vadd.f32 v43, v41;
	[tilespmem:$0x6F0] =	vst v54;
	v54 =	vld [tilespmem:$0x1060]  }
0x14c: {  	v63 =	vadd.f32 v58, v56;
	[tilespmem:$0x820] =	vst v57  }
0x14d: {  	[tilespmem:$0x830] =	vst v59;
	v62 =	vadd.f32 v62, v19  }
0x14e: {  	[tilespmem:$0x870] =	vst v63;
	v60 =	vadd.f32 v46, v44  }
0x14f: {  	[tilespmem:$0x730] =	vst v62;
	v61 =	vadd.f32 v50, v48  }
0x150: {  	[tilespmem:$0x840] =	vst v60;
	v62 =	vadd.f32 v54, v52  }
0x151: {  	[tilespmem:$0x850] =	vst v61  }
0x152: {  	s6 =	sadd.s32 $0x10, s6;
	[tilespmem:$0x860] =	vst v62  }
0x153: {  	[hbm4b:s6+s22] =	stream.strided.scatter [tilespmem:s24], [sflag:$0x2], $0x400, s30, s22, $0x38;
	[tilespmem:$0x1080] =	vst v63  }
0x154: {  	_ =	swait.ge [sflag:s26], $0x400  }
0x155: {  	[sflag:s26] =	ssyncset.done $0x0  }
0x156: {  	[sflag:s26] =	ssyncadd.s32 $0xFFFFFC00  }
0x157: {  	_ =	swait.ge [sflag:s31], $0x400  }
0x158: {  	[sflag:s31] =	ssyncset.done $0x0  }
0x159: {  	[sflag:s31] =	ssyncadd.s32 $0xFFFFFC00  }
0x15a: {  	_ =	sfence.sel $0x180000  }
0x15b: {  	[bflag:$0x0] =	sbarrier.arrive $0xFFFF  }
0x15c: {  	p0 =	sne.s32 s1, $0x0;
	_ =	strace $0x90000047  }
0x15d: {  	s0 =	sadd.s32 @!p0 $0x100000, s0;
	[bflag:$0x2] =	sbarrier.arrive $0xFFFF  }
0x15e: {  	[sflag:s0] =	ssyncadd.tile.s32 @!p0 $0x1;
	_ =	shalt  }
.Lfunc_end2:
_tile_overlayer_lowered:
.L_overlay_start_2:
0x15f: {  	(tag) =	ssettag $0x2  }
0x160: {  	s0 =	rddreg [dreg:$0x0];
	s2 =	stileid.u32  }
0x161: {  	s1 =	rddreg [dreg:$0x1];
	p0 =	sne.s32 s2, $0x0  }
0x162: {  	s3 =	rddreg [dreg:$0x2];
	[bflag:$0x3] =	sbarrier.arrive $0xFFFF;
	s2 =	simm.s32 @!p0 $0x1C03  }
0x163: {  	[timem:s3], [sflag:s2] =	dma.local @!p0 [hbm:s0], s1  }
0x164: {  	s0 =	simm.s32 @!p0 $0x3  }
0x165: {  	_ =	swait.ge @!p0 [sflag:s0], s1  }
0x166: {  	s1 =	ssub.s32 @!p0 $0x0, s1;
	[sflag:s0] =	ssyncset.done @!p0 $0x0  }
0x167: {  	[sflag:s0] =	ssyncadd.s32 @!p0 s1  }
0x168: {  	[bflag:$0x3] =	sbarrier.arrive $0xFFFF  }
0x169: {  	_ =	shalt  }

</sc_bundles>
